<compile_context>
chip_gen: v7x
topology: tpu7x:2x2x1
jax: 0.10.2.dev20260603
libtpu: 0.0.44.dev20260713+nightly
codegen_flags: <defaults>
</compile_context>

<pallas_src>
import functools

import jax
import jax.numpy as jnp
from jax import lax
from jax.experimental import pallas as pl
from jax.experimental.pallas import tpu as pltpu
from jax.experimental.pallas import tpu_sc as plsc

NUM_LEVELS = 201
LOW = -100.0
HIGH = 100.0
B, T, C, D = 1024, 20, 26, 64
N = 4
NWIN = T - (N - 1)

NC, NS = 2, 16
NW = NC * NS
NCHUNK = 2
L16 = 16
R = C * NUM_LEVELS
W = D // 4


def _prologue(level_weight_t, channels_weight):

    def body(lwt_ref, cw_ref, tab_ref):
        prod = lwt_ref[...][None, :, :] * cw_ref[...][:, :, None]
        b = (prod + 1.0).astype(jnp.int32)
        packed = (
            b[:, 0:16, :]
            + (b[:, 16:32, :] << 8)
            + (b[:, 32:48, :] << 16)
            + (b[:, 48:64, :] << 24)
        )
        tab_ref[...] = packed

    return pl.pallas_call(
        body,
        out_shape=jax.ShapeDtypeStruct((C, W, NUM_LEVELS), jnp.int32),
    )(level_weight_t, channels_weight)


def _sc_encode(idx, tab):
    mesh = plsc.VectorSubcoreMesh(core_axis_name="c", subcore_axis_name="s")

    @functools.partial(
        pl.kernel,
        mesh=mesh,
        compiler_params=pltpu.CompilerParams(needs_layout_passes=False),
        out_type=jax.ShapeDtypeStruct((B * D,), jnp.float32),
        scratch_types=[
            pltpu.VMEM((R * W,), jnp.int32),
            pltpu.VMEM((T * C * L16,), jnp.int32),
            pltpu.VMEM((T * D * L16,), jnp.float32),
            pltpu.VMEM((L16 * D,), jnp.float32),
        ],
    )
    def k(idx_hbm, tab_hbm, out_hbm, tab_v, idx_v, s_v, outb_v):
        wid = lax.axis_index("s") * NC + lax.axis_index("c")
        pltpu.sync_copy(tab_hbm, tab_v)

        zero_i = jnp.zeros((L16,), jnp.int32)
        zero_f = jnp.zeros((L16,), jnp.float32)
        iota = lax.iota(jnp.int32, L16)
        iota_tc = iota * (T * C)

        nchunk_len = T * C * L16
        for ch in range(NCHUNK):
            pltpu.sync_copy(
                idx_hbm.at[
                    pl.ds((wid * NCHUNK + ch) * nchunk_len, nchunk_len)
                ],
                idx_v,
            )

            def t_body(t, _):
                bases = [
                    plsc.load_gather(idx_v, [iota_tc + (t * C + c)])
                    for c in range(C)
                ]

                def w_body(w, _):
                    woff = w * NUM_LEVELS
                    vals = [
                        plsc.load_gather(tab_v, [bases[c] + woff])
                        for c in range(C)
                    ]
                    while len(vals) > 1:
                        vals = [
                            vals[i] + vals[i + 1]
                            for i in range(0, len(vals) - 1, 2)
                        ] + ([vals[-1]] if len(vals) % 2 else [])
                    acc = vals[0]
                    for kk in range(4):
                        v = ((acc >> (8 * kk)) & 255) - C
                        s_v[pl.ds((t * D + 16 * kk + w) * L16, L16)] = (
                            v.astype(jnp.float32)
                        )
                    return 0

                lax.fori_loop(0, W, w_body, 0)
                return 0

            lax.fori_loop(0, T, t_body, 0)

            def d_body(d, _):
                j3 = (d + (D - 3)) & (D - 1)
                j2 = (d + (D - 2)) & (D - 1)
                j1 = (d + (D - 1)) & (D - 1)

                prods = []
                for t0 in range(NWIN):
                    p = s_v[pl.ds((t0 * D + j3) * L16, L16)]
                    p = p * s_v[pl.ds(((t0 + 1) * D + j2) * L16, L16)]
                    p = p * s_v[pl.ds(((t0 + 2) * D + j1) * L16, L16)]
                    p = p * s_v[pl.ds(((t0 + 3) * D + d) * L16, L16)]
                    prods.append(p)
                while len(prods) > 1:
                    prods = [
                        prods[i] + prods[i + 1]
                        for i in range(0, len(prods) - 1, 2)
                    ] + ([prods[-1]] if len(prods) % 2 else [])
                hv = prods[0]
                o = jnp.where(hv > 0.0, 1.0, -1.0)
                plsc.store_scatter(outb_v, [iota * D + d], o)
                return 0

            lax.fori_loop(0, D, d_body, 0)
            pltpu.sync_copy(
                outb_v,
                out_hbm.at[pl.ds((wid * NCHUNK + ch) * L16 * D, L16 * D)],
            )

    return k(idx, tab)


def kernel(input, level_weight, channels_weight):
    scaled = ((input - LOW) / (HIGH - LOW)) * (NUM_LEVELS - 1)
    lidx = jnp.clip(jnp.round(scaled), 0, NUM_LEVELS - 1).astype(jnp.int32)
    cid = lax.broadcasted_iota(jnp.int32, (B, T, C), 2)
    flatidx = cid * (W * NUM_LEVELS) + lidx
    idx = flatidx.reshape(NW * NCHUNK * T * C * L16)
    tab = _prologue(level_weight.T, channels_weight).reshape(R * W)
    return _sc_encode(idx, tab).reshape(B, D)

# --- scband reference (transcript-rebuilt; emitter-appended) ---
"""Pipeline reference for scband-encoder-48103633715287 (READ-ONLY COPY).

The authoritative reference and input builder live on the scoring server;
editing this copy changes nothing except your own understanding.
"""

import jax, jax.numpy as jnp
import numpy as np

NUM_LEVELS = 201
N_GRAM_SIZE = 4
LOW = -100.0
HIGH = 100.0
B, T, C, D = 1024, 20, 26, 64


def setup_inputs(seed: int = 0) -> dict:
    key = jax.random.key(seed)
    k1, k2, k3 = jax.random.split(key, 3)
    inp = jax.random.normal(k1, (B, T, C), dtype=jnp.float32)
    # Learned tables: torchhd Random / Level embeddings are bipolar {-1,+1} MAP hypervectors
    level_weight = jnp.where(jax.random.uniform(k2, (NUM_LEVELS, D)) > 0.5, 1.0, -1.0).astype(jnp.float32)
    channels_weight = jnp.where(jax.random.uniform(k3, (C, D)) > 0.5, 1.0, -1.0).astype(jnp.float32)
    return {"input": inp, "level_weight": level_weight, "channels_weight": channels_weight}


def _permute(x, shifts):
    # torchhd.permute = circular shift along hypervector dim
    return jnp.roll(x, shifts, axis=-1)


def reference(input, level_weight, channels_weight):
    # Level embedding: map continuous value in [LOW, HIGH] to one of NUM_LEVELS indices, then gather
    scaled = (input - LOW) / (HIGH - LOW) * (NUM_LEVELS - 1)
    idx = jnp.clip(jnp.round(scaled), 0, NUM_LEVELS - 1).astype(jnp.int32)
    idx = jax.lax.stop_gradient(idx)
    signal = jnp.take(level_weight, idx, axis=0)  # [B, T, C, D]
    # bind with per-channel random hypervectors (elementwise multiply)
    samples = signal * channels_weight[None, None, :, :]  # [B, T, C, D]
    # multiset: sum over channel dim
    samples = jnp.sum(samples, axis=-2)  # [B, T, D]
    # ngrams(n=4): bind permuted shifted windows, then multiset over windows
    n = N_GRAM_SIZE
    Tdim = samples.shape[-2]
    n_gram = _permute(samples[..., : Tdim - (n - 1), :], n - 1)
    for i in range(1, n):
        stop = Tdim if i == n - 1 else Tdim - (n - 1 - i)
        sample = _permute(samples[..., i:stop, :], n - 1 - i)
        n_gram = n_gram * sample
    sample_hv = jnp.sum(n_gram, axis=-2)  # [B, D]
    # hard_quantize -> {-1, +1}
    return jnp.where(sample_hv > 0, 1.0, -1.0)

if __name__ == "__main__":
    import jax
    _d = setup_inputs()
    print(jax.jit(kernel)(*tuple(_d.values())))

</pallas_src>

<mosaic_0001>
#map = affine_map<(d0, d1) -> (0)>
module attributes {stable_mosaic.version = 14 : i64} {
  func.func @k(%arg0: i32, %arg1: i32, %arg2: memref<532480xi32, #tpu.memory_space<hbm>>, %arg3: memref<83616xi32, #tpu.memory_space<hbm>>, %arg4: memref<65536xf32, #tpu.memory_space<hbm>>, %arg5: memref<83616xi32, #tpu.memory_space<vmem>>, %arg6: memref<8320xi32, #tpu.memory_space<vmem>>, %arg7: memref<20480xf32, #tpu.memory_space<vmem>>, %arg8: memref<1024xf32, #tpu.memory_space<vmem>>) attributes {dimension_semantics = [#tpu.dimension_semantics<core_parallel>, #tpu.dimension_semantics<subcore_parallel>], iteration_bounds = array<i64: 2, 16>, scalar_prefetch = 0 : i64, scratch_operands = 4 : i64, tpu.core_type = #tpu.core_type<sc_vector_subcore>, window_params = [{transform_indices = #map}, {transform_indices = #map}, {transform_indices = #map}]} {
    %mul3A = arith.constant 2 : i32
    %mul3A_0 = arith.muli %arg1, %mul3A : i32
    %add3A = arith.addi %mul3A_0, %arg0 : i32
    "tpu.region"() ({
      %run_scoped3A = tpu.sem_alloc : memref<!tpu.dma_semaphore, #tpu.memory_space<semaphore_mem>>
      tpu.enqueue_dma source(%arg3 : memref<83616xi32, #tpu.memory_space<hbm>>) target(%arg5 : memref<83616xi32, #tpu.memory_space<vmem>>) target_semaphore(%run_scoped3A : memref<!tpu.dma_semaphore, #tpu.memory_space<semaphore_mem>>)
      tpu.wait_dma2 semaphore(%run_scoped3A : memref<!tpu.dma_semaphore, #tpu.memory_space<semaphore_mem>>) src(%arg3 : memref<83616xi32, #tpu.memory_space<hbm>>) dst(%arg5 : memref<83616xi32, #tpu.memory_space<vmem>>)
      tpu.yield
    }) : () -> ()
    %broadcast_in_dim3A = arith.constant 0 : i32
    %broadcast_in_dim3A_1 = vector.broadcast %broadcast_in_dim3A : i32 to vector<16xi32>
    %broadcast_in_dim3A_2 = arith.constant 0.000000e+00 : f32
    %broadcast_in_dim3A_3 = vector.broadcast %broadcast_in_dim3A_2 : f32 to vector<16xf32>
    %iota3A = tpu.iota {dimensions = array<i32: 0>} : vector<16xi32>
    %mul3A_4 = arith.constant 520 : i32
    %mul3A_5 = vector.broadcast %mul3A_4 : i32 to vector<16xi32>
    %mul3A_6 = arith.muli %iota3A, %mul3A_5 : vector<16xi32>
    %mul3A_7 = arith.constant 2 : i32
    %mul3A_8 = arith.muli %add3A, %mul3A_7 : i32
    %add3A_9 = arith.constant 0 : i32
    %add3A_10 = arith.addi %mul3A_8, %add3A_9 : i32
    %mul3A_11 = arith.constant 8320 : i32
    %mul3A_12 = arith.muli %add3A_10, %mul3A_11 : i32
    "tpu.region"() ({
      %run_scoped3A = tpu.sem_alloc : memref<!tpu.dma_semaphore, #tpu.memory_space<semaphore_mem>>
      %dma_start3A = tpu.memref_slice %arg2[%mul3A_12] : memref<532480xi32, #tpu.memory_space<hbm>> -> memref<8320xi32, #tpu.memory_space<hbm>>
      %dma_start3A_62 = tpu.memref_slice %arg2[%mul3A_12] : memref<532480xi32, #tpu.memory_space<hbm>> -> memref<8320xi32, #tpu.memory_space<hbm>>
      tpu.enqueue_dma source(%dma_start3A_62 : memref<8320xi32, #tpu.memory_space<hbm>>) target(%arg6 : memref<8320xi32, #tpu.memory_space<vmem>>) target_semaphore(%run_scoped3A : memref<!tpu.dma_semaphore, #tpu.memory_space<semaphore_mem>>)
      %dma_wait3A = tpu.memref_slice %arg2[%mul3A_12] : memref<532480xi32, #tpu.memory_space<hbm>> -> memref<8320xi32, #tpu.memory_space<hbm>>
      %dma_wait3A_63 = tpu.memref_slice %arg2[%mul3A_12] : memref<532480xi32, #tpu.memory_space<hbm>> -> memref<8320xi32, #tpu.memory_space<hbm>>
      tpu.wait_dma2 semaphore(%run_scoped3A : memref<!tpu.dma_semaphore, #tpu.memory_space<semaphore_mem>>) src(%dma_wait3A_63 : memref<8320xi32, #tpu.memory_space<hbm>>) dst(%arg6 : memref<8320xi32, #tpu.memory_space<vmem>>)
      tpu.yield
    }) : () -> ()
    %scan3A = arith.constant 0 : i32
    %scan3A_13 = arith.constant 0 : i32
    %scan3A_14 = arith.constant 20 : i32
    %scan3A_15 = arith.addi %scan3A_13, %scan3A_14 : i32
    %scan3A_16 = arith.constant 1 : i32
    %scan3A_17 = scf.for %scan3A_62 = %scan3A_13 to %scan3A_15 step %scan3A_16 iter_args(%scan3A_63 = %scan3A) -> (i32)  : i32 {
      %mul3A_64 = arith.constant 26 : i32
      %mul3A_65 = arith.muli %scan3A_62, %mul3A_64 : i32
      %add3A_66 = arith.constant 0 : i32
      %add3A_67 = arith.addi %mul3A_65, %add3A_66 : i32
      %add3A_68 = vector.broadcast %add3A_67 : i32 to vector<16xi32>
      %add3A_69 = arith.addi %mul3A_6, %add3A_68 : vector<16xi32>
      %gather3A = tpu.vector_load_idx %arg6[%add3A_69] : memref<8320xi32, #tpu.memory_space<vmem>>[vector<16xi32>], vector<16xi32>,
      %mul3A_70 = arith.constant 26 : i32
      %mul3A_71 = arith.muli %scan3A_62, %mul3A_70 : i32
      %add3A_72 = arith.constant 1 : i32
      %add3A_73 = arith.addi %mul3A_71, %add3A_72 : i32
      %add3A_74 = vector.broadcast %add3A_73 : i32 to vector<16xi32>
      %add3A_75 = arith.addi %mul3A_6, %add3A_74 : vector<16xi32>
      %gather3A_76 = tpu.vector_load_idx %arg6[%add3A_75] : memref<8320xi32, #tpu.memory_space<vmem>>[vector<16xi32>], vector<16xi32>,
      %mul3A_77 = arith.constant 26 : i32
      %mul3A_78 = arith.muli %scan3A_62, %mul3A_77 : i32
      %add3A_79 = arith.constant 2 : i32
      %add3A_80 = arith.addi %mul3A_78, %add3A_79 : i32
      %add3A_81 = vector.broadcast %add3A_80 : i32 to vector<16xi32>
      %add3A_82 = arith.addi %mul3A_6, %add3A_81 : vector<16xi32>
      %gather3A_83 = tpu.vector_load_idx %arg6[%add3A_82] : memref<8320xi32, #tpu.memory_space<vmem>>[vector<16xi32>], vector<16xi32>,
      %mul3A_84 = arith.constant 26 : i32
      %mul3A_85 = arith.muli %scan3A_62, %mul3A_84 : i32
      %add3A_86 = arith.constant 3 : i32
      %add3A_87 = arith.addi %mul3A_85, %add3A_86 : i32
      %add3A_88 = vector.broadcast %add3A_87 : i32 to vector<16xi32>
      %add3A_89 = arith.addi %mul3A_6, %add3A_88 : vector<16xi32>
      %gather3A_90 = tpu.vector_load_idx %arg6[%add3A_89] : memref<8320xi32, #tpu.memory_space<vmem>>[vector<16xi32>], vector<16xi32>,
      %mul3A_91 = arith.constant 26 : i32
      %mul3A_92 = arith.muli %scan3A_62, %mul3A_91 : i32
      %add3A_93 = arith.constant 4 : i32
      %add3A_94 = arith.addi %mul3A_92, %add3A_93 : i32
      %add3A_95 = vector.broadcast %add3A_94 : i32 to vector<16xi32>
      %add3A_96 = arith.addi %mul3A_6, %add3A_95 : vector<16xi32>
      %gather3A_97 = tpu.vector_load_idx %arg6[%add3A_96] : memref<8320xi32, #tpu.memory_space<vmem>>[vector<16xi32>], vector<16xi32>,
      %mul3A_98 = arith.constant 26 : i32
      %mul3A_99 = arith.muli %scan3A_62, %mul3A_98 : i32
      %add3A_100 = arith.constant 5 : i32
      %add3A_101 = arith.addi %mul3A_99, %add3A_100 : i32
      %add3A_102 = vector.broadcast %add3A_101 : i32 to vector<16xi32>
      %add3A_103 = arith.addi %mul3A_6, %add3A_102 : vector<16xi32>
      %gather3A_104 = tpu.vector_load_idx %arg6[%add3A_103] : memref<8320xi32, #tpu.memory_space<vmem>>[vector<16xi32>], vector<16xi32>,
      %mul3A_105 = arith.constant 26 : i32
      %mul3A_106 = arith.muli %scan3A_62, %mul3A_105 : i32
      %add3A_107 = arith.constant 6 : i32
      %add3A_108 = arith.addi %mul3A_106, %add3A_107 : i32
      %add3A_109 = vector.broadcast %add3A_108 : i32 to vector<16xi32>
      %add3A_110 = arith.addi %mul3A_6, %add3A_109 : vector<16xi32>
      %gather3A_111 = tpu.vector_load_idx %arg6[%add3A_110] : memref<8320xi32, #tpu.memory_space<vmem>>[vector<16xi32>], vector<16xi32>,
      %mul3A_112 = arith.constant 26 : i32
      %mul3A_113 = arith.muli %scan3A_62, %mul3A_112 : i32
      %add3A_114 = arith.constant 7 : i32
      %add3A_115 = arith.addi %mul3A_113, %add3A_114 : i32
      %add3A_116 = vector.broadcast %add3A_115 : i32 to vector<16xi32>
      %add3A_117 = arith.addi %mul3A_6, %add3A_116 : vector<16xi32>
      %gather3A_118 = tpu.vector_load_idx %arg6[%add3A_117] : memref<8320xi32, #tpu.memory_space<vmem>>[vector<16xi32>], vector<16xi32>,
      %mul3A_119 = arith.constant 26 : i32
      %mul3A_120 = arith.muli %scan3A_62, %mul3A_119 : i32
      %add3A_121 = arith.constant 8 : i32
      %add3A_122 = arith.addi %mul3A_120, %add3A_121 : i32
      %add3A_123 = vector.broadcast %add3A_122 : i32 to vector<16xi32>
      %add3A_124 = arith.addi %mul3A_6, %add3A_123 : vector<16xi32>
      %gather3A_125 = tpu.vector_load_idx %arg6[%add3A_124] : memref<8320xi32, #tpu.memory_space<vmem>>[vector<16xi32>], vector<16xi32>,
      %mul3A_126 = arith.constant 26 : i32
      %mul3A_127 = arith.muli %scan3A_62, %mul3A_126 : i32
      %add3A_128 = arith.constant 9 : i32
      %add3A_129 = arith.addi %mul3A_127, %add3A_128 : i32
      %add3A_130 = vector.broadcast %add3A_129 : i32 to vector<16xi32>
      %add3A_131 = arith.addi %mul3A_6, %add3A_130 : vector<16xi32>
      %gather3A_132 = tpu.vector_load_idx %arg6[%add3A_131] : memref<8320xi32, #tpu.memory_space<vmem>>[vector<16xi32>], vector<16xi32>,
      %mul3A_133 = arith.constant 26 : i32
      %mul3A_134 = arith.muli %scan3A_62, %mul3A_133 : i32
      %add3A_135 = arith.constant 10 : i32
      %add3A_136 = arith.addi %mul3A_134, %add3A_135 : i32
      %add3A_137 = vector.broadcast %add3A_136 : i32 to vector<16xi32>
      %add3A_138 = arith.addi %mul3A_6, %add3A_137 : vector<16xi32>
      %gather3A_139 = tpu.vector_load_idx %arg6[%add3A_138] : memref<8320xi32, #tpu.memory_space<vmem>>[vector<16xi32>], vector<16xi32>,
      %mul3A_140 = arith.constant 26 : i32
      %mul3A_141 = arith.muli %scan3A_62, %mul3A_140 : i32
      %add3A_142 = arith.constant 11 : i32
      %add3A_143 = arith.addi %mul3A_141, %add3A_142 : i32
      %add3A_144 = vector.broadcast %add3A_143 : i32 to vector<16xi32>
      %add3A_145 = arith.addi %mul3A_6, %add3A_144 : vector<16xi32>
      %gather3A_146 = tpu.vector_load_idx %arg6[%add3A_145] : memref<8320xi32, #tpu.memory_space<vmem>>[vector<16xi32>], vector<16xi32>,
      %mul3A_147 = arith.constant 26 : i32
      %mul3A_148 = arith.muli %scan3A_62, %mul3A_147 : i32
      %add3A_149 = arith.constant 12 : i32
      %add3A_150 = arith.addi %mul3A_148, %add3A_149 : i32
      %add3A_151 = vector.broadcast %add3A_150 : i32 to vector<16xi32>
      %add3A_152 = arith.addi %mul3A_6, %add3A_151 : vector<16xi32>
      %gather3A_153 = tpu.vector_load_idx %arg6[%add3A_152] : memref<8320xi32, #tpu.memory_space<vmem>>[vector<16xi32>], vector<16xi32>,
      %mul3A_154 = arith.constant 26 : i32
      %mul3A_155 = arith.muli %scan3A_62, %mul3A_154 : i32
      %add3A_156 = arith.constant 13 : i32
      %add3A_157 = arith.addi %mul3A_155, %add3A_156 : i32
      %add3A_158 = vector.broadcast %add3A_157 : i32 to vector<16xi32>
      %add3A_159 = arith.addi %mul3A_6, %add3A_158 : vector<16xi32>
      %gather3A_160 = tpu.vector_load_idx %arg6[%add3A_159] : memref<8320xi32, #tpu.memory_space<vmem>>[vector<16xi32>], vector<16xi32>,
      %mul3A_161 = arith.constant 26 : i32
      %mul3A_162 = arith.muli %scan3A_62, %mul3A_161 : i32
      %add3A_163 = arith.constant 14 : i32
      %add3A_164 = arith.addi %mul3A_162, %add3A_163 : i32
      %add3A_165 = vector.broadcast %add3A_164 : i32 to vector<16xi32>
      %add3A_166 = arith.addi %mul3A_6, %add3A_165 : vector<16xi32>
      %gather3A_167 = tpu.vector_load_idx %arg6[%add3A_166] : memref<8320xi32, #tpu.memory_space<vmem>>[vector<16xi32>], vector<16xi32>,
      %mul3A_168 = arith.constant 26 : i32
      %mul3A_169 = arith.muli %scan3A_62, %mul3A_168 : i32
      %add3A_170 = arith.constant 15 : i32
      %add3A_171 = arith.addi %mul3A_169, %add3A_170 : i32
      %add3A_172 = vector.broadcast %add3A_171 : i32 to vector<16xi32>
      %add3A_173 = arith.addi %mul3A_6, %add3A_172 : vector<16xi32>
      %gather3A_174 = tpu.vector_load_idx %arg6[%add3A_173] : memref<8320xi32, #tpu.memory_space<vmem>>[vector<16xi32>], vector<16xi32>,
      %mul3A_175 = arith.constant 26 : i32
      %mul3A_176 = arith.muli %scan3A_62, %mul3A_175 : i32
      %add3A_177 = arith.constant 16 : i32
      %add3A_178 = arith.addi %mul3A_176, %add3A_177 : i32
      %add3A_179 = vector.broadcast %add3A_178 : i32 to vector<16xi32>
      %add3A_180 = arith.addi %mul3A_6, %add3A_179 : vector<16xi32>
      %gather3A_181 = tpu.vector_load_idx %arg6[%add3A_180] : memref<8320xi32, #tpu.memory_space<vmem>>[vector<16xi32>], vector<16xi32>,
      %mul3A_182 = arith.constant 26 : i32
      %mul3A_183 = arith.muli %scan3A_62, %mul3A_182 : i32
      %add3A_184 = arith.constant 17 : i32
      %add3A_185 = arith.addi %mul3A_183, %add3A_184 : i32
      %add3A_186 = vector.broadcast %add3A_185 : i32 to vector<16xi32>
      %add3A_187 = arith.addi %mul3A_6, %add3A_186 : vector<16xi32>
      %gather3A_188 = tpu.vector_load_idx %arg6[%add3A_187] : memref<8320xi32, #tpu.memory_space<vmem>>[vector<16xi32>], vector<16xi32>,
      %mul3A_189 = arith.constant 26 : i32
      %mul3A_190 = arith.muli %scan3A_62, %mul3A_189 : i32
      %add3A_191 = arith.constant 18 : i32
      %add3A_192 = arith.addi %mul3A_190, %add3A_191 : i32
      %add3A_193 = vector.broadcast %add3A_192 : i32 to vector<16xi32>
      %add3A_194 = arith.addi %mul3A_6, %add3A_193 : vector<16xi32>
      %gather3A_195 = tpu.vector_load_idx %arg6[%add3A_194] : memref<8320xi32, #tpu.memory_space<vmem>>[vector<16xi32>], vector<16xi32>,
      %mul3A_196 = arith.constant 26 : i32
      %mul3A_197 = arith.muli %scan3A_62, %mul3A_196 : i32
      %add3A_198 = arith.constant 19 : i32
      %add3A_199 = arith.addi %mul3A_197, %add3A_198 : i32
      %add3A_200 = vector.broadcast %add3A_199 : i32 to vector<16xi32>
      %add3A_201 = arith.addi %mul3A_6, %add3A_200 : vector<16xi32>
      %gather3A_202 = tpu.vector_load_idx %arg6[%add3A_201] : memref<8320xi32, #tpu.memory_space<vmem>>[vector<16xi32>], vector<16xi32>,
      %mul3A_203 = arith.constant 26 : i32
      %mul3A_204 = arith.muli %scan3A_62, %mul3A_203 : i32
      %add3A_205 = arith.constant 20 : i32
      %add3A_206 = arith.addi %mul3A_204, %add3A_205 : i32
      %add3A_207 = vector.broadcast %add3A_206 : i32 to vector<16xi32>
      %add3A_208 = arith.addi %mul3A_6, %add3A_207 : vector<16xi32>
      %gather3A_209 = tpu.vector_load_idx %arg6[%add3A_208] : memref<8320xi32, #tpu.memory_space<vmem>>[vector<16xi32>], vector<16xi32>,
      %mul3A_210 = arith.constant 26 : i32
      %mul3A_211 = arith.muli %scan3A_62, %mul3A_210 : i32
      %add3A_212 = arith.constant 21 : i32
      %add3A_213 = arith.addi %mul3A_211, %add3A_212 : i32
      %add3A_214 = vector.broadcast %add3A_213 : i32 to vector<16xi32>
      %add3A_215 = arith.addi %mul3A_6, %add3A_214 : vector<16xi32>
      %gather3A_216 = tpu.vector_load_idx %arg6[%add3A_215] : memref<8320xi32, #tpu.memory_space<vmem>>[vector<16xi32>], vector<16xi32>,
      %mul3A_217 = arith.constant 26 : i32
      %mul3A_218 = arith.muli %scan3A_62, %mul3A_217 : i32
      %add3A_219 = arith.constant 22 : i32
      %add3A_220 = arith.addi %mul3A_218, %add3A_219 : i32
      %add3A_221 = vector.broadcast %add3A_220 : i32 to vector<16xi32>
      %add3A_222 = arith.addi %mul3A_6, %add3A_221 : vector<16xi32>
      %gather3A_223 = tpu.vector_load_idx %arg6[%add3A_222] : memref<8320xi32, #tpu.memory_space<vmem>>[vector<16xi32>], vector<16xi32>,
      %mul3A_224 = arith.constant 26 : i32
      %mul3A_225 = arith.muli %scan3A_62, %mul3A_224 : i32
      %add3A_226 = arith.constant 23 : i32
      %add3A_227 = arith.addi %mul3A_225, %add3A_226 : i32
      %add3A_228 = vector.broadcast %add3A_227 : i32 to vector<16xi32>
      %add3A_229 = arith.addi %mul3A_6, %add3A_228 : vector<16xi32>
      %gather3A_230 = tpu.vector_load_idx %arg6[%add3A_229] : memref<8320xi32, #tpu.memory_space<vmem>>[vector<16xi32>], vector<16xi32>,
      %mul3A_231 = arith.constant 26 : i32
      %mul3A_232 = arith.muli %scan3A_62, %mul3A_231 : i32
      %add3A_233 = arith.constant 24 : i32
      %add3A_234 = arith.addi %mul3A_232, %add3A_233 : i32
      %add3A_235 = vector.broadcast %add3A_234 : i32 to vector<16xi32>
      %add3A_236 = arith.addi %mul3A_6, %add3A_235 : vector<16xi32>
      %gather3A_237 = tpu.vector_load_idx %arg6[%add3A_236] : memref<8320xi32, #tpu.memory_space<vmem>>[vector<16xi32>], vector<16xi32>,
      %mul3A_238 = arith.constant 26 : i32
      %mul3A_239 = arith.muli %scan3A_62, %mul3A_238 : i32
      %add3A_240 = arith.constant 25 : i32
      %add3A_241 = arith.addi %mul3A_239, %add3A_240 : i32
      %add3A_242 = vector.broadcast %add3A_241 : i32 to vector<16xi32>
      %add3A_243 = arith.addi %mul3A_6, %add3A_242 : vector<16xi32>
      %gather3A_244 = tpu.vector_load_idx %arg6[%add3A_243] : memref<8320xi32, #tpu.memory_space<vmem>>[vector<16xi32>], vector<16xi32>,
      %scan3A_245 = arith.constant 0 : i32
      %scan3A_246 = arith.constant 0 : i32
      %scan3A_247 = arith.constant 16 : i32
      %scan3A_248 = arith.addi %scan3A_246, %scan3A_247 : i32
      %scan3A_249 = arith.constant 1 : i32
      %scan3A_250 = scf.for %scan3A_253 = %scan3A_246 to %scan3A_248 step %scan3A_249 iter_args(%scan3A_254 = %scan3A_245) -> (i32)  : i32 {
        %mul3A_255 = arith.constant 201 : i32
        %mul3A_256 = arith.muli %scan3A_253, %mul3A_255 : i32
        %add3A_257 = vector.broadcast %mul3A_256 : i32 to vector<16xi32>
        %add3A_258 = arith.addi %gather3A, %add3A_257 : vector<16xi32>
        %gather3A_259 = tpu.vector_load_idx %arg5[%add3A_258] : memref<83616xi32, #tpu.memory_space<vmem>>[vector<16xi32>], vector<16xi32>,
        %add3A_260 = vector.broadcast %mul3A_256 : i32 to vector<16xi32>
        %add3A_261 = arith.addi %gather3A_76, %add3A_260 : vector<16xi32>
        %gather3A_262 = tpu.vector_load_idx %arg5[%add3A_261] : memref<83616xi32, #tpu.memory_space<vmem>>[vector<16xi32>], vector<16xi32>,
        %add3A_263 = vector.broadcast %mul3A_256 : i32 to vector<16xi32>
        %add3A_264 = arith.addi %gather3A_83, %add3A_263 : vector<16xi32>
        %gather3A_265 = tpu.vector_load_idx %arg5[%add3A_264] : memref<83616xi32, #tpu.memory_space<vmem>>[vector<16xi32>], vector<16xi32>,
        %add3A_266 = vector.broadcast %mul3A_256 : i32 to vector<16xi32>
        %add3A_267 = arith.addi %gather3A_90, %add3A_266 : vector<16xi32>
        %gather3A_268 = tpu.vector_load_idx %arg5[%add3A_267] : memref<83616xi32, #tpu.memory_space<vmem>>[vector<16xi32>], vector<16xi32>,
        %add3A_269 = vector.broadcast %mul3A_256 : i32 to vector<16xi32>
        %add3A_270 = arith.addi %gather3A_97, %add3A_269 : vector<16xi32>
        %gather3A_271 = tpu.vector_load_idx %arg5[%add3A_270] : memref<83616xi32, #tpu.memory_space<vmem>>[vector<16xi32>], vector<16xi32>,
        %add3A_272 = vector.broadcast %mul3A_256 : i32 to vector<16xi32>
        %add3A_273 = arith.addi %gather3A_104, %add3A_272 : vector<16xi32>
        %gather3A_274 = tpu.vector_load_idx %arg5[%add3A_273] : memref<83616xi32, #tpu.memory_space<vmem>>[vector<16xi32>], vector<16xi32>,
        %add3A_275 = vector.broadcast %mul3A_256 : i32 to vector<16xi32>
        %add3A_276 = arith.addi %gather3A_111, %add3A_275 : vector<16xi32>
        %gather3A_277 = tpu.vector_load_idx %arg5[%add3A_276] : memref<83616xi32, #tpu.memory_space<vmem>>[vector<16xi32>], vector<16xi32>,
        %add3A_278 = vector.broadcast %mul3A_256 : i32 to vector<16xi32>
        %add3A_279 = arith.addi %gather3A_118, %add3A_278 : vector<16xi32>
        %gather3A_280 = tpu.vector_load_idx %arg5[%add3A_279] : memref<83616xi32, #tpu.memory_space<vmem>>[vector<16xi32>], vector<16xi32>,
        %add3A_281 = vector.broadcast %mul3A_256 : i32 to vector<16xi32>
        %add3A_282 = arith.addi %gather3A_125, %add3A_281 : vector<16xi32>
        %gather3A_283 = tpu.vector_load_idx %arg5[%add3A_282] : memref<83616xi32, #tpu.memory_space<vmem>>[vector<16xi32>], vector<16xi32>,
        %add3A_284 = vector.broadcast %mul3A_256 : i32 to vector<16xi32>
        %add3A_285 = arith.addi %gather3A_132, %add3A_284 : vector<16xi32>
        %gather3A_286 = tpu.vector_load_idx %arg5[%add3A_285] : memref<83616xi32, #tpu.memory_space<vmem>>[vector<16xi32>], vector<16xi32>,
        %add3A_287 = vector.broadcast %mul3A_256 : i32 to vector<16xi32>
        %add3A_288 = arith.addi %gather3A_139, %add3A_287 : vector<16xi32>
        %gather3A_289 = tpu.vector_load_idx %arg5[%add3A_288] : memref<83616xi32, #tpu.memory_space<vmem>>[vector<16xi32>], vector<16xi32>,
        %add3A_290 = vector.broadcast %mul3A_256 : i32 to vector<16xi32>
        %add3A_291 = arith.addi %gather3A_146, %add3A_290 : vector<16xi32>
        %gather3A_292 = tpu.vector_load_idx %arg5[%add3A_291] : memref<83616xi32, #tpu.memory_space<vmem>>[vector<16xi32>], vector<16xi32>,
        %add3A_293 = vector.broadcast %mul3A_256 : i32 to vector<16xi32>
        %add3A_294 = arith.addi %gather3A_153, %add3A_293 : vector<16xi32>
        %gather3A_295 = tpu.vector_load_idx %arg5[%add3A_294] : memref<83616xi32, #tpu.memory_space<vmem>>[vector<16xi32>], vector<16xi32>,
        %add3A_296 = vector.broadcast %mul3A_256 : i32 to vector<16xi32>
        %add3A_297 = arith.addi %gather3A_160, %add3A_296 : vector<16xi32>
        %gather3A_298 = tpu.vector_load_idx %arg5[%add3A_297] : memref<83616xi32, #tpu.memory_space<vmem>>[vector<16xi32>], vector<16xi32>,
        %add3A_299 = vector.broadcast %mul3A_256 : i32 to vector<16xi32>
        %add3A_300 = arith.addi %gather3A_167, %add3A_299 : vector<16xi32>
        %gather3A_301 = tpu.vector_load_idx %arg5[%add3A_300] : memref<83616xi32, #tpu.memory_space<vmem>>[vector<16xi32>], vector<16xi32>,
        %add3A_302 = vector.broadcast %mul3A_256 : i32 to vector<16xi32>
        %add3A_303 = arith.addi %gather3A_174, %add3A_302 : vector<16xi32>
        %gather3A_304 = tpu.vector_load_idx %arg5[%add3A_303] : memref<83616xi32, #tpu.memory_space<vmem>>[vector<16xi32>], vector<16xi32>,
        %add3A_305 = vector.broadcast %mul3A_256 : i32 to vector<16xi32>
        %add3A_306 = arith.addi %gather3A_181, %add3A_305 : vector<16xi32>
        %gather3A_307 = tpu.vector_load_idx %arg5[%add3A_306] : memref<83616xi32, #tpu.memory_space<vmem>>[vector<16xi32>], vector<16xi32>,
        %add3A_308 = vector.broadcast %mul3A_256 : i32 to vector<16xi32>
        %add3A_309 = arith.addi %gather3A_188, %add3A_308 : vector<16xi32>
        %gather3A_310 = tpu.vector_load_idx %arg5[%add3A_309] : memref<83616xi32, #tpu.memory_space<vmem>>[vector<16xi32>], vector<16xi32>,
        %add3A_311 = vector.broadcast %mul3A_256 : i32 to vector<16xi32>
        %add3A_312 = arith.addi %gather3A_195, %add3A_311 : vector<16xi32>
        %gather3A_313 = tpu.vector_load_idx %arg5[%add3A_312] : memref<83616xi32, #tpu.memory_space<vmem>>[vector<16xi32>], vector<16xi32>,
        %add3A_314 = vector.broadcast %mul3A_256 : i32 to vector<16xi32>
        %add3A_315 = arith.addi %gather3A_202, %add3A_314 : vector<16xi32>
        %gather3A_316 = tpu.vector_load_idx %arg5[%add3A_315] : memref<83616xi32, #tpu.memory_space<vmem>>[vector<16xi32>], vector<16xi32>,
        %add3A_317 = vector.broadcast %mul3A_256 : i32 to vector<16xi32>
        %add3A_318 = arith.addi %gather3A_209, %add3A_317 : vector<16xi32>
        %gather3A_319 = tpu.vector_load_idx %arg5[%add3A_318] : memref<83616xi32, #tpu.memory_space<vmem>>[vector<16xi32>], vector<16xi32>,
        %add3A_320 = vector.broadcast %mul3A_256 : i32 to vector<16xi32>
        %add3A_321 = arith.addi %gather3A_216, %add3A_320 : vector<16xi32>
        %gather3A_322 = tpu.vector_load_idx %arg5[%add3A_321] : memref<83616xi32, #tpu.memory_space<vmem>>[vector<16xi32>], vector<16xi32>,
        %add3A_323 = vector.broadcast %mul3A_256 : i32 to vector<16xi32>
        %add3A_324 = arith.addi %gather3A_223, %add3A_323 : vector<16xi32>
        %gather3A_325 = tpu.vector_load_idx %arg5[%add3A_324] : memref<83616xi32, #tpu.memory_space<vmem>>[vector<16xi32>], vector<16xi32>,
        %add3A_326 = vector.broadcast %mul3A_256 : i32 to vector<16xi32>
        %add3A_327 = arith.addi %gather3A_230, %add3A_326 : vector<16xi32>
        %gather3A_328 = tpu.vector_load_idx %arg5[%add3A_327] : memref<83616xi32, #tpu.memory_space<vmem>>[vector<16xi32>], vector<16xi32>,
        %add3A_329 = vector.broadcast %mul3A_256 : i32 to vector<16xi32>
        %add3A_330 = arith.addi %gather3A_237, %add3A_329 : vector<16xi32>
        %gather3A_331 = tpu.vector_load_idx %arg5[%add3A_330] : memref<83616xi32, #tpu.memory_space<vmem>>[vector<16xi32>], vector<16xi32>,
        %add3A_332 = vector.broadcast %mul3A_256 : i32 to vector<16xi32>
        %add3A_333 = arith.addi %gather3A_244, %add3A_332 : vector<16xi32>
        %gather3A_334 = tpu.vector_load_idx %arg5[%add3A_333] : memref<83616xi32, #tpu.memory_space<vmem>>[vector<16xi32>], vector<16xi32>,
        %add3A_335 = arith.addi %gather3A_259, %gather3A_262 : vector<16xi32>
        %add3A_336 = arith.addi %gather3A_265, %gather3A_268 : vector<16xi32>
        %add3A_337 = arith.addi %gather3A_271, %gather3A_274 : vector<16xi32>
        %add3A_338 = arith.addi %gather3A_277, %gather3A_280 : vector<16xi32>
        %add3A_339 = arith.addi %gather3A_283, %gather3A_286 : vector<16xi32>
        %add3A_340 = arith.addi %gather3A_289, %gather3A_292 : vector<16xi32>
        %add3A_341 = arith.addi %gather3A_295, %gather3A_298 : vector<16xi32>
        %add3A_342 = arith.addi %gather3A_301, %gather3A_304 : vector<16xi32>
        %add3A_343 = arith.addi %gather3A_307, %gather3A_310 : vector<16xi32>
        %add3A_344 = arith.addi %gather3A_313, %gather3A_316 : vector<16xi32>
        %add3A_345 = arith.addi %gather3A_319, %gather3A_322 : vector<16xi32>
        %add3A_346 = arith.addi %gather3A_325, %gather3A_328 : vector<16xi32>
        %add3A_347 = arith.addi %gather3A_331, %gather3A_334 : vector<16xi32>
        %add3A_348 = arith.addi %add3A_335, %add3A_336 : vector<16xi32>
        %add3A_349 = arith.addi %add3A_337, %add3A_338 : vector<16xi32>
        %add3A_350 = arith.addi %add3A_339, %add3A_340 : vector<16xi32>
        %add3A_351 = arith.addi %add3A_341, %add3A_342 : vector<16xi32>
        %add3A_352 = arith.addi %add3A_343, %add3A_344 : vector<16xi32>
        %add3A_353 = arith.addi %add3A_345, %add3A_346 : vector<16xi32>
        %add3A_354 = arith.addi %add3A_348, %add3A_349 : vector<16xi32>
        %add3A_355 = arith.addi %add3A_350, %add3A_351 : vector<16xi32>
        %add3A_356 = arith.addi %add3A_352, %add3A_353 : vector<16xi32>
        %add3A_357 = arith.addi %add3A_354, %add3A_355 : vector<16xi32>
        %add3A_358 = arith.addi %add3A_356, %add3A_347 : vector<16xi32>
        %add3A_359 = arith.addi %add3A_357, %add3A_358 : vector<16xi32>
        %shift_right_arithmetic3A = arith.constant 0 : i32
        %shift_right_arithmetic3A_360 = vector.broadcast %shift_right_arithmetic3A : i32 to vector<16xi32>
        %shift_right_arithmetic3A_361 = arith.shrsi %add3A_359, %shift_right_arithmetic3A_360 : vector<16xi32>
        %and3A = arith.constant 255 : i32
        %and3A_362 = vector.broadcast %and3A : i32 to vector<16xi32>
        %and3A_363 = arith.andi %shift_right_arithmetic3A_361, %and3A_362 : vector<16xi32>
        %sub3A = arith.constant 26 : i32
        %sub3A_364 = vector.broadcast %sub3A : i32 to vector<16xi32>
        %sub3A_365 = arith.subi %and3A_363, %sub3A_364 : vector<16xi32>
        %convert_element_type3A = arith.sitofp %sub3A_365 : vector<16xi32> to vector<16xf32>
        %mul3A_366 = arith.constant 64 : i32
        %mul3A_367 = arith.muli %scan3A_62, %mul3A_366 : i32
        %add3A_368 = arith.constant 0 : i32
        %add3A_369 = arith.addi %mul3A_367, %add3A_368 : i32
        %add3A_370 = arith.addi %add3A_369, %scan3A_253 : i32
        %mul3A_371 = arith.constant 16 : i32
        %mul3A_372 = arith.muli %add3A_370, %mul3A_371 : i32
        %swap3A = arith.index_cast %mul3A_372 : i32 to index
        %swap3A_373 = tpu.vector_load %arg7[%swap3A] {strides = array<i32>} : memref<20480xf32, #tpu.memory_space<vmem>>, vector<16xf32>,
        tpu.vector_store %arg7[%swap3A], %convert_element_type3A {strides = array<i32>} : memref<20480xf32, #tpu.memory_space<vmem>>, vector<16xf32>,
        %shift_right_arithmetic3A_374 = arith.constant 8 : i32
        %shift_right_arithmetic3A_375 = vector.broadcast %shift_right_arithmetic3A_374 : i32 to vector<16xi32>
        %shift_right_arithmetic3A_376 = arith.shrsi %add3A_359, %shift_right_arithmetic3A_375 : vector<16xi32>
        %and3A_377 = arith.constant 255 : i32
        %and3A_378 = vector.broadcast %and3A_377 : i32 to vector<16xi32>
        %and3A_379 = arith.andi %shift_right_arithmetic3A_376, %and3A_378 : vector<16xi32>
        %sub3A_380 = arith.constant 26 : i32
        %sub3A_381 = vector.broadcast %sub3A_380 : i32 to vector<16xi32>
        %sub3A_382 = arith.subi %and3A_379, %sub3A_381 : vector<16xi32>
        %convert_element_type3A_383 = arith.sitofp %sub3A_382 : vector<16xi32> to vector<16xf32>
        %mul3A_384 = arith.constant 64 : i32
        %mul3A_385 = arith.muli %scan3A_62, %mul3A_384 : i32
        %add3A_386 = arith.constant 16 : i32
        %add3A_387 = arith.addi %mul3A_385, %add3A_386 : i32
        %add3A_388 = arith.addi %add3A_387, %scan3A_253 : i32
        %mul3A_389 = arith.constant 16 : i32
        %mul3A_390 = arith.muli %add3A_388, %mul3A_389 : i32
        %swap3A_391 = arith.index_cast %mul3A_390 : i32 to index
        %swap3A_392 = tpu.vector_load %arg7[%swap3A_391] {strides = array<i32>} : memref<20480xf32, #tpu.memory_space<vmem>>, vector<16xf32>,
        tpu.vector_store %arg7[%swap3A_391], %convert_element_type3A_383 {strides = array<i32>} : memref<20480xf32, #tpu.memory_space<vmem>>, vector<16xf32>,
        %shift_right_arithmetic3A_393 = arith.constant 16 : i32
        %shift_right_arithmetic3A_394 = vector.broadcast %shift_right_arithmetic3A_393 : i32 to vector<16xi32>
        %shift_right_arithmetic3A_395 = arith.shrsi %add3A_359, %shift_right_arithmetic3A_394 : vector<16xi32>
        %and3A_396 = arith.constant 255 : i32
        %and3A_397 = vector.broadcast %and3A_396 : i32 to vector<16xi32>
        %and3A_398 = arith.andi %shift_right_arithmetic3A_395, %and3A_397 : vector<16xi32>
        %sub3A_399 = arith.constant 26 : i32
        %sub3A_400 = vector.broadcast %sub3A_399 : i32 to vector<16xi32>
        %sub3A_401 = arith.subi %and3A_398, %sub3A_400 : vector<16xi32>
        %convert_element_type3A_402 = arith.sitofp %sub3A_401 : vector<16xi32> to vector<16xf32>
        %mul3A_403 = arith.constant 64 : i32
        %mul3A_404 = arith.muli %scan3A_62, %mul3A_403 : i32
        %add3A_405 = arith.constant 32 : i32
        %add3A_406 = arith.addi %mul3A_404, %add3A_405 : i32
        %add3A_407 = arith.addi %add3A_406, %scan3A_253 : i32
        %mul3A_408 = arith.constant 16 : i32
        %mul3A_409 = arith.muli %add3A_407, %mul3A_408 : i32
        %swap3A_410 = arith.index_cast %mul3A_409 : i32 to index
        %swap3A_411 = tpu.vector_load %arg7[%swap3A_410] {strides = array<i32>} : memref<20480xf32, #tpu.memory_space<vmem>>, vector<16xf32>,
        tpu.vector_store %arg7[%swap3A_410], %convert_element_type3A_402 {strides = array<i32>} : memref<20480xf32, #tpu.memory_space<vmem>>, vector<16xf32>,
        %shift_right_arithmetic3A_412 = arith.constant 24 : i32
        %shift_right_arithmetic3A_413 = vector.broadcast %shift_right_arithmetic3A_412 : i32 to vector<16xi32>
        %shift_right_arithmetic3A_414 = arith.shrsi %add3A_359, %shift_right_arithmetic3A_413 : vector<16xi32>
        %and3A_415 = arith.constant 255 : i32
        %and3A_416 = vector.broadcast %and3A_415 : i32 to vector<16xi32>
        %and3A_417 = arith.andi %shift_right_arithmetic3A_414, %and3A_416 : vector<16xi32>
        %sub3A_418 = arith.constant 26 : i32
        %sub3A_419 = vector.broadcast %sub3A_418 : i32 to vector<16xi32>
        %sub3A_420 = arith.subi %and3A_417, %sub3A_419 : vector<16xi32>
        %convert_element_type3A_421 = arith.sitofp %sub3A_420 : vector<16xi32> to vector<16xf32>
        %mul3A_422 = arith.constant 64 : i32
        %mul3A_423 = arith.muli %scan3A_62, %mul3A_422 : i32
        %add3A_424 = arith.constant 48 : i32
        %add3A_425 = arith.addi %mul3A_423, %add3A_424 : i32
        %add3A_426 = arith.addi %add3A_425, %scan3A_253 : i32
        %mul3A_427 = arith.constant 16 : i32
        %mul3A_428 = arith.muli %add3A_426, %mul3A_427 : i32
        %swap3A_429 = arith.index_cast %mul3A_428 : i32 to index
        %swap3A_430 = tpu.vector_load %arg7[%swap3A_429] {strides = array<i32>} : memref<20480xf32, #tpu.memory_space<vmem>>, vector<16xf32>,
        tpu.vector_store %arg7[%swap3A_429], %convert_element_type3A_421 {strides = array<i32>} : memref<20480xf32, #tpu.memory_space<vmem>>, vector<16xf32>,
        %scan3A_431 = arith.constant 0 : i32
        scf.yield %scan3A_431 : i32
      }
      %scan3A_251 = arith.constant 16 : i32
      %scan3A_252 = arith.constant 0 : i32
      scf.yield %scan3A_252 : i32
    }
    %scan3A_18 = arith.constant 20 : i32
    %scan3A_19 = arith.constant 0 : i32
    %scan3A_20 = arith.constant 0 : i32
    %scan3A_21 = arith.constant 64 : i32
    %scan3A_22 = arith.addi %scan3A_20, %scan3A_21 : i32
    %scan3A_23 = arith.constant 1 : i32
    %scan3A_24 = scf.for %scan3A_62 = %scan3A_20 to %scan3A_22 step %scan3A_23 iter_args(%scan3A_63 = %scan3A_19) -> (i32)  : i32 {
      %add3A_64 = arith.constant 61 : i32
      %add3A_65 = arith.addi %scan3A_62, %add3A_64 : i32
      %and3A = arith.constant 63 : i32
      %and3A_66 = arith.andi %add3A_65, %and3A : i32
      %add3A_67 = arith.constant 62 : i32
      %add3A_68 = arith.addi %scan3A_62, %add3A_67 : i32
      %and3A_69 = arith.constant 63 : i32
      %and3A_70 = arith.andi %add3A_68, %and3A_69 : i32
      %add3A_71 = arith.constant 63 : i32
      %add3A_72 = arith.addi %scan3A_62, %add3A_71 : i32
      %and3A_73 = arith.constant 63 : i32
      %and3A_74 = arith.andi %add3A_72, %and3A_73 : i32
      %add3A_75 = arith.constant 0 : i32
      %add3A_76 = arith.addi %add3A_75, %and3A_66 : i32
      %mul3A_77 = arith.constant 16 : i32
      %mul3A_78 = arith.muli %add3A_76, %mul3A_77 : i32
      %get3A = arith.index_cast %mul3A_78 : i32 to index
      %get3A_79 = tpu.vector_load %arg7[%get3A] {strides = array<i32>} : memref<20480xf32, #tpu.memory_space<vmem>>, vector<16xf32>,
      %add3A_80 = arith.constant 64 : i32
      %add3A_81 = arith.addi %add3A_80, %and3A_70 : i32
      %mul3A_82 = arith.constant 16 : i32
      %mul3A_83 = arith.muli %add3A_81, %mul3A_82 : i32
      %get3A_84 = arith.index_cast %mul3A_83 : i32 to index
      %get3A_85 = tpu.vector_load %arg7[%get3A_84] {strides = array<i32>} : memref<20480xf32, #tpu.memory_space<vmem>>, vector<16xf32>,
      %mul3A_86 = arith.mulf %get3A_79, %get3A_85 : vector<16xf32>
      %add3A_87 = arith.constant 128 : i32
      %add3A_88 = arith.addi %add3A_87, %and3A_74 : i32
      %mul3A_89 = arith.constant 16 : i32
      %mul3A_90 = arith.muli %add3A_88, %mul3A_89 : i32
      %get3A_91 = arith.index_cast %mul3A_90 : i32 to index
      %get3A_92 = tpu.vector_load %arg7[%get3A_91] {strides = array<i32>} : memref<20480xf32, #tpu.memory_space<vmem>>, vector<16xf32>,
      %mul3A_93 = arith.mulf %mul3A_86, %get3A_92 : vector<16xf32>
      %add3A_94 = arith.constant 192 : i32
      %add3A_95 = arith.addi %add3A_94, %scan3A_62 : i32
      %mul3A_96 = arith.constant 16 : i32
      %mul3A_97 = arith.muli %add3A_95, %mul3A_96 : i32
      %get3A_98 = arith.index_cast %mul3A_97 : i32 to index
      %get3A_99 = tpu.vector_load %arg7[%get3A_98] {strides = array<i32>} : memref<20480xf32, #tpu.memory_space<vmem>>, vector<16xf32>,
      %mul3A_100 = arith.mulf %mul3A_93, %get3A_99 : vector<16xf32>
      %add3A_101 = arith.constant 64 : i32
      %add3A_102 = arith.addi %add3A_101, %and3A_66 : i32
      %mul3A_103 = arith.constant 16 : i32
      %mul3A_104 = arith.muli %add3A_102, %mul3A_103 : i32
      %get3A_105 = arith.index_cast %mul3A_104 : i32 to index
      %get3A_106 = tpu.vector_load %arg7[%get3A_105] {strides = array<i32>} : memref<20480xf32, #tpu.memory_space<vmem>>, vector<16xf32>,
      %add3A_107 = arith.constant 128 : i32
      %add3A_108 = arith.addi %add3A_107, %and3A_70 : i32
      %mul3A_109 = arith.constant 16 : i32
      %mul3A_110 = arith.muli %add3A_108, %mul3A_109 : i32
      %get3A_111 = arith.index_cast %mul3A_110 : i32 to index
      %get3A_112 = tpu.vector_load %arg7[%get3A_111] {strides = array<i32>} : memref<20480xf32, #tpu.memory_space<vmem>>, vector<16xf32>,
      %mul3A_113 = arith.mulf %get3A_106, %get3A_112 : vector<16xf32>
      %add3A_114 = arith.constant 192 : i32
      %add3A_115 = arith.addi %add3A_114, %and3A_74 : i32
      %mul3A_116 = arith.constant 16 : i32
      %mul3A_117 = arith.muli %add3A_115, %mul3A_116 : i32
      %get3A_118 = arith.index_cast %mul3A_117 : i32 to index
      %get3A_119 = tpu.vector_load %arg7[%get3A_118] {strides = array<i32>} : memref<20480xf32, #tpu.memory_space<vmem>>, vector<16xf32>,
      %mul3A_120 = arith.mulf %mul3A_113, %get3A_119 : vector<16xf32>
      %add3A_121 = arith.constant 256 : i32
      %add3A_122 = arith.addi %add3A_121, %scan3A_62 : i32
      %mul3A_123 = arith.constant 16 : i32
      %mul3A_124 = arith.muli %add3A_122, %mul3A_123 : i32
      %get3A_125 = arith.index_cast %mul3A_124 : i32 to index
      %get3A_126 = tpu.vector_load %arg7[%get3A_125] {strides = array<i32>} : memref<20480xf32, #tpu.memory_space<vmem>>, vector<16xf32>,
      %mul3A_127 = arith.mulf %mul3A_120, %get3A_126 : vector<16xf32>
      %add3A_128 = arith.constant 128 : i32
      %add3A_129 = arith.addi %add3A_128, %and3A_66 : i32
      %mul3A_130 = arith.constant 16 : i32
      %mul3A_131 = arith.muli %add3A_129, %mul3A_130 : i32
      %get3A_132 = arith.index_cast %mul3A_131 : i32 to index
      %get3A_133 = tpu.vector_load %arg7[%get3A_132] {strides = array<i32>} : memref<20480xf32, #tpu.memory_space<vmem>>, vector<16xf32>,
      %add3A_134 = arith.constant 192 : i32
      %add3A_135 = arith.addi %add3A_134, %and3A_70 : i32
      %mul3A_136 = arith.constant 16 : i32
      %mul3A_137 = arith.muli %add3A_135, %mul3A_136 : i32
      %get3A_138 = arith.index_cast %mul3A_137 : i32 to index
      %get3A_139 = tpu.vector_load %arg7[%get3A_138] {strides = array<i32>} : memref<20480xf32, #tpu.memory_space<vmem>>, vector<16xf32>,
      %mul3A_140 = arith.mulf %get3A_133, %get3A_139 : vector<16xf32>
      %add3A_141 = arith.constant 256 : i32
      %add3A_142 = arith.addi %add3A_141, %and3A_74 : i32
      %mul3A_143 = arith.constant 16 : i32
      %mul3A_144 = arith.muli %add3A_142, %mul3A_143 : i32
      %get3A_145 = arith.index_cast %mul3A_144 : i32 to index
      %get3A_146 = tpu.vector_load %arg7[%get3A_145] {strides = array<i32>} : memref<20480xf32, #tpu.memory_space<vmem>>, vector<16xf32>,
      %mul3A_147 = arith.mulf %mul3A_140, %get3A_146 : vector<16xf32>
      %add3A_148 = arith.constant 320 : i32
      %add3A_149 = arith.addi %add3A_148, %scan3A_62 : i32
      %mul3A_150 = arith.constant 16 : i32
      %mul3A_151 = arith.muli %add3A_149, %mul3A_150 : i32
      %get3A_152 = arith.index_cast %mul3A_151 : i32 to index
      %get3A_153 = tpu.vector_load %arg7[%get3A_152] {strides = array<i32>} : memref<20480xf32, #tpu.memory_space<vmem>>, vector<16xf32>,
      %mul3A_154 = arith.mulf %mul3A_147, %get3A_153 : vector<16xf32>
      %add3A_155 = arith.constant 192 : i32
      %add3A_156 = arith.addi %add3A_155, %and3A_66 : i32
      %mul3A_157 = arith.constant 16 : i32
      %mul3A_158 = arith.muli %add3A_156, %mul3A_157 : i32
      %get3A_159 = arith.index_cast %mul3A_158 : i32 to index
      %get3A_160 = tpu.vector_load %arg7[%get3A_159] {strides = array<i32>} : memref<20480xf32, #tpu.memory_space<vmem>>, vector<16xf32>,
      %add3A_161 = arith.constant 256 : i32
      %add3A_162 = arith.addi %add3A_161, %and3A_70 : i32
      %mul3A_163 = arith.constant 16 : i32
      %mul3A_164 = arith.muli %add3A_162, %mul3A_163 : i32
      %get3A_165 = arith.index_cast %mul3A_164 : i32 to index
      %get3A_166 = tpu.vector_load %arg7[%get3A_165] {strides = array<i32>} : memref<20480xf32, #tpu.memory_space<vmem>>, vector<16xf32>,
      %mul3A_167 = arith.mulf %get3A_160, %get3A_166 : vector<16xf32>
      %add3A_168 = arith.constant 320 : i32
      %add3A_169 = arith.addi %add3A_168, %and3A_74 : i32
      %mul3A_170 = arith.constant 16 : i32
      %mul3A_171 = arith.muli %add3A_169, %mul3A_170 : i32
      %get3A_172 = arith.index_cast %mul3A_171 : i32 to index
      %get3A_173 = tpu.vector_load %arg7[%get3A_172] {strides = array<i32>} : memref<20480xf32, #tpu.memory_space<vmem>>, vector<16xf32>,
      %mul3A_174 = arith.mulf %mul3A_167, %get3A_173 : vector<16xf32>
      %add3A_175 = arith.constant 384 : i32
      %add3A_176 = arith.addi %add3A_175, %scan3A_62 : i32
      %mul3A_177 = arith.constant 16 : i32
      %mul3A_178 = arith.muli %add3A_176, %mul3A_177 : i32
      %get3A_179 = arith.index_cast %mul3A_178 : i32 to index
      %get3A_180 = tpu.vector_load %arg7[%get3A_179] {strides = array<i32>} : memref<20480xf32, #tpu.memory_space<vmem>>, vector<16xf32>,
      %mul3A_181 = arith.mulf %mul3A_174, %get3A_180 : vector<16xf32>
      %add3A_182 = arith.constant 256 : i32
      %add3A_183 = arith.addi %add3A_182, %and3A_66 : i32
      %mul3A_184 = arith.constant 16 : i32
      %mul3A_185 = arith.muli %add3A_183, %mul3A_184 : i32
      %get3A_186 = arith.index_cast %mul3A_185 : i32 to index
      %get3A_187 = tpu.vector_load %arg7[%get3A_186] {strides = array<i32>} : memref<20480xf32, #tpu.memory_space<vmem>>, vector<16xf32>,
      %add3A_188 = arith.constant 320 : i32
      %add3A_189 = arith.addi %add3A_188, %and3A_70 : i32
      %mul3A_190 = arith.constant 16 : i32
      %mul3A_191 = arith.muli %add3A_189, %mul3A_190 : i32
      %get3A_192 = arith.index_cast %mul3A_191 : i32 to index
      %get3A_193 = tpu.vector_load %arg7[%get3A_192] {strides = array<i32>} : memref<20480xf32, #tpu.memory_space<vmem>>, vector<16xf32>,
      %mul3A_194 = arith.mulf %get3A_187, %get3A_193 : vector<16xf32>
      %add3A_195 = arith.constant 384 : i32
      %add3A_196 = arith.addi %add3A_195, %and3A_74 : i32
      %mul3A_197 = arith.constant 16 : i32
      %mul3A_198 = arith.muli %add3A_196, %mul3A_197 : i32
      %get3A_199 = arith.index_cast %mul3A_198 : i32 to index
      %get3A_200 = tpu.vector_load %arg7[%get3A_199] {strides = array<i32>} : memref<20480xf32, #tpu.memory_space<vmem>>, vector<16xf32>,
      %mul3A_201 = arith.mulf %mul3A_194, %get3A_200 : vector<16xf32>
      %add3A_202 = arith.constant 448 : i32
      %add3A_203 = arith.addi %add3A_202, %scan3A_62 : i32
      %mul3A_204 = arith.constant 16 : i32
      %mul3A_205 = arith.muli %add3A_203, %mul3A_204 : i32
      %get3A_206 = arith.index_cast %mul3A_205 : i32 to index
      %get3A_207 = tpu.vector_load %arg7[%get3A_206] {strides = array<i32>} : memref<20480xf32, #tpu.memory_space<vmem>>, vector<16xf32>,
      %mul3A_208 = arith.mulf %mul3A_201, %get3A_207 : vector<16xf32>
      %add3A_209 = arith.constant 320 : i32
      %add3A_210 = arith.addi %add3A_209, %and3A_66 : i32
      %mul3A_211 = arith.constant 16 : i32
      %mul3A_212 = arith.muli %add3A_210, %mul3A_211 : i32
      %get3A_213 = arith.index_cast %mul3A_212 : i32 to index
      %get3A_214 = tpu.vector_load %arg7[%get3A_213] {strides = array<i32>} : memref<20480xf32, #tpu.memory_space<vmem>>, vector<16xf32>,
      %add3A_215 = arith.constant 384 : i32
      %add3A_216 = arith.addi %add3A_215, %and3A_70 : i32
      %mul3A_217 = arith.constant 16 : i32
      %mul3A_218 = arith.muli %add3A_216, %mul3A_217 : i32
      %get3A_219 = arith.index_cast %mul3A_218 : i32 to index
      %get3A_220 = tpu.vector_load %arg7[%get3A_219] {strides = array<i32>} : memref<20480xf32, #tpu.memory_space<vmem>>, vector<16xf32>,
      %mul3A_221 = arith.mulf %get3A_214, %get3A_220 : vector<16xf32>
      %add3A_222 = arith.constant 448 : i32
      %add3A_223 = arith.addi %add3A_222, %and3A_74 : i32
      %mul3A_224 = arith.constant 16 : i32
      %mul3A_225 = arith.muli %add3A_223, %mul3A_224 : i32
      %get3A_226 = arith.index_cast %mul3A_225 : i32 to index
      %get3A_227 = tpu.vector_load %arg7[%get3A_226] {strides = array<i32>} : memref<20480xf32, #tpu.memory_space<vmem>>, vector<16xf32>,
      %mul3A_228 = arith.mulf %mul3A_221, %get3A_227 : vector<16xf32>
      %add3A_229 = arith.constant 512 : i32
      %add3A_230 = arith.addi %add3A_229, %scan3A_62 : i32
      %mul3A_231 = arith.constant 16 : i32
      %mul3A_232 = arith.muli %add3A_230, %mul3A_231 : i32
      %get3A_233 = arith.index_cast %mul3A_232 : i32 to index
      %get3A_234 = tpu.vector_load %arg7[%get3A_233] {strides = array<i32>} : memref<20480xf32, #tpu.memory_space<vmem>>, vector<16xf32>,
      %mul3A_235 = arith.mulf %mul3A_228, %get3A_234 : vector<16xf32>
      %add3A_236 = arith.constant 384 : i32
      %add3A_237 = arith.addi %add3A_236, %and3A_66 : i32
      %mul3A_238 = arith.constant 16 : i32
      %mul3A_239 = arith.muli %add3A_237, %mul3A_238 : i32
      %get3A_240 = arith.index_cast %mul3A_239 : i32 to index
      %get3A_241 = tpu.vector_load %arg7[%get3A_240] {strides = array<i32>} : memref<20480xf32, #tpu.memory_space<vmem>>, vector<16xf32>,
      %add3A_242 = arith.constant 448 : i32
      %add3A_243 = arith.addi %add3A_242, %and3A_70 : i32
      %mul3A_244 = arith.constant 16 : i32
      %mul3A_245 = arith.muli %add3A_243, %mul3A_244 : i32
      %get3A_246 = arith.index_cast %mul3A_245 : i32 to index
      %get3A_247 = tpu.vector_load %arg7[%get3A_246] {strides = array<i32>} : memref<20480xf32, #tpu.memory_space<vmem>>, vector<16xf32>,
      %mul3A_248 = arith.mulf %get3A_241, %get3A_247 : vector<16xf32>
      %add3A_249 = arith.constant 512 : i32
      %add3A_250 = arith.addi %add3A_249, %and3A_74 : i32
      %mul3A_251 = arith.constant 16 : i32
      %mul3A_252 = arith.muli %add3A_250, %mul3A_251 : i32
      %get3A_253 = arith.index_cast %mul3A_252 : i32 to index
      %get3A_254 = tpu.vector_load %arg7[%get3A_253] {strides = array<i32>} : memref<20480xf32, #tpu.memory_space<vmem>>, vector<16xf32>,
      %mul3A_255 = arith.mulf %mul3A_248, %get3A_254 : vector<16xf32>
      %add3A_256 = arith.constant 576 : i32
      %add3A_257 = arith.addi %add3A_256, %scan3A_62 : i32
      %mul3A_258 = arith.constant 16 : i32
      %mul3A_259 = arith.muli %add3A_257, %mul3A_258 : i32
      %get3A_260 = arith.index_cast %mul3A_259 : i32 to index
      %get3A_261 = tpu.vector_load %arg7[%get3A_260] {strides = array<i32>} : memref<20480xf32, #tpu.memory_space<vmem>>, vector<16xf32>,
      %mul3A_262 = arith.mulf %mul3A_255, %get3A_261 : vector<16xf32>
      %add3A_263 = arith.constant 448 : i32
      %add3A_264 = arith.addi %add3A_263, %and3A_66 : i32
      %mul3A_265 = arith.constant 16 : i32
      %mul3A_266 = arith.muli %add3A_264, %mul3A_265 : i32
      %get3A_267 = arith.index_cast %mul3A_266 : i32 to index
      %get3A_268 = tpu.vector_load %arg7[%get3A_267] {strides = array<i32>} : memref<20480xf32, #tpu.memory_space<vmem>>, vector<16xf32>,
      %add3A_269 = arith.constant 512 : i32
      %add3A_270 = arith.addi %add3A_269, %and3A_70 : i32
      %mul3A_271 = arith.constant 16 : i32
      %mul3A_272 = arith.muli %add3A_270, %mul3A_271 : i32
      %get3A_273 = arith.index_cast %mul3A_272 : i32 to index
      %get3A_274 = tpu.vector_load %arg7[%get3A_273] {strides = array<i32>} : memref<20480xf32, #tpu.memory_space<vmem>>, vector<16xf32>,
      %mul3A_275 = arith.mulf %get3A_268, %get3A_274 : vector<16xf32>
      %add3A_276 = arith.constant 576 : i32
      %add3A_277 = arith.addi %add3A_276, %and3A_74 : i32
      %mul3A_278 = arith.constant 16 : i32
      %mul3A_279 = arith.muli %add3A_277, %mul3A_278 : i32
      %get3A_280 = arith.index_cast %mul3A_279 : i32 to index
      %get3A_281 = tpu.vector_load %arg7[%get3A_280] {strides = array<i32>} : memref<20480xf32, #tpu.memory_space<vmem>>, vector<16xf32>,
      %mul3A_282 = arith.mulf %mul3A_275, %get3A_281 : vector<16xf32>
      %add3A_283 = arith.constant 640 : i32
      %add3A_284 = arith.addi %add3A_283, %scan3A_62 : i32
      %mul3A_285 = arith.constant 16 : i32
      %mul3A_286 = arith.muli %add3A_284, %mul3A_285 : i32
      %get3A_287 = arith.index_cast %mul3A_286 : i32 to index
      %get3A_288 = tpu.vector_load %arg7[%get3A_287] {strides = array<i32>} : memref<20480xf32, #tpu.memory_space<vmem>>, vector<16xf32>,
      %mul3A_289 = arith.mulf %mul3A_282, %get3A_288 : vector<16xf32>
      %add3A_290 = arith.constant 512 : i32
      %add3A_291 = arith.addi %add3A_290, %and3A_66 : i32
      %mul3A_292 = arith.constant 16 : i32
      %mul3A_293 = arith.muli %add3A_291, %mul3A_292 : i32
      %get3A_294 = arith.index_cast %mul3A_293 : i32 to index
      %get3A_295 = tpu.vector_load %arg7[%get3A_294] {strides = array<i32>} : memref<20480xf32, #tpu.memory_space<vmem>>, vector<16xf32>,
      %add3A_296 = arith.constant 576 : i32
      %add3A_297 = arith.addi %add3A_296, %and3A_70 : i32
      %mul3A_298 = arith.constant 16 : i32
      %mul3A_299 = arith.muli %add3A_297, %mul3A_298 : i32
      %get3A_300 = arith.index_cast %mul3A_299 : i32 to index
      %get3A_301 = tpu.vector_load %arg7[%get3A_300] {strides = array<i32>} : memref<20480xf32, #tpu.memory_space<vmem>>, vector<16xf32>,
      %mul3A_302 = arith.mulf %get3A_295, %get3A_301 : vector<16xf32>
      %add3A_303 = arith.constant 640 : i32
      %add3A_304 = arith.addi %add3A_303, %and3A_74 : i32
      %mul3A_305 = arith.constant 16 : i32
      %mul3A_306 = arith.muli %add3A_304, %mul3A_305 : i32
      %get3A_307 = arith.index_cast %mul3A_306 : i32 to index
      %get3A_308 = tpu.vector_load %arg7[%get3A_307] {strides = array<i32>} : memref<20480xf32, #tpu.memory_space<vmem>>, vector<16xf32>,
      %mul3A_309 = arith.mulf %mul3A_302, %get3A_308 : vector<16xf32>
      %add3A_310 = arith.constant 704 : i32
      %add3A_311 = arith.addi %add3A_310, %scan3A_62 : i32
      %mul3A_312 = arith.constant 16 : i32
      %mul3A_313 = arith.muli %add3A_311, %mul3A_312 : i32
      %get3A_314 = arith.index_cast %mul3A_313 : i32 to index
      %get3A_315 = tpu.vector_load %arg7[%get3A_314] {strides = array<i32>} : memref<20480xf32, #tpu.memory_space<vmem>>, vector<16xf32>,
      %mul3A_316 = arith.mulf %mul3A_309, %get3A_315 : vector<16xf32>
      %add3A_317 = arith.constant 576 : i32
      %add3A_318 = arith.addi %add3A_317, %and3A_66 : i32
      %mul3A_319 = arith.constant 16 : i32
      %mul3A_320 = arith.muli %add3A_318, %mul3A_319 : i32
      %get3A_321 = arith.index_cast %mul3A_320 : i32 to index
      %get3A_322 = tpu.vector_load %arg7[%get3A_321] {strides = array<i32>} : memref<20480xf32, #tpu.memory_space<vmem>>, vector<16xf32>,
      %add3A_323 = arith.constant 640 : i32
      %add3A_324 = arith.addi %add3A_323, %and3A_70 : i32
      %mul3A_325 = arith.constant 16 : i32
      %mul3A_326 = arith.muli %add3A_324, %mul3A_325 : i32
      %get3A_327 = arith.index_cast %mul3A_326 : i32 to index
      %get3A_328 = tpu.vector_load %arg7[%get3A_327] {strides = array<i32>} : memref<20480xf32, #tpu.memory_space<vmem>>, vector<16xf32>,
      %mul3A_329 = arith.mulf %get3A_322, %get3A_328 : vector<16xf32>
      %add3A_330 = arith.constant 704 : i32
      %add3A_331 = arith.addi %add3A_330, %and3A_74 : i32
      %mul3A_332 = arith.constant 16 : i32
      %mul3A_333 = arith.muli %add3A_331, %mul3A_332 : i32
      %get3A_334 = arith.index_cast %mul3A_333 : i32 to index
      %get3A_335 = tpu.vector_load %arg7[%get3A_334] {strides = array<i32>} : memref<20480xf32, #tpu.memory_space<vmem>>, vector<16xf32>,
      %mul3A_336 = arith.mulf %mul3A_329, %get3A_335 : vector<16xf32>
      %add3A_337 = arith.constant 768 : i32
      %add3A_338 = arith.addi %add3A_337, %scan3A_62 : i32
      %mul3A_339 = arith.constant 16 : i32
      %mul3A_340 = arith.muli %add3A_338, %mul3A_339 : i32
      %get3A_341 = arith.index_cast %mul3A_340 : i32 to index
      %get3A_342 = tpu.vector_load %arg7[%get3A_341] {strides = array<i32>} : memref<20480xf32, #tpu.memory_space<vmem>>, vector<16xf32>,
      %mul3A_343 = arith.mulf %mul3A_336, %get3A_342 : vector<16xf32>
      %add3A_344 = arith.constant 640 : i32
      %add3A_345 = arith.addi %add3A_344, %and3A_66 : i32
      %mul3A_346 = arith.constant 16 : i32
      %mul3A_347 = arith.muli %add3A_345, %mul3A_346 : i32
      %get3A_348 = arith.index_cast %mul3A_347 : i32 to index
      %get3A_349 = tpu.vector_load %arg7[%get3A_348] {strides = array<i32>} : memref<20480xf32, #tpu.memory_space<vmem>>, vector<16xf32>,
      %add3A_350 = arith.constant 704 : i32
      %add3A_351 = arith.addi %add3A_350, %and3A_70 : i32
      %mul3A_352 = arith.constant 16 : i32
      %mul3A_353 = arith.muli %add3A_351, %mul3A_352 : i32
      %get3A_354 = arith.index_cast %mul3A_353 : i32 to index
      %get3A_355 = tpu.vector_load %arg7[%get3A_354] {strides = array<i32>} : memref<20480xf32, #tpu.memory_space<vmem>>, vector<16xf32>,
      %mul3A_356 = arith.mulf %get3A_349, %get3A_355 : vector<16xf32>
      %add3A_357 = arith.constant 768 : i32
      %add3A_358 = arith.addi %add3A_357, %and3A_74 : i32
      %mul3A_359 = arith.constant 16 : i32
      %mul3A_360 = arith.muli %add3A_358, %mul3A_359 : i32
      %get3A_361 = arith.index_cast %mul3A_360 : i32 to index
      %get3A_362 = tpu.vector_load %arg7[%get3A_361] {strides = array<i32>} : memref<20480xf32, #tpu.memory_space<vmem>>, vector<16xf32>,
      %mul3A_363 = arith.mulf %mul3A_356, %get3A_362 : vector<16xf32>
      %add3A_364 = arith.constant 832 : i32
      %add3A_365 = arith.addi %add3A_364, %scan3A_62 : i32
      %mul3A_366 = arith.constant 16 : i32
      %mul3A_367 = arith.muli %add3A_365, %mul3A_366 : i32
      %get3A_368 = arith.index_cast %mul3A_367 : i32 to index
      %get3A_369 = tpu.vector_load %arg7[%get3A_368] {strides = array<i32>} : memref<20480xf32, #tpu.memory_space<vmem>>, vector<16xf32>,
      %mul3A_370 = arith.mulf %mul3A_363, %get3A_369 : vector<16xf32>
      %add3A_371 = arith.constant 704 : i32
      %add3A_372 = arith.addi %add3A_371, %and3A_66 : i32
      %mul3A_373 = arith.constant 16 : i32
      %mul3A_374 = arith.muli %add3A_372, %mul3A_373 : i32
      %get3A_375 = arith.index_cast %mul3A_374 : i32 to index
      %get3A_376 = tpu.vector_load %arg7[%get3A_375] {strides = array<i32>} : memref<20480xf32, #tpu.memory_space<vmem>>, vector<16xf32>,
      %add3A_377 = arith.constant 768 : i32
      %add3A_378 = arith.addi %add3A_377, %and3A_70 : i32
      %mul3A_379 = arith.constant 16 : i32
      %mul3A_380 = arith.muli %add3A_378, %mul3A_379 : i32
      %get3A_381 = arith.index_cast %mul3A_380 : i32 to index
      %get3A_382 = tpu.vector_load %arg7[%get3A_381] {strides = array<i32>} : memref<20480xf32, #tpu.memory_space<vmem>>, vector<16xf32>,
      %mul3A_383 = arith.mulf %get3A_376, %get3A_382 : vector<16xf32>
      %add3A_384 = arith.constant 832 : i32
      %add3A_385 = arith.addi %add3A_384, %and3A_74 : i32
      %mul3A_386 = arith.constant 16 : i32
      %mul3A_387 = arith.muli %add3A_385, %mul3A_386 : i32
      %get3A_388 = arith.index_cast %mul3A_387 : i32 to index
      %get3A_389 = tpu.vector_load %arg7[%get3A_388] {strides = array<i32>} : memref<20480xf32, #tpu.memory_space<vmem>>, vector<16xf32>,
      %mul3A_390 = arith.mulf %mul3A_383, %get3A_389 : vector<16xf32>
      %add3A_391 = arith.constant 896 : i32
      %add3A_392 = arith.addi %add3A_391, %scan3A_62 : i32
      %mul3A_393 = arith.constant 16 : i32
      %mul3A_394 = arith.muli %add3A_392, %mul3A_393 : i32
      %get3A_395 = arith.index_cast %mul3A_394 : i32 to index
      %get3A_396 = tpu.vector_load %arg7[%get3A_395] {strides = array<i32>} : memref<20480xf32, #tpu.memory_space<vmem>>, vector<16xf32>,
      %mul3A_397 = arith.mulf %mul3A_390, %get3A_396 : vector<16xf32>
      %add3A_398 = arith.constant 768 : i32
      %add3A_399 = arith.addi %add3A_398, %and3A_66 : i32
      %mul3A_400 = arith.constant 16 : i32
      %mul3A_401 = arith.muli %add3A_399, %mul3A_400 : i32
      %get3A_402 = arith.index_cast %mul3A_401 : i32 to index
      %get3A_403 = tpu.vector_load %arg7[%get3A_402] {strides = array<i32>} : memref<20480xf32, #tpu.memory_space<vmem>>, vector<16xf32>,
      %add3A_404 = arith.constant 832 : i32
      %add3A_405 = arith.addi %add3A_404, %and3A_70 : i32
      %mul3A_406 = arith.constant 16 : i32
      %mul3A_407 = arith.muli %add3A_405, %mul3A_406 : i32
      %get3A_408 = arith.index_cast %mul3A_407 : i32 to index
      %get3A_409 = tpu.vector_load %arg7[%get3A_408] {strides = array<i32>} : memref<20480xf32, #tpu.memory_space<vmem>>, vector<16xf32>,
      %mul3A_410 = arith.mulf %get3A_403, %get3A_409 : vector<16xf32>
      %add3A_411 = arith.constant 896 : i32
      %add3A_412 = arith.addi %add3A_411, %and3A_74 : i32
      %mul3A_413 = arith.constant 16 : i32
      %mul3A_414 = arith.muli %add3A_412, %mul3A_413 : i32
      %get3A_415 = arith.index_cast %mul3A_414 : i32 to index
      %get3A_416 = tpu.vector_load %arg7[%get3A_415] {strides = array<i32>} : memref<20480xf32, #tpu.memory_space<vmem>>, vector<16xf32>,
      %mul3A_417 = arith.mulf %mul3A_410, %get3A_416 : vector<16xf32>
      %add3A_418 = arith.constant 960 : i32
      %add3A_419 = arith.addi %add3A_418, %scan3A_62 : i32
      %mul3A_420 = arith.constant 16 : i32
      %mul3A_421 = arith.muli %add3A_419, %mul3A_420 : i32
      %get3A_422 = arith.index_cast %mul3A_421 : i32 to index
      %get3A_423 = tpu.vector_load %arg7[%get3A_422] {strides = array<i32>} : memref<20480xf32, #tpu.memory_space<vmem>>, vector<16xf32>,
      %mul3A_424 = arith.mulf %mul3A_417, %get3A_423 : vector<16xf32>
      %add3A_425 = arith.constant 832 : i32
      %add3A_426 = arith.addi %add3A_425, %and3A_66 : i32
      %mul3A_427 = arith.constant 16 : i32
      %mul3A_428 = arith.muli %add3A_426, %mul3A_427 : i32
      %get3A_429 = arith.index_cast %mul3A_428 : i32 to index
      %get3A_430 = tpu.vector_load %arg7[%get3A_429] {strides = array<i32>} : memref<20480xf32, #tpu.memory_space<vmem>>, vector<16xf32>,
      %add3A_431 = arith.constant 896 : i32
      %add3A_432 = arith.addi %add3A_431, %and3A_70 : i32
      %mul3A_433 = arith.constant 16 : i32
      %mul3A_434 = arith.muli %add3A_432, %mul3A_433 : i32
      %get3A_435 = arith.index_cast %mul3A_434 : i32 to index
      %get3A_436 = tpu.vector_load %arg7[%get3A_435] {strides = array<i32>} : memref<20480xf32, #tpu.memory_space<vmem>>, vector<16xf32>,
      %mul3A_437 = arith.mulf %get3A_430, %get3A_436 : vector<16xf32>
      %add3A_438 = arith.constant 960 : i32
      %add3A_439 = arith.addi %add3A_438, %and3A_74 : i32
      %mul3A_440 = arith.constant 16 : i32
      %mul3A_441 = arith.muli %add3A_439, %mul3A_440 : i32
      %get3A_442 = arith.index_cast %mul3A_441 : i32 to index
      %get3A_443 = tpu.vector_load %arg7[%get3A_442] {strides = array<i32>} : memref<20480xf32, #tpu.memory_space<vmem>>, vector<16xf32>,
      %mul3A_444 = arith.mulf %mul3A_437, %get3A_443 : vector<16xf32>
      %add3A_445 = arith.constant 1024 : i32
      %add3A_446 = arith.addi %add3A_445, %scan3A_62 : i32
      %mul3A_447 = arith.constant 16 : i32
      %mul3A_448 = arith.muli %add3A_446, %mul3A_447 : i32
      %get3A_449 = arith.index_cast %mul3A_448 : i32 to index
      %get3A_450 = tpu.vector_load %arg7[%get3A_449] {strides = array<i32>} : memref<20480xf32, #tpu.memory_space<vmem>>, vector<16xf32>,
      %mul3A_451 = arith.mulf %mul3A_444, %get3A_450 : vector<16xf32>
      %add3A_452 = arith.constant 896 : i32
      %add3A_453 = arith.addi %add3A_452, %and3A_66 : i32
      %mul3A_454 = arith.constant 16 : i32
      %mul3A_455 = arith.muli %add3A_453, %mul3A_454 : i32
      %get3A_456 = arith.index_cast %mul3A_455 : i32 to index
      %get3A_457 = tpu.vector_load %arg7[%get3A_456] {strides = array<i32>} : memref<20480xf32, #tpu.memory_space<vmem>>, vector<16xf32>,
      %add3A_458 = arith.constant 960 : i32
      %add3A_459 = arith.addi %add3A_458, %and3A_70 : i32
      %mul3A_460 = arith.constant 16 : i32
      %mul3A_461 = arith.muli %add3A_459, %mul3A_460 : i32
      %get3A_462 = arith.index_cast %mul3A_461 : i32 to index
      %get3A_463 = tpu.vector_load %arg7[%get3A_462] {strides = array<i32>} : memref<20480xf32, #tpu.memory_space<vmem>>, vector<16xf32>,
      %mul3A_464 = arith.mulf %get3A_457, %get3A_463 : vector<16xf32>
      %add3A_465 = arith.constant 1024 : i32
      %add3A_466 = arith.addi %add3A_465, %and3A_74 : i32
      %mul3A_467 = arith.constant 16 : i32
      %mul3A_468 = arith.muli %add3A_466, %mul3A_467 : i32
      %get3A_469 = arith.index_cast %mul3A_468 : i32 to index
      %get3A_470 = tpu.vector_load %arg7[%get3A_469] {strides = array<i32>} : memref<20480xf32, #tpu.memory_space<vmem>>, vector<16xf32>,
      %mul3A_471 = arith.mulf %mul3A_464, %get3A_470 : vector<16xf32>
      %add3A_472 = arith.constant 1088 : i32
      %add3A_473 = arith.addi %add3A_472, %scan3A_62 : i32
      %mul3A_474 = arith.constant 16 : i32
      %mul3A_475 = arith.muli %add3A_473, %mul3A_474 : i32
      %get3A_476 = arith.index_cast %mul3A_475 : i32 to index
      %get3A_477 = tpu.vector_load %arg7[%get3A_476] {strides = array<i32>} : memref<20480xf32, #tpu.memory_space<vmem>>, vector<16xf32>,
      %mul3A_478 = arith.mulf %mul3A_471, %get3A_477 : vector<16xf32>
      %add3A_479 = arith.constant 960 : i32
      %add3A_480 = arith.addi %add3A_479, %and3A_66 : i32
      %mul3A_481 = arith.constant 16 : i32
      %mul3A_482 = arith.muli %add3A_480, %mul3A_481 : i32
      %get3A_483 = arith.index_cast %mul3A_482 : i32 to index
      %get3A_484 = tpu.vector_load %arg7[%get3A_483] {strides = array<i32>} : memref<20480xf32, #tpu.memory_space<vmem>>, vector<16xf32>,
      %add3A_485 = arith.constant 1024 : i32
      %add3A_486 = arith.addi %add3A_485, %and3A_70 : i32
      %mul3A_487 = arith.constant 16 : i32
      %mul3A_488 = arith.muli %add3A_486, %mul3A_487 : i32
      %get3A_489 = arith.index_cast %mul3A_488 : i32 to index
      %get3A_490 = tpu.vector_load %arg7[%get3A_489] {strides = array<i32>} : memref<20480xf32, #tpu.memory_space<vmem>>, vector<16xf32>,
      %mul3A_491 = arith.mulf %get3A_484, %get3A_490 : vector<16xf32>
      %add3A_492 = arith.constant 1088 : i32
      %add3A_493 = arith.addi %add3A_492, %and3A_74 : i32
      %mul3A_494 = arith.constant 16 : i32
      %mul3A_495 = arith.muli %add3A_493, %mul3A_494 : i32
      %get3A_496 = arith.index_cast %mul3A_495 : i32 to index
      %get3A_497 = tpu.vector_load %arg7[%get3A_496] {strides = array<i32>} : memref<20480xf32, #tpu.memory_space<vmem>>, vector<16xf32>,
      %mul3A_498 = arith.mulf %mul3A_491, %get3A_497 : vector<16xf32>
      %add3A_499 = arith.constant 1152 : i32
      %add3A_500 = arith.addi %add3A_499, %scan3A_62 : i32
      %mul3A_501 = arith.constant 16 : i32
      %mul3A_502 = arith.muli %add3A_500, %mul3A_501 : i32
      %get3A_503 = arith.index_cast %mul3A_502 : i32 to index
      %get3A_504 = tpu.vector_load %arg7[%get3A_503] {strides = array<i32>} : memref<20480xf32, #tpu.memory_space<vmem>>, vector<16xf32>,
      %mul3A_505 = arith.mulf %mul3A_498, %get3A_504 : vector<16xf32>
      %add3A_506 = arith.constant 1024 : i32
      %add3A_507 = arith.addi %add3A_506, %and3A_66 : i32
      %mul3A_508 = arith.constant 16 : i32
      %mul3A_509 = arith.muli %add3A_507, %mul3A_508 : i32
      %get3A_510 = arith.index_cast %mul3A_509 : i32 to index
      %get3A_511 = tpu.vector_load %arg7[%get3A_510] {strides = array<i32>} : memref<20480xf32, #tpu.memory_space<vmem>>, vector<16xf32>,
      %add3A_512 = arith.constant 1088 : i32
      %add3A_513 = arith.addi %add3A_512, %and3A_70 : i32
      %mul3A_514 = arith.constant 16 : i32
      %mul3A_515 = arith.muli %add3A_513, %mul3A_514 : i32
      %get3A_516 = arith.index_cast %mul3A_515 : i32 to index
      %get3A_517 = tpu.vector_load %arg7[%get3A_516] {strides = array<i32>} : memref<20480xf32, #tpu.memory_space<vmem>>, vector<16xf32>,
      %mul3A_518 = arith.mulf %get3A_511, %get3A_517 : vector<16xf32>
      %add3A_519 = arith.constant 1152 : i32
      %add3A_520 = arith.addi %add3A_519, %and3A_74 : i32
      %mul3A_521 = arith.constant 16 : i32
      %mul3A_522 = arith.muli %add3A_520, %mul3A_521 : i32
      %get3A_523 = arith.index_cast %mul3A_522 : i32 to index
      %get3A_524 = tpu.vector_load %arg7[%get3A_523] {strides = array<i32>} : memref<20480xf32, #tpu.memory_space<vmem>>, vector<16xf32>,
      %mul3A_525 = arith.mulf %mul3A_518, %get3A_524 : vector<16xf32>
      %add3A_526 = arith.constant 1216 : i32
      %add3A_527 = arith.addi %add3A_526, %scan3A_62 : i32
      %mul3A_528 = arith.constant 16 : i32
      %mul3A_529 = arith.muli %add3A_527, %mul3A_528 : i32
      %get3A_530 = arith.index_cast %mul3A_529 : i32 to index
      %get3A_531 = tpu.vector_load %arg7[%get3A_530] {strides = array<i32>} : memref<20480xf32, #tpu.memory_space<vmem>>, vector<16xf32>,
      %mul3A_532 = arith.mulf %mul3A_525, %get3A_531 : vector<16xf32>
      %add3A_533 = arith.addf %mul3A_100, %mul3A_127 : vector<16xf32>
      %add3A_534 = arith.addf %mul3A_154, %mul3A_181 : vector<16xf32>
      %add3A_535 = arith.addf %mul3A_208, %mul3A_235 : vector<16xf32>
      %add3A_536 = arith.addf %mul3A_262, %mul3A_289 : vector<16xf32>
      %add3A_537 = arith.addf %mul3A_316, %mul3A_343 : vector<16xf32>
      %add3A_538 = arith.addf %mul3A_370, %mul3A_397 : vector<16xf32>
      %add3A_539 = arith.addf %mul3A_424, %mul3A_451 : vector<16xf32>
      %add3A_540 = arith.addf %mul3A_478, %mul3A_505 : vector<16xf32>
      %add3A_541 = arith.addf %add3A_533, %add3A_534 : vector<16xf32>
      %add3A_542 = arith.addf %add3A_535, %add3A_536 : vector<16xf32>
      %add3A_543 = arith.addf %add3A_537, %add3A_538 : vector<16xf32>
      %add3A_544 = arith.addf %add3A_539, %add3A_540 : vector<16xf32>
      %add3A_545 = arith.addf %add3A_541, %add3A_542 : vector<16xf32>
      %add3A_546 = arith.addf %add3A_543, %add3A_544 : vector<16xf32>
      %add3A_547 = arith.addf %add3A_545, %add3A_546 : vector<16xf32>
      %add3A_548 = arith.addf %add3A_547, %mul3A_532 : vector<16xf32>
      %gt3A = arith.constant 0.000000e+00 : f32
      %gt3A_549 = vector.broadcast %gt3A : f32 to vector<16xf32>
      %gt3A_550 = arith.cmpf ogt, %add3A_548, %gt3A_549 : vector<16xf32>
      %jit3A = arith.constant 1.000000e+00 : f32
      %jit3A_551 = arith.constant -1.000000e+00 : f32
      %broadcast_in_dim3A_552 = vector.broadcast %jit3A : f32 to vector<16xf32>
      %broadcast_in_dim3A_553 = vector.broadcast %jit3A_551 : f32 to vector<16xf32>
      %select_n3A = arith.select %gt3A_550, %broadcast_in_dim3A_552, %broadcast_in_dim3A_553 : vector<16xi1>, vector<16xf32>
      %mul3A_554 = arith.constant 64 : i32
      %mul3A_555 = vector.broadcast %mul3A_554 : i32 to vector<16xi32>
      %mul3A_556 = arith.muli %iota3A, %mul3A_555 : vector<16xi32>
      %add3A_557 = vector.broadcast %scan3A_62 : i32 to vector<16xi32>
      %add3A_558 = arith.addi %mul3A_556, %add3A_557 : vector<16xi32>
      tpu.vector_store_idx %arg8[%add3A_558], %select_n3A : memref<1024xf32, #tpu.memory_space<vmem>>[vector<16xi32>], vector<16xf32>,
      %scan3A_559 = arith.constant 0 : i32
      scf.yield %scan3A_559 : i32
    }
    %scan3A_25 = arith.constant 64 : i32
    %mul3A_26 = arith.constant 2 : i32
    %mul3A_27 = arith.muli %add3A, %mul3A_26 : i32
    %add3A_28 = arith.constant 0 : i32
    %add3A_29 = arith.addi %mul3A_27, %add3A_28 : i32
    %mul3A_30 = arith.constant 16 : i32
    %mul3A_31 = arith.muli %add3A_29, %mul3A_30 : i32
    %mul3A_32 = arith.constant 64 : i32
    %mul3A_33 = arith.muli %mul3A_31, %mul3A_32 : i32
    "tpu.region"() ({
      %run_scoped3A = tpu.sem_alloc : memref<!tpu.dma_semaphore, #tpu.memory_space<semaphore_mem>>
      %dma_start3A = tpu.memref_slice %arg4[%mul3A_33] : memref<65536xf32, #tpu.memory_space<hbm>> -> memref<1024xf32, #tpu.memory_space<hbm>>
      %dma_start3A_62 = tpu.memref_slice %arg4[%mul3A_33] : memref<65536xf32, #tpu.memory_space<hbm>> -> memref<1024xf32, #tpu.memory_space<hbm>>
      tpu.enqueue_dma source(%arg8 : memref<1024xf32, #tpu.memory_space<vmem>>) target(%dma_start3A_62 : memref<1024xf32, #tpu.memory_space<hbm>>) target_semaphore(%run_scoped3A : memref<!tpu.dma_semaphore, #tpu.memory_space<semaphore_mem>>)
      %dma_wait3A = tpu.memref_slice %arg4[%mul3A_33] : memref<65536xf32, #tpu.memory_space<hbm>> -> memref<1024xf32, #tpu.memory_space<hbm>>
      %dma_wait3A_63 = tpu.memref_slice %arg4[%mul3A_33] : memref<65536xf32, #tpu.memory_space<hbm>> -> memref<1024xf32, #tpu.memory_space<hbm>>
      tpu.wait_dma2 semaphore(%run_scoped3A : memref<!tpu.dma_semaphore, #tpu.memory_space<semaphore_mem>>) src(%arg8 : memref<1024xf32, #tpu.memory_space<vmem>>) dst(%dma_wait3A_63 : memref<1024xf32, #tpu.memory_space<hbm>>)
      tpu.yield
    }) : () -> ()
    %mul3A_34 = arith.constant 2 : i32
    %mul3A_35 = arith.muli %add3A, %mul3A_34 : i32
    %add3A_36 = arith.constant 1 : i32
    %add3A_37 = arith.addi %mul3A_35, %add3A_36 : i32
    %mul3A_38 = arith.constant 8320 : i32
    %mul3A_39 = arith.muli %add3A_37, %mul3A_38 : i32
    "tpu.region"() ({
      %run_scoped3A = tpu.sem_alloc : memref<!tpu.dma_semaphore, #tpu.memory_space<semaphore_mem>>
      %dma_start3A = tpu.memref_slice %arg2[%mul3A_39] : memref<532480xi32, #tpu.memory_space<hbm>> -> memref<8320xi32, #tpu.memory_space<hbm>>
      %dma_start3A_62 = tpu.memref_slice %arg2[%mul3A_39] : memref<532480xi32, #tpu.memory_space<hbm>> -> memref<8320xi32, #tpu.memory_space<hbm>>
      tpu.enqueue_dma source(%dma_start3A_62 : memref<8320xi32, #tpu.memory_space<hbm>>) target(%arg6 : memref<8320xi32, #tpu.memory_space<vmem>>) target_semaphore(%run_scoped3A : memref<!tpu.dma_semaphore, #tpu.memory_space<semaphore_mem>>)
      %dma_wait3A = tpu.memref_slice %arg2[%mul3A_39] : memref<532480xi32, #tpu.memory_space<hbm>> -> memref<8320xi32, #tpu.memory_space<hbm>>
      %dma_wait3A_63 = tpu.memref_slice %arg2[%mul3A_39] : memref<532480xi32, #tpu.memory_space<hbm>> -> memref<8320xi32, #tpu.memory_space<hbm>>
      tpu.wait_dma2 semaphore(%run_scoped3A : memref<!tpu.dma_semaphore, #tpu.memory_space<semaphore_mem>>) src(%dma_wait3A_63 : memref<8320xi32, #tpu.memory_space<hbm>>) dst(%arg6 : memref<8320xi32, #tpu.memory_space<vmem>>)
      tpu.yield
    }) : () -> ()
    %scan3A_40 = arith.constant 0 : i32
    %scan3A_41 = arith.constant 0 : i32
    %scan3A_42 = arith.constant 20 : i32
    %scan3A_43 = arith.addi %scan3A_41, %scan3A_42 : i32
    %scan3A_44 = arith.constant 1 : i32
    %scan3A_45 = scf.for %scan3A_62 = %scan3A_41 to %scan3A_43 step %scan3A_44 iter_args(%scan3A_63 = %scan3A_40) -> (i32)  : i32 {
      %mul3A_64 = arith.constant 26 : i32
      %mul3A_65 = arith.muli %scan3A_62, %mul3A_64 : i32
      %add3A_66 = arith.constant 0 : i32
      %add3A_67 = arith.addi %mul3A_65, %add3A_66 : i32
      %add3A_68 = vector.broadcast %add3A_67 : i32 to vector<16xi32>
      %add3A_69 = arith.addi %mul3A_6, %add3A_68 : vector<16xi32>
      %gather3A = tpu.vector_load_idx %arg6[%add3A_69] : memref<8320xi32, #tpu.memory_space<vmem>>[vector<16xi32>], vector<16xi32>,
      %mul3A_70 = arith.constant 26 : i32
      %mul3A_71 = arith.muli %scan3A_62, %mul3A_70 : i32
      %add3A_72 = arith.constant 1 : i32
      %add3A_73 = arith.addi %mul3A_71, %add3A_72 : i32
      %add3A_74 = vector.broadcast %add3A_73 : i32 to vector<16xi32>
      %add3A_75 = arith.addi %mul3A_6, %add3A_74 : vector<16xi32>
      %gather3A_76 = tpu.vector_load_idx %arg6[%add3A_75] : memref<8320xi32, #tpu.memory_space<vmem>>[vector<16xi32>], vector<16xi32>,
      %mul3A_77 = arith.constant 26 : i32
      %mul3A_78 = arith.muli %scan3A_62, %mul3A_77 : i32
      %add3A_79 = arith.constant 2 : i32
      %add3A_80 = arith.addi %mul3A_78, %add3A_79 : i32
      %add3A_81 = vector.broadcast %add3A_80 : i32 to vector<16xi32>
      %add3A_82 = arith.addi %mul3A_6, %add3A_81 : vector<16xi32>
      %gather3A_83 = tpu.vector_load_idx %arg6[%add3A_82] : memref<8320xi32, #tpu.memory_space<vmem>>[vector<16xi32>], vector<16xi32>,
      %mul3A_84 = arith.constant 26 : i32
      %mul3A_85 = arith.muli %scan3A_62, %mul3A_84 : i32
      %add3A_86 = arith.constant 3 : i32
      %add3A_87 = arith.addi %mul3A_85, %add3A_86 : i32
      %add3A_88 = vector.broadcast %add3A_87 : i32 to vector<16xi32>
      %add3A_89 = arith.addi %mul3A_6, %add3A_88 : vector<16xi32>
      %gather3A_90 = tpu.vector_load_idx %arg6[%add3A_89] : memref<8320xi32, #tpu.memory_space<vmem>>[vector<16xi32>], vector<16xi32>,
      %mul3A_91 = arith.constant 26 : i32
      %mul3A_92 = arith.muli %scan3A_62, %mul3A_91 : i32
      %add3A_93 = arith.constant 4 : i32
      %add3A_94 = arith.addi %mul3A_92, %add3A_93 : i32
      %add3A_95 = vector.broadcast %add3A_94 : i32 to vector<16xi32>
      %add3A_96 = arith.addi %mul3A_6, %add3A_95 : vector<16xi32>
      %gather3A_97 = tpu.vector_load_idx %arg6[%add3A_96] : memref<8320xi32, #tpu.memory_space<vmem>>[vector<16xi32>], vector<16xi32>,
      %mul3A_98 = arith.constant 26 : i32
      %mul3A_99 = arith.muli %scan3A_62, %mul3A_98 : i32
      %add3A_100 = arith.constant 5 : i32
      %add3A_101 = arith.addi %mul3A_99, %add3A_100 : i32
      %add3A_102 = vector.broadcast %add3A_101 : i32 to vector<16xi32>
      %add3A_103 = arith.addi %mul3A_6, %add3A_102 : vector<16xi32>
      %gather3A_104 = tpu.vector_load_idx %arg6[%add3A_103] : memref<8320xi32, #tpu.memory_space<vmem>>[vector<16xi32>], vector<16xi32>,
      %mul3A_105 = arith.constant 26 : i32
      %mul3A_106 = arith.muli %scan3A_62, %mul3A_105 : i32
      %add3A_107 = arith.constant 6 : i32
      %add3A_108 = arith.addi %mul3A_106, %add3A_107 : i32
      %add3A_109 = vector.broadcast %add3A_108 : i32 to vector<16xi32>
      %add3A_110 = arith.addi %mul3A_6, %add3A_109 : vector<16xi32>
      %gather3A_111 = tpu.vector_load_idx %arg6[%add3A_110] : memref<8320xi32, #tpu.memory_space<vmem>>[vector<16xi32>], vector<16xi32>,
      %mul3A_112 = arith.constant 26 : i32
      %mul3A_113 = arith.muli %scan3A_62, %mul3A_112 : i32
      %add3A_114 = arith.constant 7 : i32
      %add3A_115 = arith.addi %mul3A_113, %add3A_114 : i32
      %add3A_116 = vector.broadcast %add3A_115 : i32 to vector<16xi32>
      %add3A_117 = arith.addi %mul3A_6, %add3A_116 : vector<16xi32>
      %gather3A_118 = tpu.vector_load_idx %arg6[%add3A_117] : memref<8320xi32, #tpu.memory_space<vmem>>[vector<16xi32>], vector<16xi32>,
      %mul3A_119 = arith.constant 26 : i32
      %mul3A_120 = arith.muli %scan3A_62, %mul3A_119 : i32
      %add3A_121 = arith.constant 8 : i32
      %add3A_122 = arith.addi %mul3A_120, %add3A_121 : i32
      %add3A_123 = vector.broadcast %add3A_122 : i32 to vector<16xi32>
      %add3A_124 = arith.addi %mul3A_6, %add3A_123 : vector<16xi32>
      %gather3A_125 = tpu.vector_load_idx %arg6[%add3A_124] : memref<8320xi32, #tpu.memory_space<vmem>>[vector<16xi32>], vector<16xi32>,
      %mul3A_126 = arith.constant 26 : i32
      %mul3A_127 = arith.muli %scan3A_62, %mul3A_126 : i32
      %add3A_128 = arith.constant 9 : i32
      %add3A_129 = arith.addi %mul3A_127, %add3A_128 : i32
      %add3A_130 = vector.broadcast %add3A_129 : i32 to vector<16xi32>
      %add3A_131 = arith.addi %mul3A_6, %add3A_130 : vector<16xi32>
      %gather3A_132 = tpu.vector_load_idx %arg6[%add3A_131] : memref<8320xi32, #tpu.memory_space<vmem>>[vector<16xi32>], vector<16xi32>,
      %mul3A_133 = arith.constant 26 : i32
      %mul3A_134 = arith.muli %scan3A_62, %mul3A_133 : i32
      %add3A_135 = arith.constant 10 : i32
      %add3A_136 = arith.addi %mul3A_134, %add3A_135 : i32
      %add3A_137 = vector.broadcast %add3A_136 : i32 to vector<16xi32>
      %add3A_138 = arith.addi %mul3A_6, %add3A_137 : vector<16xi32>
      %gather3A_139 = tpu.vector_load_idx %arg6[%add3A_138] : memref<8320xi32, #tpu.memory_space<vmem>>[vector<16xi32>], vector<16xi32>,
      %mul3A_140 = arith.constant 26 : i32
      %mul3A_141 = arith.muli %scan3A_62, %mul3A_140 : i32
      %add3A_142 = arith.constant 11 : i32
      %add3A_143 = arith.addi %mul3A_141, %add3A_142 : i32
      %add3A_144 = vector.broadcast %add3A_143 : i32 to vector<16xi32>
      %add3A_145 = arith.addi %mul3A_6, %add3A_144 : vector<16xi32>
      %gather3A_146 = tpu.vector_load_idx %arg6[%add3A_145] : memref<8320xi32, #tpu.memory_space<vmem>>[vector<16xi32>], vector<16xi32>,
      %mul3A_147 = arith.constant 26 : i32
      %mul3A_148 = arith.muli %scan3A_62, %mul3A_147 : i32
      %add3A_149 = arith.constant 12 : i32
      %add3A_150 = arith.addi %mul3A_148, %add3A_149 : i32
      %add3A_151 = vector.broadcast %add3A_150 : i32 to vector<16xi32>
      %add3A_152 = arith.addi %mul3A_6, %add3A_151 : vector<16xi32>
      %gather3A_153 = tpu.vector_load_idx %arg6[%add3A_152] : memref<8320xi32, #tpu.memory_space<vmem>>[vector<16xi32>], vector<16xi32>,
      %mul3A_154 = arith.constant 26 : i32
      %mul3A_155 = arith.muli %scan3A_62, %mul3A_154 : i32
      %add3A_156 = arith.constant 13 : i32
      %add3A_157 = arith.addi %mul3A_155, %add3A_156 : i32
      %add3A_158 = vector.broadcast %add3A_157 : i32 to vector<16xi32>
      %add3A_159 = arith.addi %mul3A_6, %add3A_158 : vector<16xi32>
      %gather3A_160 = tpu.vector_load_idx %arg6[%add3A_159] : memref<8320xi32, #tpu.memory_space<vmem>>[vector<16xi32>], vector<16xi32>,
      %mul3A_161 = arith.constant 26 : i32
      %mul3A_162 = arith.muli %scan3A_62, %mul3A_161 : i32
      %add3A_163 = arith.constant 14 : i32
      %add3A_164 = arith.addi %mul3A_162, %add3A_163 : i32
      %add3A_165 = vector.broadcast %add3A_164 : i32 to vector<16xi32>
      %add3A_166 = arith.addi %mul3A_6, %add3A_165 : vector<16xi32>
      %gather3A_167 = tpu.vector_load_idx %arg6[%add3A_166] : memref<8320xi32, #tpu.memory_space<vmem>>[vector<16xi32>], vector<16xi32>,
      %mul3A_168 = arith.constant 26 : i32
      %mul3A_169 = arith.muli %scan3A_62, %mul3A_168 : i32
      %add3A_170 = arith.constant 15 : i32
      %add3A_171 = arith.addi %mul3A_169, %add3A_170 : i32
      %add3A_172 = vector.broadcast %add3A_171 : i32 to vector<16xi32>
      %add3A_173 = arith.addi %mul3A_6, %add3A_172 : vector<16xi32>
      %gather3A_174 = tpu.vector_load_idx %arg6[%add3A_173] : memref<8320xi32, #tpu.memory_space<vmem>>[vector<16xi32>], vector<16xi32>,
      %mul3A_175 = arith.constant 26 : i32
      %mul3A_176 = arith.muli %scan3A_62, %mul3A_175 : i32
      %add3A_177 = arith.constant 16 : i32
      %add3A_178 = arith.addi %mul3A_176, %add3A_177 : i32
      %add3A_179 = vector.broadcast %add3A_178 : i32 to vector<16xi32>
      %add3A_180 = arith.addi %mul3A_6, %add3A_179 : vector<16xi32>
      %gather3A_181 = tpu.vector_load_idx %arg6[%add3A_180] : memref<8320xi32, #tpu.memory_space<vmem>>[vector<16xi32>], vector<16xi32>,
      %mul3A_182 = arith.constant 26 : i32
      %mul3A_183 = arith.muli %scan3A_62, %mul3A_182 : i32
      %add3A_184 = arith.constant 17 : i32
      %add3A_185 = arith.addi %mul3A_183, %add3A_184 : i32
      %add3A_186 = vector.broadcast %add3A_185 : i32 to vector<16xi32>
      %add3A_187 = arith.addi %mul3A_6, %add3A_186 : vector<16xi32>
      %gather3A_188 = tpu.vector_load_idx %arg6[%add3A_187] : memref<8320xi32, #tpu.memory_space<vmem>>[vector<16xi32>], vector<16xi32>,
      %mul3A_189 = arith.constant 26 : i32
      %mul3A_190 = arith.muli %scan3A_62, %mul3A_189 : i32
      %add3A_191 = arith.constant 18 : i32
      %add3A_192 = arith.addi %mul3A_190, %add3A_191 : i32
      %add3A_193 = vector.broadcast %add3A_192 : i32 to vector<16xi32>
      %add3A_194 = arith.addi %mul3A_6, %add3A_193 : vector<16xi32>
      %gather3A_195 = tpu.vector_load_idx %arg6[%add3A_194] : memref<8320xi32, #tpu.memory_space<vmem>>[vector<16xi32>], vector<16xi32>,
      %mul3A_196 = arith.constant 26 : i32
      %mul3A_197 = arith.muli %scan3A_62, %mul3A_196 : i32
      %add3A_198 = arith.constant 19 : i32
      %add3A_199 = arith.addi %mul3A_197, %add3A_198 : i32
      %add3A_200 = vector.broadcast %add3A_199 : i32 to vector<16xi32>
      %add3A_201 = arith.addi %mul3A_6, %add3A_200 : vector<16xi32>
      %gather3A_202 = tpu.vector_load_idx %arg6[%add3A_201] : memref<8320xi32, #tpu.memory_space<vmem>>[vector<16xi32>], vector<16xi32>,
      %mul3A_203 = arith.constant 26 : i32
      %mul3A_204 = arith.muli %scan3A_62, %mul3A_203 : i32
      %add3A_205 = arith.constant 20 : i32
      %add3A_206 = arith.addi %mul3A_204, %add3A_205 : i32
      %add3A_207 = vector.broadcast %add3A_206 : i32 to vector<16xi32>
      %add3A_208 = arith.addi %mul3A_6, %add3A_207 : vector<16xi32>
      %gather3A_209 = tpu.vector_load_idx %arg6[%add3A_208] : memref<8320xi32, #tpu.memory_space<vmem>>[vector<16xi32>], vector<16xi32>,
      %mul3A_210 = arith.constant 26 : i32
      %mul3A_211 = arith.muli %scan3A_62, %mul3A_210 : i32
      %add3A_212 = arith.constant 21 : i32
      %add3A_213 = arith.addi %mul3A_211, %add3A_212 : i32
      %add3A_214 = vector.broadcast %add3A_213 : i32 to vector<16xi32>
      %add3A_215 = arith.addi %mul3A_6, %add3A_214 : vector<16xi32>
      %gather3A_216 = tpu.vector_load_idx %arg6[%add3A_215] : memref<8320xi32, #tpu.memory_space<vmem>>[vector<16xi32>], vector<16xi32>,
      %mul3A_217 = arith.constant 26 : i32
      %mul3A_218 = arith.muli %scan3A_62, %mul3A_217 : i32
      %add3A_219 = arith.constant 22 : i32
      %add3A_220 = arith.addi %mul3A_218, %add3A_219 : i32
      %add3A_221 = vector.broadcast %add3A_220 : i32 to vector<16xi32>
      %add3A_222 = arith.addi %mul3A_6, %add3A_221 : vector<16xi32>
      %gather3A_223 = tpu.vector_load_idx %arg6[%add3A_222] : memref<8320xi32, #tpu.memory_space<vmem>>[vector<16xi32>], vector<16xi32>,
      %mul3A_224 = arith.constant 26 : i32
      %mul3A_225 = arith.muli %scan3A_62, %mul3A_224 : i32
      %add3A_226 = arith.constant 23 : i32
      %add3A_227 = arith.addi %mul3A_225, %add3A_226 : i32
      %add3A_228 = vector.broadcast %add3A_227 : i32 to vector<16xi32>
      %add3A_229 = arith.addi %mul3A_6, %add3A_228 : vector<16xi32>
      %gather3A_230 = tpu.vector_load_idx %arg6[%add3A_229] : memref<8320xi32, #tpu.memory_space<vmem>>[vector<16xi32>], vector<16xi32>,
      %mul3A_231 = arith.constant 26 : i32
      %mul3A_232 = arith.muli %scan3A_62, %mul3A_231 : i32
      %add3A_233 = arith.constant 24 : i32
      %add3A_234 = arith.addi %mul3A_232, %add3A_233 : i32
      %add3A_235 = vector.broadcast %add3A_234 : i32 to vector<16xi32>
      %add3A_236 = arith.addi %mul3A_6, %add3A_235 : vector<16xi32>
      %gather3A_237 = tpu.vector_load_idx %arg6[%add3A_236] : memref<8320xi32, #tpu.memory_space<vmem>>[vector<16xi32>], vector<16xi32>,
      %mul3A_238 = arith.constant 26 : i32
      %mul3A_239 = arith.muli %scan3A_62, %mul3A_238 : i32
      %add3A_240 = arith.constant 25 : i32
      %add3A_241 = arith.addi %mul3A_239, %add3A_240 : i32
      %add3A_242 = vector.broadcast %add3A_241 : i32 to vector<16xi32>
      %add3A_243 = arith.addi %mul3A_6, %add3A_242 : vector<16xi32>
      %gather3A_244 = tpu.vector_load_idx %arg6[%add3A_243] : memref<8320xi32, #tpu.memory_space<vmem>>[vector<16xi32>], vector<16xi32>,
      %scan3A_245 = arith.constant 0 : i32
      %scan3A_246 = arith.constant 0 : i32
      %scan3A_247 = arith.constant 16 : i32
      %scan3A_248 = arith.addi %scan3A_246, %scan3A_247 : i32
      %scan3A_249 = arith.constant 1 : i32
      %scan3A_250 = scf.for %scan3A_253 = %scan3A_246 to %scan3A_248 step %scan3A_249 iter_args(%scan3A_254 = %scan3A_245) -> (i32)  : i32 {
        %mul3A_255 = arith.constant 201 : i32
        %mul3A_256 = arith.muli %scan3A_253, %mul3A_255 : i32
        %add3A_257 = vector.broadcast %mul3A_256 : i32 to vector<16xi32>
        %add3A_258 = arith.addi %gather3A, %add3A_257 : vector<16xi32>
        %gather3A_259 = tpu.vector_load_idx %arg5[%add3A_258] : memref<83616xi32, #tpu.memory_space<vmem>>[vector<16xi32>], vector<16xi32>,
        %add3A_260 = vector.broadcast %mul3A_256 : i32 to vector<16xi32>
        %add3A_261 = arith.addi %gather3A_76, %add3A_260 : vector<16xi32>
        %gather3A_262 = tpu.vector_load_idx %arg5[%add3A_261] : memref<83616xi32, #tpu.memory_space<vmem>>[vector<16xi32>], vector<16xi32>,
        %add3A_263 = vector.broadcast %mul3A_256 : i32 to vector<16xi32>
        %add3A_264 = arith.addi %gather3A_83, %add3A_263 : vector<16xi32>
        %gather3A_265 = tpu.vector_load_idx %arg5[%add3A_264] : memref<83616xi32, #tpu.memory_space<vmem>>[vector<16xi32>], vector<16xi32>,
        %add3A_266 = vector.broadcast %mul3A_256 : i32 to vector<16xi32>
        %add3A_267 = arith.addi %gather3A_90, %add3A_266 : vector<16xi32>
        %gather3A_268 = tpu.vector_load_idx %arg5[%add3A_267] : memref<83616xi32, #tpu.memory_space<vmem>>[vector<16xi32>], vector<16xi32>,
        %add3A_269 = vector.broadcast %mul3A_256 : i32 to vector<16xi32>
        %add3A_270 = arith.addi %gather3A_97, %add3A_269 : vector<16xi32>
        %gather3A_271 = tpu.vector_load_idx %arg5[%add3A_270] : memref<83616xi32, #tpu.memory_space<vmem>>[vector<16xi32>], vector<16xi32>,
        %add3A_272 = vector.broadcast %mul3A_256 : i32 to vector<16xi32>
        %add3A_273 = arith.addi %gather3A_104, %add3A_272 : vector<16xi32>
        %gather3A_274 = tpu.vector_load_idx %arg5[%add3A_273] : memref<83616xi32, #tpu.memory_space<vmem>>[vector<16xi32>], vector<16xi32>,
        %add3A_275 = vector.broadcast %mul3A_256 : i32 to vector<16xi32>
        %add3A_276 = arith.addi %gather3A_111, %add3A_275 : vector<16xi32>
        %gather3A_277 = tpu.vector_load_idx %arg5[%add3A_276] : memref<83616xi32, #tpu.memory_space<vmem>>[vector<16xi32>], vector<16xi32>,
        %add3A_278 = vector.broadcast %mul3A_256 : i32 to vector<16xi32>
        %add3A_279 = arith.addi %gather3A_118, %add3A_278 : vector<16xi32>
        %gather3A_280 = tpu.vector_load_idx %arg5[%add3A_279] : memref<83616xi32, #tpu.memory_space<vmem>>[vector<16xi32>], vector<16xi32>,
        %add3A_281 = vector.broadcast %mul3A_256 : i32 to vector<16xi32>
        %add3A_282 = arith.addi %gather3A_125, %add3A_281 : vector<16xi32>
        %gather3A_283 = tpu.vector_load_idx %arg5[%add3A_282] : memref<83616xi32, #tpu.memory_space<vmem>>[vector<16xi32>], vector<16xi32>,
        %add3A_284 = vector.broadcast %mul3A_256 : i32 to vector<16xi32>
        %add3A_285 = arith.addi %gather3A_132, %add3A_284 : vector<16xi32>
        %gather3A_286 = tpu.vector_load_idx %arg5[%add3A_285] : memref<83616xi32, #tpu.memory_space<vmem>>[vector<16xi32>], vector<16xi32>,
        %add3A_287 = vector.broadcast %mul3A_256 : i32 to vector<16xi32>
        %add3A_288 = arith.addi %gather3A_139, %add3A_287 : vector<16xi32>
        %gather3A_289 = tpu.vector_load_idx %arg5[%add3A_288] : memref<83616xi32, #tpu.memory_space<vmem>>[vector<16xi32>], vector<16xi32>,
        %add3A_290 = vector.broadcast %mul3A_256 : i32 to vector<16xi32>
        %add3A_291 = arith.addi %gather3A_146, %add3A_290 : vector<16xi32>
        %gather3A_292 = tpu.vector_load_idx %arg5[%add3A_291] : memref<83616xi32, #tpu.memory_space<vmem>>[vector<16xi32>], vector<16xi32>,
        %add3A_293 = vector.broadcast %mul3A_256 : i32 to vector<16xi32>
        %add3A_294 = arith.addi %gather3A_153, %add3A_293 : vector<16xi32>
        %gather3A_295 = tpu.vector_load_idx %arg5[%add3A_294] : memref<83616xi32, #tpu.memory_space<vmem>>[vector<16xi32>], vector<16xi32>,
        %add3A_296 = vector.broadcast %mul3A_256 : i32 to vector<16xi32>
        %add3A_297 = arith.addi %gather3A_160, %add3A_296 : vector<16xi32>
        %gather3A_298 = tpu.vector_load_idx %arg5[%add3A_297] : memref<83616xi32, #tpu.memory_space<vmem>>[vector<16xi32>], vector<16xi32>,
        %add3A_299 = vector.broadcast %mul3A_256 : i32 to vector<16xi32>
        %add3A_300 = arith.addi %gather3A_167, %add3A_299 : vector<16xi32>
        %gather3A_301 = tpu.vector_load_idx %arg5[%add3A_300] : memref<83616xi32, #tpu.memory_space<vmem>>[vector<16xi32>], vector<16xi32>,
        %add3A_302 = vector.broadcast %mul3A_256 : i32 to vector<16xi32>
        %add3A_303 = arith.addi %gather3A_174, %add3A_302 : vector<16xi32>
        %gather3A_304 = tpu.vector_load_idx %arg5[%add3A_303] : memref<83616xi32, #tpu.memory_space<vmem>>[vector<16xi32>], vector<16xi32>,
        %add3A_305 = vector.broadcast %mul3A_256 : i32 to vector<16xi32>
        %add3A_306 = arith.addi %gather3A_181, %add3A_305 : vector<16xi32>
        %gather3A_307 = tpu.vector_load_idx %arg5[%add3A_306] : memref<83616xi32, #tpu.memory_space<vmem>>[vector<16xi32>], vector<16xi32>,
        %add3A_308 = vector.broadcast %mul3A_256 : i32 to vector<16xi32>
        %add3A_309 = arith.addi %gather3A_188, %add3A_308 : vector<16xi32>
        %gather3A_310 = tpu.vector_load_idx %arg5[%add3A_309] : memref<83616xi32, #tpu.memory_space<vmem>>[vector<16xi32>], vector<16xi32>,
        %add3A_311 = vector.broadcast %mul3A_256 : i32 to vector<16xi32>
        %add3A_312 = arith.addi %gather3A_195, %add3A_311 : vector<16xi32>
        %gather3A_313 = tpu.vector_load_idx %arg5[%add3A_312] : memref<83616xi32, #tpu.memory_space<vmem>>[vector<16xi32>], vector<16xi32>,
        %add3A_314 = vector.broadcast %mul3A_256 : i32 to vector<16xi32>
        %add3A_315 = arith.addi %gather3A_202, %add3A_314 : vector<16xi32>
        %gather3A_316 = tpu.vector_load_idx %arg5[%add3A_315] : memref<83616xi32, #tpu.memory_space<vmem>>[vector<16xi32>], vector<16xi32>,
        %add3A_317 = vector.broadcast %mul3A_256 : i32 to vector<16xi32>
        %add3A_318 = arith.addi %gather3A_209, %add3A_317 : vector<16xi32>
        %gather3A_319 = tpu.vector_load_idx %arg5[%add3A_318] : memref<83616xi32, #tpu.memory_space<vmem>>[vector<16xi32>], vector<16xi32>,
        %add3A_320 = vector.broadcast %mul3A_256 : i32 to vector<16xi32>
        %add3A_321 = arith.addi %gather3A_216, %add3A_320 : vector<16xi32>
        %gather3A_322 = tpu.vector_load_idx %arg5[%add3A_321] : memref<83616xi32, #tpu.memory_space<vmem>>[vector<16xi32>], vector<16xi32>,
        %add3A_323 = vector.broadcast %mul3A_256 : i32 to vector<16xi32>
        %add3A_324 = arith.addi %gather3A_223, %add3A_323 : vector<16xi32>
        %gather3A_325 = tpu.vector_load_idx %arg5[%add3A_324] : memref<83616xi32, #tpu.memory_space<vmem>>[vector<16xi32>], vector<16xi32>,
        %add3A_326 = vector.broadcast %mul3A_256 : i32 to vector<16xi32>
        %add3A_327 = arith.addi %gather3A_230, %add3A_326 : vector<16xi32>
        %gather3A_328 = tpu.vector_load_idx %arg5[%add3A_327] : memref<83616xi32, #tpu.memory_space<vmem>>[vector<16xi32>], vector<16xi32>,
        %add3A_329 = vector.broadcast %mul3A_256 : i32 to vector<16xi32>
        %add3A_330 = arith.addi %gather3A_237, %add3A_329 : vector<16xi32>
        %gather3A_331 = tpu.vector_load_idx %arg5[%add3A_330] : memref<83616xi32, #tpu.memory_space<vmem>>[vector<16xi32>], vector<16xi32>,
        %add3A_332 = vector.broadcast %mul3A_256 : i32 to vector<16xi32>
        %add3A_333 = arith.addi %gather3A_244, %add3A_332 : vector<16xi32>
        %gather3A_334 = tpu.vector_load_idx %arg5[%add3A_333] : memref<83616xi32, #tpu.memory_space<vmem>>[vector<16xi32>], vector<16xi32>,
        %add3A_335 = arith.addi %gather3A_259, %gather3A_262 : vector<16xi32>
        %add3A_336 = arith.addi %gather3A_265, %gather3A_268 : vector<16xi32>
        %add3A_337 = arith.addi %gather3A_271, %gather3A_274 : vector<16xi32>
        %add3A_338 = arith.addi %gather3A_277, %gather3A_280 : vector<16xi32>
        %add3A_339 = arith.addi %gather3A_283, %gather3A_286 : vector<16xi32>
        %add3A_340 = arith.addi %gather3A_289, %gather3A_292 : vector<16xi32>
        %add3A_341 = arith.addi %gather3A_295, %gather3A_298 : vector<16xi32>
        %add3A_342 = arith.addi %gather3A_301, %gather3A_304 : vector<16xi32>
        %add3A_343 = arith.addi %gather3A_307, %gather3A_310 : vector<16xi32>
        %add3A_344 = arith.addi %gather3A_313, %gather3A_316 : vector<16xi32>
        %add3A_345 = arith.addi %gather3A_319, %gather3A_322 : vector<16xi32>
        %add3A_346 = arith.addi %gather3A_325, %gather3A_328 : vector<16xi32>
        %add3A_347 = arith.addi %gather3A_331, %gather3A_334 : vector<16xi32>
        %add3A_348 = arith.addi %add3A_335, %add3A_336 : vector<16xi32>
        %add3A_349 = arith.addi %add3A_337, %add3A_338 : vector<16xi32>
        %add3A_350 = arith.addi %add3A_339, %add3A_340 : vector<16xi32>
        %add3A_351 = arith.addi %add3A_341, %add3A_342 : vector<16xi32>
        %add3A_352 = arith.addi %add3A_343, %add3A_344 : vector<16xi32>
        %add3A_353 = arith.addi %add3A_345, %add3A_346 : vector<16xi32>
        %add3A_354 = arith.addi %add3A_348, %add3A_349 : vector<16xi32>
        %add3A_355 = arith.addi %add3A_350, %add3A_351 : vector<16xi32>
        %add3A_356 = arith.addi %add3A_352, %add3A_353 : vector<16xi32>
        %add3A_357 = arith.addi %add3A_354, %add3A_355 : vector<16xi32>
        %add3A_358 = arith.addi %add3A_356, %add3A_347 : vector<16xi32>
        %add3A_359 = arith.addi %add3A_357, %add3A_358 : vector<16xi32>
        %shift_right_arithmetic3A = arith.constant 0 : i32
        %shift_right_arithmetic3A_360 = vector.broadcast %shift_right_arithmetic3A : i32 to vector<16xi32>
        %shift_right_arithmetic3A_361 = arith.shrsi %add3A_359, %shift_right_arithmetic3A_360 : vector<16xi32>
        %and3A = arith.constant 255 : i32
        %and3A_362 = vector.broadcast %and3A : i32 to vector<16xi32>
        %and3A_363 = arith.andi %shift_right_arithmetic3A_361, %and3A_362 : vector<16xi32>
        %sub3A = arith.constant 26 : i32
        %sub3A_364 = vector.broadcast %sub3A : i32 to vector<16xi32>
        %sub3A_365 = arith.subi %and3A_363, %sub3A_364 : vector<16xi32>
        %convert_element_type3A = arith.sitofp %sub3A_365 : vector<16xi32> to vector<16xf32>
        %mul3A_366 = arith.constant 64 : i32
        %mul3A_367 = arith.muli %scan3A_62, %mul3A_366 : i32
        %add3A_368 = arith.constant 0 : i32
        %add3A_369 = arith.addi %mul3A_367, %add3A_368 : i32
        %add3A_370 = arith.addi %add3A_369, %scan3A_253 : i32
        %mul3A_371 = arith.constant 16 : i32
        %mul3A_372 = arith.muli %add3A_370, %mul3A_371 : i32
        %swap3A = arith.index_cast %mul3A_372 : i32 to index
        %swap3A_373 = tpu.vector_load %arg7[%swap3A] {strides = array<i32>} : memref<20480xf32, #tpu.memory_space<vmem>>, vector<16xf32>,
        tpu.vector_store %arg7[%swap3A], %convert_element_type3A {strides = array<i32>} : memref<20480xf32, #tpu.memory_space<vmem>>, vector<16xf32>,
        %shift_right_arithmetic3A_374 = arith.constant 8 : i32
        %shift_right_arithmetic3A_375 = vector.broadcast %shift_right_arithmetic3A_374 : i32 to vector<16xi32>
        %shift_right_arithmetic3A_376 = arith.shrsi %add3A_359, %shift_right_arithmetic3A_375 : vector<16xi32>
        %and3A_377 = arith.constant 255 : i32
        %and3A_378 = vector.broadcast %and3A_377 : i32 to vector<16xi32>
        %and3A_379 = arith.andi %shift_right_arithmetic3A_376, %and3A_378 : vector<16xi32>
        %sub3A_380 = arith.constant 26 : i32
        %sub3A_381 = vector.broadcast %sub3A_380 : i32 to vector<16xi32>
        %sub3A_382 = arith.subi %and3A_379, %sub3A_381 : vector<16xi32>
        %convert_element_type3A_383 = arith.sitofp %sub3A_382 : vector<16xi32> to vector<16xf32>
        %mul3A_384 = arith.constant 64 : i32
        %mul3A_385 = arith.muli %scan3A_62, %mul3A_384 : i32
        %add3A_386 = arith.constant 16 : i32
        %add3A_387 = arith.addi %mul3A_385, %add3A_386 : i32
        %add3A_388 = arith.addi %add3A_387, %scan3A_253 : i32
        %mul3A_389 = arith.constant 16 : i32
        %mul3A_390 = arith.muli %add3A_388, %mul3A_389 : i32
        %swap3A_391 = arith.index_cast %mul3A_390 : i32 to index
        %swap3A_392 = tpu.vector_load %arg7[%swap3A_391] {strides = array<i32>} : memref<20480xf32, #tpu.memory_space<vmem>>, vector<16xf32>,
        tpu.vector_store %arg7[%swap3A_391], %convert_element_type3A_383 {strides = array<i32>} : memref<20480xf32, #tpu.memory_space<vmem>>, vector<16xf32>,
        %shift_right_arithmetic3A_393 = arith.constant 16 : i32
        %shift_right_arithmetic3A_394 = vector.broadcast %shift_right_arithmetic3A_393 : i32 to vector<16xi32>
        %shift_right_arithmetic3A_395 = arith.shrsi %add3A_359, %shift_right_arithmetic3A_394 : vector<16xi32>
        %and3A_396 = arith.constant 255 : i32
        %and3A_397 = vector.broadcast %and3A_396 : i32 to vector<16xi32>
        %and3A_398 = arith.andi %shift_right_arithmetic3A_395, %and3A_397 : vector<16xi32>
        %sub3A_399 = arith.constant 26 : i32
        %sub3A_400 = vector.broadcast %sub3A_399 : i32 to vector<16xi32>
        %sub3A_401 = arith.subi %and3A_398, %sub3A_400 : vector<16xi32>
        %convert_element_type3A_402 = arith.sitofp %sub3A_401 : vector<16xi32> to vector<16xf32>
        %mul3A_403 = arith.constant 64 : i32
        %mul3A_404 = arith.muli %scan3A_62, %mul3A_403 : i32
        %add3A_405 = arith.constant 32 : i32
        %add3A_406 = arith.addi %mul3A_404, %add3A_405 : i32
        %add3A_407 = arith.addi %add3A_406, %scan3A_253 : i32
        %mul3A_408 = arith.constant 16 : i32
        %mul3A_409 = arith.muli %add3A_407, %mul3A_408 : i32
        %swap3A_410 = arith.index_cast %mul3A_409 : i32 to index
        %swap3A_411 = tpu.vector_load %arg7[%swap3A_410] {strides = array<i32>} : memref<20480xf32, #tpu.memory_space<vmem>>, vector<16xf32>,
        tpu.vector_store %arg7[%swap3A_410], %convert_element_type3A_402 {strides = array<i32>} : memref<20480xf32, #tpu.memory_space<vmem>>, vector<16xf32>,
        %shift_right_arithmetic3A_412 = arith.constant 24 : i32
        %shift_right_arithmetic3A_413 = vector.broadcast %shift_right_arithmetic3A_412 : i32 to vector<16xi32>
        %shift_right_arithmetic3A_414 = arith.shrsi %add3A_359, %shift_right_arithmetic3A_413 : vector<16xi32>
        %and3A_415 = arith.constant 255 : i32
        %and3A_416 = vector.broadcast %and3A_415 : i32 to vector<16xi32>
        %and3A_417 = arith.andi %shift_right_arithmetic3A_414, %and3A_416 : vector<16xi32>
        %sub3A_418 = arith.constant 26 : i32
        %sub3A_419 = vector.broadcast %sub3A_418 : i32 to vector<16xi32>
        %sub3A_420 = arith.subi %and3A_417, %sub3A_419 : vector<16xi32>
        %convert_element_type3A_421 = arith.sitofp %sub3A_420 : vector<16xi32> to vector<16xf32>
        %mul3A_422 = arith.constant 64 : i32
        %mul3A_423 = arith.muli %scan3A_62, %mul3A_422 : i32
        %add3A_424 = arith.constant 48 : i32
        %add3A_425 = arith.addi %mul3A_423, %add3A_424 : i32
        %add3A_426 = arith.addi %add3A_425, %scan3A_253 : i32
        %mul3A_427 = arith.constant 16 : i32
        %mul3A_428 = arith.muli %add3A_426, %mul3A_427 : i32
        %swap3A_429 = arith.index_cast %mul3A_428 : i32 to index
        %swap3A_430 = tpu.vector_load %arg7[%swap3A_429] {strides = array<i32>} : memref<20480xf32, #tpu.memory_space<vmem>>, vector<16xf32>,
        tpu.vector_store %arg7[%swap3A_429], %convert_element_type3A_421 {strides = array<i32>} : memref<20480xf32, #tpu.memory_space<vmem>>, vector<16xf32>,
        %scan3A_431 = arith.constant 0 : i32
        scf.yield %scan3A_431 : i32
      }
      %scan3A_251 = arith.constant 16 : i32
      %scan3A_252 = arith.constant 0 : i32
      scf.yield %scan3A_252 : i32
    }
    %scan3A_46 = arith.constant 20 : i32
    %scan3A_47 = arith.constant 0 : i32
    %scan3A_48 = arith.constant 0 : i32
    %scan3A_49 = arith.constant 64 : i32
    %scan3A_50 = arith.addi %scan3A_48, %scan3A_49 : i32
    %scan3A_51 = arith.constant 1 : i32
    %scan3A_52 = scf.for %scan3A_62 = %scan3A_48 to %scan3A_50 step %scan3A_51 iter_args(%scan3A_63 = %scan3A_47) -> (i32)  : i32 {
      %add3A_64 = arith.constant 61 : i32
      %add3A_65 = arith.addi %scan3A_62, %add3A_64 : i32
      %and3A = arith.constant 63 : i32
      %and3A_66 = arith.andi %add3A_65, %and3A : i32
      %add3A_67 = arith.constant 62 : i32
      %add3A_68 = arith.addi %scan3A_62, %add3A_67 : i32
      %and3A_69 = arith.constant 63 : i32
      %and3A_70 = arith.andi %add3A_68, %and3A_69 : i32
      %add3A_71 = arith.constant 63 : i32
      %add3A_72 = arith.addi %scan3A_62, %add3A_71 : i32
      %and3A_73 = arith.constant 63 : i32
      %and3A_74 = arith.andi %add3A_72, %and3A_73 : i32
      %add3A_75 = arith.constant 0 : i32
      %add3A_76 = arith.addi %add3A_75, %and3A_66 : i32
      %mul3A_77 = arith.constant 16 : i32
      %mul3A_78 = arith.muli %add3A_76, %mul3A_77 : i32
      %get3A = arith.index_cast %mul3A_78 : i32 to index
      %get3A_79 = tpu.vector_load %arg7[%get3A] {strides = array<i32>} : memref<20480xf32, #tpu.memory_space<vmem>>, vector<16xf32>,
      %add3A_80 = arith.constant 64 : i32
      %add3A_81 = arith.addi %add3A_80, %and3A_70 : i32
      %mul3A_82 = arith.constant 16 : i32
      %mul3A_83 = arith.muli %add3A_81, %mul3A_82 : i32
      %get3A_84 = arith.index_cast %mul3A_83 : i32 to index
      %get3A_85 = tpu.vector_load %arg7[%get3A_84] {strides = array<i32>} : memref<20480xf32, #tpu.memory_space<vmem>>, vector<16xf32>,
      %mul3A_86 = arith.mulf %get3A_79, %get3A_85 : vector<16xf32>
      %add3A_87 = arith.constant 128 : i32
      %add3A_88 = arith.addi %add3A_87, %and3A_74 : i32
      %mul3A_89 = arith.constant 16 : i32
      %mul3A_90 = arith.muli %add3A_88, %mul3A_89 : i32
      %get3A_91 = arith.index_cast %mul3A_90 : i32 to index
      %get3A_92 = tpu.vector_load %arg7[%get3A_91] {strides = array<i32>} : memref<20480xf32, #tpu.memory_space<vmem>>, vector<16xf32>,
      %mul3A_93 = arith.mulf %mul3A_86, %get3A_92 : vector<16xf32>
      %add3A_94 = arith.constant 192 : i32
      %add3A_95 = arith.addi %add3A_94, %scan3A_62 : i32
      %mul3A_96 = arith.constant 16 : i32
      %mul3A_97 = arith.muli %add3A_95, %mul3A_96 : i32
      %get3A_98 = arith.index_cast %mul3A_97 : i32 to index
      %get3A_99 = tpu.vector_load %arg7[%get3A_98] {strides = array<i32>} : memref<20480xf32, #tpu.memory_space<vmem>>, vector<16xf32>,
      %mul3A_100 = arith.mulf %mul3A_93, %get3A_99 : vector<16xf32>
      %add3A_101 = arith.constant 64 : i32
      %add3A_102 = arith.addi %add3A_101, %and3A_66 : i32
      %mul3A_103 = arith.constant 16 : i32
      %mul3A_104 = arith.muli %add3A_102, %mul3A_103 : i32
      %get3A_105 = arith.index_cast %mul3A_104 : i32 to index
      %get3A_106 = tpu.vector_load %arg7[%get3A_105] {strides = array<i32>} : memref<20480xf32, #tpu.memory_space<vmem>>, vector<16xf32>,
      %add3A_107 = arith.constant 128 : i32
      %add3A_108 = arith.addi %add3A_107, %and3A_70 : i32
      %mul3A_109 = arith.constant 16 : i32
      %mul3A_110 = arith.muli %add3A_108, %mul3A_109 : i32
      %get3A_111 = arith.index_cast %mul3A_110 : i32 to index
      %get3A_112 = tpu.vector_load %arg7[%get3A_111] {strides = array<i32>} : memref<20480xf32, #tpu.memory_space<vmem>>, vector<16xf32>,
      %mul3A_113 = arith.mulf %get3A_106, %get3A_112 : vector<16xf32>
      %add3A_114 = arith.constant 192 : i32
      %add3A_115 = arith.addi %add3A_114, %and3A_74 : i32
      %mul3A_116 = arith.constant 16 : i32
      %mul3A_117 = arith.muli %add3A_115, %mul3A_116 : i32
      %get3A_118 = arith.index_cast %mul3A_117 : i32 to index
      %get3A_119 = tpu.vector_load %arg7[%get3A_118] {strides = array<i32>} : memref<20480xf32, #tpu.memory_space<vmem>>, vector<16xf32>,
      %mul3A_120 = arith.mulf %mul3A_113, %get3A_119 : vector<16xf32>
      %add3A_121 = arith.constant 256 : i32
      %add3A_122 = arith.addi %add3A_121, %scan3A_62 : i32
      %mul3A_123 = arith.constant 16 : i32
      %mul3A_124 = arith.muli %add3A_122, %mul3A_123 : i32
      %get3A_125 = arith.index_cast %mul3A_124 : i32 to index
      %get3A_126 = tpu.vector_load %arg7[%get3A_125] {strides = array<i32>} : memref<20480xf32, #tpu.memory_space<vmem>>, vector<16xf32>,
      %mul3A_127 = arith.mulf %mul3A_120, %get3A_126 : vector<16xf32>
      %add3A_128 = arith.constant 128 : i32
      %add3A_129 = arith.addi %add3A_128, %and3A_66 : i32
      %mul3A_130 = arith.constant 16 : i32
      %mul3A_131 = arith.muli %add3A_129, %mul3A_130 : i32
      %get3A_132 = arith.index_cast %mul3A_131 : i32 to index
      %get3A_133 = tpu.vector_load %arg7[%get3A_132] {strides = array<i32>} : memref<20480xf32, #tpu.memory_space<vmem>>, vector<16xf32>,
      %add3A_134 = arith.constant 192 : i32
      %add3A_135 = arith.addi %add3A_134, %and3A_70 : i32
      %mul3A_136 = arith.constant 16 : i32
      %mul3A_137 = arith.muli %add3A_135, %mul3A_136 : i32
      %get3A_138 = arith.index_cast %mul3A_137 : i32 to index
      %get3A_139 = tpu.vector_load %arg7[%get3A_138] {strides = array<i32>} : memref<20480xf32, #tpu.memory_space<vmem>>, vector<16xf32>,
      %mul3A_140 = arith.mulf %get3A_133, %get3A_139 : vector<16xf32>
      %add3A_141 = arith.constant 256 : i32
      %add3A_142 = arith.addi %add3A_141, %and3A_74 : i32
      %mul3A_143 = arith.constant 16 : i32
      %mul3A_144 = arith.muli %add3A_142, %mul3A_143 : i32
      %get3A_145 = arith.index_cast %mul3A_144 : i32 to index
      %get3A_146 = tpu.vector_load %arg7[%get3A_145] {strides = array<i32>} : memref<20480xf32, #tpu.memory_space<vmem>>, vector<16xf32>,
      %mul3A_147 = arith.mulf %mul3A_140, %get3A_146 : vector<16xf32>
      %add3A_148 = arith.constant 320 : i32
      %add3A_149 = arith.addi %add3A_148, %scan3A_62 : i32
      %mul3A_150 = arith.constant 16 : i32
      %mul3A_151 = arith.muli %add3A_149, %mul3A_150 : i32
      %get3A_152 = arith.index_cast %mul3A_151 : i32 to index
      %get3A_153 = tpu.vector_load %arg7[%get3A_152] {strides = array<i32>} : memref<20480xf32, #tpu.memory_space<vmem>>, vector<16xf32>,
      %mul3A_154 = arith.mulf %mul3A_147, %get3A_153 : vector<16xf32>
      %add3A_155 = arith.constant 192 : i32
      %add3A_156 = arith.addi %add3A_155, %and3A_66 : i32
      %mul3A_157 = arith.constant 16 : i32
      %mul3A_158 = arith.muli %add3A_156, %mul3A_157 : i32
      %get3A_159 = arith.index_cast %mul3A_158 : i32 to index
      %get3A_160 = tpu.vector_load %arg7[%get3A_159] {strides = array<i32>} : memref<20480xf32, #tpu.memory_space<vmem>>, vector<16xf32>,
      %add3A_161 = arith.constant 256 : i32
      %add3A_162 = arith.addi %add3A_161, %and3A_70 : i32
      %mul3A_163 = arith.constant 16 : i32
      %mul3A_164 = arith.muli %add3A_162, %mul3A_163 : i32
      %get3A_165 = arith.index_cast %mul3A_164 : i32 to index
      %get3A_166 = tpu.vector_load %arg7[%get3A_165] {strides = array<i32>} : memref<20480xf32, #tpu.memory_space<vmem>>, vector<16xf32>,
      %mul3A_167 = arith.mulf %get3A_160, %get3A_166 : vector<16xf32>
      %add3A_168 = arith.constant 320 : i32
      %add3A_169 = arith.addi %add3A_168, %and3A_74 : i32
      %mul3A_170 = arith.constant 16 : i32
      %mul3A_171 = arith.muli %add3A_169, %mul3A_170 : i32
      %get3A_172 = arith.index_cast %mul3A_171 : i32 to index
      %get3A_173 = tpu.vector_load %arg7[%get3A_172] {strides = array<i32>} : memref<20480xf32, #tpu.memory_space<vmem>>, vector<16xf32>,
      %mul3A_174 = arith.mulf %mul3A_167, %get3A_173 : vector<16xf32>
      %add3A_175 = arith.constant 384 : i32
      %add3A_176 = arith.addi %add3A_175, %scan3A_62 : i32
      %mul3A_177 = arith.constant 16 : i32
      %mul3A_178 = arith.muli %add3A_176, %mul3A_177 : i32
      %get3A_179 = arith.index_cast %mul3A_178 : i32 to index
      %get3A_180 = tpu.vector_load %arg7[%get3A_179] {strides = array<i32>} : memref<20480xf32, #tpu.memory_space<vmem>>, vector<16xf32>,
      %mul3A_181 = arith.mulf %mul3A_174, %get3A_180 : vector<16xf32>
      %add3A_182 = arith.constant 256 : i32
      %add3A_183 = arith.addi %add3A_182, %and3A_66 : i32
      %mul3A_184 = arith.constant 16 : i32
      %mul3A_185 = arith.muli %add3A_183, %mul3A_184 : i32
      %get3A_186 = arith.index_cast %mul3A_185 : i32 to index
      %get3A_187 = tpu.vector_load %arg7[%get3A_186] {strides = array<i32>} : memref<20480xf32, #tpu.memory_space<vmem>>, vector<16xf32>,
      %add3A_188 = arith.constant 320 : i32
      %add3A_189 = arith.addi %add3A_188, %and3A_70 : i32
      %mul3A_190 = arith.constant 16 : i32
      %mul3A_191 = arith.muli %add3A_189, %mul3A_190 : i32
      %get3A_192 = arith.index_cast %mul3A_191 : i32 to index
      %get3A_193 = tpu.vector_load %arg7[%get3A_192] {strides = array<i32>} : memref<20480xf32, #tpu.memory_space<vmem>>, vector<16xf32>,
      %mul3A_194 = arith.mulf %get3A_187, %get3A_193 : vector<16xf32>
      %add3A_195 = arith.constant 384 : i32
      %add3A_196 = arith.addi %add3A_195, %and3A_74 : i32
      %mul3A_197 = arith.constant 16 : i32
      %mul3A_198 = arith.muli %add3A_196, %mul3A_197 : i32
      %get3A_199 = arith.index_cast %mul3A_198 : i32 to index
      %get3A_200 = tpu.vector_load %arg7[%get3A_199] {strides = array<i32>} : memref<20480xf32, #tpu.memory_space<vmem>>, vector<16xf32>,
      %mul3A_201 = arith.mulf %mul3A_194, %get3A_200 : vector<16xf32>
      %add3A_202 = arith.constant 448 : i32
      %add3A_203 = arith.addi %add3A_202, %scan3A_62 : i32
      %mul3A_204 = arith.constant 16 : i32
      %mul3A_205 = arith.muli %add3A_203, %mul3A_204 : i32
      %get3A_206 = arith.index_cast %mul3A_205 : i32 to index
      %get3A_207 = tpu.vector_load %arg7[%get3A_206] {strides = array<i32>} : memref<20480xf32, #tpu.memory_space<vmem>>, vector<16xf32>,
      %mul3A_208 = arith.mulf %mul3A_201, %get3A_207 : vector<16xf32>
      %add3A_209 = arith.constant 320 : i32
      %add3A_210 = arith.addi %add3A_209, %and3A_66 : i32
      %mul3A_211 = arith.constant 16 : i32
      %mul3A_212 = arith.muli %add3A_210, %mul3A_211 : i32
      %get3A_213 = arith.index_cast %mul3A_212 : i32 to index
      %get3A_214 = tpu.vector_load %arg7[%get3A_213] {strides = array<i32>} : memref<20480xf32, #tpu.memory_space<vmem>>, vector<16xf32>,
      %add3A_215 = arith.constant 384 : i32
      %add3A_216 = arith.addi %add3A_215, %and3A_70 : i32
      %mul3A_217 = arith.constant 16 : i32
      %mul3A_218 = arith.muli %add3A_216, %mul3A_217 : i32
      %get3A_219 = arith.index_cast %mul3A_218 : i32 to index
      %get3A_220 = tpu.vector_load %arg7[%get3A_219] {strides = array<i32>} : memref<20480xf32, #tpu.memory_space<vmem>>, vector<16xf32>,
      %mul3A_221 = arith.mulf %get3A_214, %get3A_220 : vector<16xf32>
      %add3A_222 = arith.constant 448 : i32
      %add3A_223 = arith.addi %add3A_222, %and3A_74 : i32
      %mul3A_224 = arith.constant 16 : i32
      %mul3A_225 = arith.muli %add3A_223, %mul3A_224 : i32
      %get3A_226 = arith.index_cast %mul3A_225 : i32 to index
      %get3A_227 = tpu.vector_load %arg7[%get3A_226] {strides = array<i32>} : memref<20480xf32, #tpu.memory_space<vmem>>, vector<16xf32>,
      %mul3A_228 = arith.mulf %mul3A_221, %get3A_227 : vector<16xf32>
      %add3A_229 = arith.constant 512 : i32
      %add3A_230 = arith.addi %add3A_229, %scan3A_62 : i32
      %mul3A_231 = arith.constant 16 : i32
      %mul3A_232 = arith.muli %add3A_230, %mul3A_231 : i32
      %get3A_233 = arith.index_cast %mul3A_232 : i32 to index
      %get3A_234 = tpu.vector_load %arg7[%get3A_233] {strides = array<i32>} : memref<20480xf32, #tpu.memory_space<vmem>>, vector<16xf32>,
      %mul3A_235 = arith.mulf %mul3A_228, %get3A_234 : vector<16xf32>
      %add3A_236 = arith.constant 384 : i32
      %add3A_237 = arith.addi %add3A_236, %and3A_66 : i32
      %mul3A_238 = arith.constant 16 : i32
      %mul3A_239 = arith.muli %add3A_237, %mul3A_238 : i32
      %get3A_240 = arith.index_cast %mul3A_239 : i32 to index
      %get3A_241 = tpu.vector_load %arg7[%get3A_240] {strides = array<i32>} : memref<20480xf32, #tpu.memory_space<vmem>>, vector<16xf32>,
      %add3A_242 = arith.constant 448 : i32
      %add3A_243 = arith.addi %add3A_242, %and3A_70 : i32
      %mul3A_244 = arith.constant 16 : i32
      %mul3A_245 = arith.muli %add3A_243, %mul3A_244 : i32
      %get3A_246 = arith.index_cast %mul3A_245 : i32 to index
      %get3A_247 = tpu.vector_load %arg7[%get3A_246] {strides = array<i32>} : memref<20480xf32, #tpu.memory_space<vmem>>, vector<16xf32>,
      %mul3A_248 = arith.mulf %get3A_241, %get3A_247 : vector<16xf32>
      %add3A_249 = arith.constant 512 : i32
      %add3A_250 = arith.addi %add3A_249, %and3A_74 : i32
      %mul3A_251 = arith.constant 16 : i32
      %mul3A_252 = arith.muli %add3A_250, %mul3A_251 : i32
      %get3A_253 = arith.index_cast %mul3A_252 : i32 to index
      %get3A_254 = tpu.vector_load %arg7[%get3A_253] {strides = array<i32>} : memref<20480xf32, #tpu.memory_space<vmem>>, vector<16xf32>,
      %mul3A_255 = arith.mulf %mul3A_248, %get3A_254 : vector<16xf32>
      %add3A_256 = arith.constant 576 : i32
      %add3A_257 = arith.addi %add3A_256, %scan3A_62 : i32
      %mul3A_258 = arith.constant 16 : i32
      %mul3A_259 = arith.muli %add3A_257, %mul3A_258 : i32
      %get3A_260 = arith.index_cast %mul3A_259 : i32 to index
      %get3A_261 = tpu.vector_load %arg7[%get3A_260] {strides = array<i32>} : memref<20480xf32, #tpu.memory_space<vmem>>, vector<16xf32>,
      %mul3A_262 = arith.mulf %mul3A_255, %get3A_261 : vector<16xf32>
      %add3A_263 = arith.constant 448 : i32
      %add3A_264 = arith.addi %add3A_263, %and3A_66 : i32
      %mul3A_265 = arith.constant 16 : i32
      %mul3A_266 = arith.muli %add3A_264, %mul3A_265 : i32
      %get3A_267 = arith.index_cast %mul3A_266 : i32 to index
      %get3A_268 = tpu.vector_load %arg7[%get3A_267] {strides = array<i32>} : memref<20480xf32, #tpu.memory_space<vmem>>, vector<16xf32>,
      %add3A_269 = arith.constant 512 : i32
      %add3A_270 = arith.addi %add3A_269, %and3A_70 : i32
      %mul3A_271 = arith.constant 16 : i32
      %mul3A_272 = arith.muli %add3A_270, %mul3A_271 : i32
      %get3A_273 = arith.index_cast %mul3A_272 : i32 to index
      %get3A_274 = tpu.vector_load %arg7[%get3A_273] {strides = array<i32>} : memref<20480xf32, #tpu.memory_space<vmem>>, vector<16xf32>,
      %mul3A_275 = arith.mulf %get3A_268, %get3A_274 : vector<16xf32>
      %add3A_276 = arith.constant 576 : i32
      %add3A_277 = arith.addi %add3A_276, %and3A_74 : i32
      %mul3A_278 = arith.constant 16 : i32
      %mul3A_279 = arith.muli %add3A_277, %mul3A_278 : i32
      %get3A_280 = arith.index_cast %mul3A_279 : i32 to index
      %get3A_281 = tpu.vector_load %arg7[%get3A_280] {strides = array<i32>} : memref<20480xf32, #tpu.memory_space<vmem>>, vector<16xf32>,
      %mul3A_282 = arith.mulf %mul3A_275, %get3A_281 : vector<16xf32>
      %add3A_283 = arith.constant 640 : i32
      %add3A_284 = arith.addi %add3A_283, %scan3A_62 : i32
      %mul3A_285 = arith.constant 16 : i32
      %mul3A_286 = arith.muli %add3A_284, %mul3A_285 : i32
      %get3A_287 = arith.index_cast %mul3A_286 : i32 to index
      %get3A_288 = tpu.vector_load %arg7[%get3A_287] {strides = array<i32>} : memref<20480xf32, #tpu.memory_space<vmem>>, vector<16xf32>,
      %mul3A_289 = arith.mulf %mul3A_282, %get3A_288 : vector<16xf32>
      %add3A_290 = arith.constant 512 : i32
      %add3A_291 = arith.addi %add3A_290, %and3A_66 : i32
      %mul3A_292 = arith.constant 16 : i32
      %mul3A_293 = arith.muli %add3A_291, %mul3A_292 : i32
      %get3A_294 = arith.index_cast %mul3A_293 : i32 to index
      %get3A_295 = tpu.vector_load %arg7[%get3A_294] {strides = array<i32>} : memref<20480xf32, #tpu.memory_space<vmem>>, vector<16xf32>,
      %add3A_296 = arith.constant 576 : i32
      %add3A_297 = arith.addi %add3A_296, %and3A_70 : i32
      %mul3A_298 = arith.constant 16 : i32
      %mul3A_299 = arith.muli %add3A_297, %mul3A_298 : i32
      %get3A_300 = arith.index_cast %mul3A_299 : i32 to index
      %get3A_301 = tpu.vector_load %arg7[%get3A_300] {strides = array<i32>} : memref<20480xf32, #tpu.memory_space<vmem>>, vector<16xf32>,
      %mul3A_302 = arith.mulf %get3A_295, %get3A_301 : vector<16xf32>
      %add3A_303 = arith.constant 640 : i32
      %add3A_304 = arith.addi %add3A_303, %and3A_74 : i32
      %mul3A_305 = arith.constant 16 : i32
      %mul3A_306 = arith.muli %add3A_304, %mul3A_305 : i32
      %get3A_307 = arith.index_cast %mul3A_306 : i32 to index
      %get3A_308 = tpu.vector_load %arg7[%get3A_307] {strides = array<i32>} : memref<20480xf32, #tpu.memory_space<vmem>>, vector<16xf32>,
      %mul3A_309 = arith.mulf %mul3A_302, %get3A_308 : vector<16xf32>
      %add3A_310 = arith.constant 704 : i32
      %add3A_311 = arith.addi %add3A_310, %scan3A_62 : i32
      %mul3A_312 = arith.constant 16 : i32
      %mul3A_313 = arith.muli %add3A_311, %mul3A_312 : i32
      %get3A_314 = arith.index_cast %mul3A_313 : i32 to index
      %get3A_315 = tpu.vector_load %arg7[%get3A_314] {strides = array<i32>} : memref<20480xf32, #tpu.memory_space<vmem>>, vector<16xf32>,
      %mul3A_316 = arith.mulf %mul3A_309, %get3A_315 : vector<16xf32>
      %add3A_317 = arith.constant 576 : i32
      %add3A_318 = arith.addi %add3A_317, %and3A_66 : i32
      %mul3A_319 = arith.constant 16 : i32
      %mul3A_320 = arith.muli %add3A_318, %mul3A_319 : i32
      %get3A_321 = arith.index_cast %mul3A_320 : i32 to index
      %get3A_322 = tpu.vector_load %arg7[%get3A_321] {strides = array<i32>} : memref<20480xf32, #tpu.memory_space<vmem>>, vector<16xf32>,
      %add3A_323 = arith.constant 640 : i32
      %add3A_324 = arith.addi %add3A_323, %and3A_70 : i32
      %mul3A_325 = arith.constant 16 : i32
      %mul3A_326 = arith.muli %add3A_324, %mul3A_325 : i32
      %get3A_327 = arith.index_cast %mul3A_326 : i32 to index
      %get3A_328 = tpu.vector_load %arg7[%get3A_327] {strides = array<i32>} : memref<20480xf32, #tpu.memory_space<vmem>>, vector<16xf32>,
      %mul3A_329 = arith.mulf %get3A_322, %get3A_328 : vector<16xf32>
      %add3A_330 = arith.constant 704 : i32
      %add3A_331 = arith.addi %add3A_330, %and3A_74 : i32
      %mul3A_332 = arith.constant 16 : i32
      %mul3A_333 = arith.muli %add3A_331, %mul3A_332 : i32
      %get3A_334 = arith.index_cast %mul3A_333 : i32 to index
      %get3A_335 = tpu.vector_load %arg7[%get3A_334] {strides = array<i32>} : memref<20480xf32, #tpu.memory_space<vmem>>, vector<16xf32>,
      %mul3A_336 = arith.mulf %mul3A_329, %get3A_335 : vector<16xf32>
      %add3A_337 = arith.constant 768 : i32
      %add3A_338 = arith.addi %add3A_337, %scan3A_62 : i32
      %mul3A_339 = arith.constant 16 : i32
      %mul3A_340 = arith.muli %add3A_338, %mul3A_339 : i32
      %get3A_341 = arith.index_cast %mul3A_340 : i32 to index
      %get3A_342 = tpu.vector_load %arg7[%get3A_341] {strides = array<i32>} : memref<20480xf32, #tpu.memory_space<vmem>>, vector<16xf32>,
      %mul3A_343 = arith.mulf %mul3A_336, %get3A_342 : vector<16xf32>
      %add3A_344 = arith.constant 640 : i32
      %add3A_345 = arith.addi %add3A_344, %and3A_66 : i32
      %mul3A_346 = arith.constant 16 : i32
      %mul3A_347 = arith.muli %add3A_345, %mul3A_346 : i32
      %get3A_348 = arith.index_cast %mul3A_347 : i32 to index
      %get3A_349 = tpu.vector_load %arg7[%get3A_348] {strides = array<i32>} : memref<20480xf32, #tpu.memory_space<vmem>>, vector<16xf32>,
      %add3A_350 = arith.constant 704 : i32
      %add3A_351 = arith.addi %add3A_350, %and3A_70 : i32
      %mul3A_352 = arith.constant 16 : i32
      %mul3A_353 = arith.muli %add3A_351, %mul3A_352 : i32
      %get3A_354 = arith.index_cast %mul3A_353 : i32 to index
      %get3A_355 = tpu.vector_load %arg7[%get3A_354] {strides = array<i32>} : memref<20480xf32, #tpu.memory_space<vmem>>, vector<16xf32>,
      %mul3A_356 = arith.mulf %get3A_349, %get3A_355 : vector<16xf32>
      %add3A_357 = arith.constant 768 : i32
      %add3A_358 = arith.addi %add3A_357, %and3A_74 : i32
      %mul3A_359 = arith.constant 16 : i32
      %mul3A_360 = arith.muli %add3A_358, %mul3A_359 : i32
      %get3A_361 = arith.index_cast %mul3A_360 : i32 to index
      %get3A_362 = tpu.vector_load %arg7[%get3A_361] {strides = array<i32>} : memref<20480xf32, #tpu.memory_space<vmem>>, vector<16xf32>,
      %mul3A_363 = arith.mulf %mul3A_356, %get3A_362 : vector<16xf32>
      %add3A_364 = arith.constant 832 : i32
      %add3A_365 = arith.addi %add3A_364, %scan3A_62 : i32
      %mul3A_366 = arith.constant 16 : i32
      %mul3A_367 = arith.muli %add3A_365, %mul3A_366 : i32
      %get3A_368 = arith.index_cast %mul3A_367 : i32 to index
      %get3A_369 = tpu.vector_load %arg7[%get3A_368] {strides = array<i32>} : memref<20480xf32, #tpu.memory_space<vmem>>, vector<16xf32>,
      %mul3A_370 = arith.mulf %mul3A_363, %get3A_369 : vector<16xf32>
      %add3A_371 = arith.constant 704 : i32
      %add3A_372 = arith.addi %add3A_371, %and3A_66 : i32
      %mul3A_373 = arith.constant 16 : i32
      %mul3A_374 = arith.muli %add3A_372, %mul3A_373 : i32
      %get3A_375 = arith.index_cast %mul3A_374 : i32 to index
      %get3A_376 = tpu.vector_load %arg7[%get3A_375] {strides = array<i32>} : memref<20480xf32, #tpu.memory_space<vmem>>, vector<16xf32>,
      %add3A_377 = arith.constant 768 : i32
      %add3A_378 = arith.addi %add3A_377, %and3A_70 : i32
      %mul3A_379 = arith.constant 16 : i32
      %mul3A_380 = arith.muli %add3A_378, %mul3A_379 : i32
      %get3A_381 = arith.index_cast %mul3A_380 : i32 to index
      %get3A_382 = tpu.vector_load %arg7[%get3A_381] {strides = array<i32>} : memref<20480xf32, #tpu.memory_space<vmem>>, vector<16xf32>,
      %mul3A_383 = arith.mulf %get3A_376, %get3A_382 : vector<16xf32>
      %add3A_384 = arith.constant 832 : i32
      %add3A_385 = arith.addi %add3A_384, %and3A_74 : i32
      %mul3A_386 = arith.constant 16 : i32
      %mul3A_387 = arith.muli %add3A_385, %mul3A_386 : i32
      %get3A_388 = arith.index_cast %mul3A_387 : i32 to index
      %get3A_389 = tpu.vector_load %arg7[%get3A_388] {strides = array<i32>} : memref<20480xf32, #tpu.memory_space<vmem>>, vector<16xf32>,
      %mul3A_390 = arith.mulf %mul3A_383, %get3A_389 : vector<16xf32>
      %add3A_391 = arith.constant 896 : i32
      %add3A_392 = arith.addi %add3A_391, %scan3A_62 : i32
      %mul3A_393 = arith.constant 16 : i32
      %mul3A_394 = arith.muli %add3A_392, %mul3A_393 : i32
      %get3A_395 = arith.index_cast %mul3A_394 : i32 to index
      %get3A_396 = tpu.vector_load %arg7[%get3A_395] {strides = array<i32>} : memref<20480xf32, #tpu.memory_space<vmem>>, vector<16xf32>,
      %mul3A_397 = arith.mulf %mul3A_390, %get3A_396 : vector<16xf32>
      %add3A_398 = arith.constant 768 : i32
      %add3A_399 = arith.addi %add3A_398, %and3A_66 : i32
      %mul3A_400 = arith.constant 16 : i32
      %mul3A_401 = arith.muli %add3A_399, %mul3A_400 : i32
      %get3A_402 = arith.index_cast %mul3A_401 : i32 to index
      %get3A_403 = tpu.vector_load %arg7[%get3A_402] {strides = array<i32>} : memref<20480xf32, #tpu.memory_space<vmem>>, vector<16xf32>,
      %add3A_404 = arith.constant 832 : i32
      %add3A_405 = arith.addi %add3A_404, %and3A_70 : i32
      %mul3A_406 = arith.constant 16 : i32
      %mul3A_407 = arith.muli %add3A_405, %mul3A_406 : i32
      %get3A_408 = arith.index_cast %mul3A_407 : i32 to index
      %get3A_409 = tpu.vector_load %arg7[%get3A_408] {strides = array<i32>} : memref<20480xf32, #tpu.memory_space<vmem>>, vector<16xf32>,
      %mul3A_410 = arith.mulf %get3A_403, %get3A_409 : vector<16xf32>
      %add3A_411 = arith.constant 896 : i32
      %add3A_412 = arith.addi %add3A_411, %and3A_74 : i32
      %mul3A_413 = arith.constant 16 : i32
      %mul3A_414 = arith.muli %add3A_412, %mul3A_413 : i32
      %get3A_415 = arith.index_cast %mul3A_414 : i32 to index
      %get3A_416 = tpu.vector_load %arg7[%get3A_415] {strides = array<i32>} : memref<20480xf32, #tpu.memory_space<vmem>>, vector<16xf32>,
      %mul3A_417 = arith.mulf %mul3A_410, %get3A_416 : vector<16xf32>
      %add3A_418 = arith.constant 960 : i32
      %add3A_419 = arith.addi %add3A_418, %scan3A_62 : i32
      %mul3A_420 = arith.constant 16 : i32
      %mul3A_421 = arith.muli %add3A_419, %mul3A_420 : i32
      %get3A_422 = arith.index_cast %mul3A_421 : i32 to index
      %get3A_423 = tpu.vector_load %arg7[%get3A_422] {strides = array<i32>} : memref<20480xf32, #tpu.memory_space<vmem>>, vector<16xf32>,
      %mul3A_424 = arith.mulf %mul3A_417, %get3A_423 : vector<16xf32>
      %add3A_425 = arith.constant 832 : i32
      %add3A_426 = arith.addi %add3A_425, %and3A_66 : i32
      %mul3A_427 = arith.constant 16 : i32
      %mul3A_428 = arith.muli %add3A_426, %mul3A_427 : i32
      %get3A_429 = arith.index_cast %mul3A_428 : i32 to index
      %get3A_430 = tpu.vector_load %arg7[%get3A_429] {strides = array<i32>} : memref<20480xf32, #tpu.memory_space<vmem>>, vector<16xf32>,
      %add3A_431 = arith.constant 896 : i32
      %add3A_432 = arith.addi %add3A_431, %and3A_70 : i32
      %mul3A_433 = arith.constant 16 : i32
      %mul3A_434 = arith.muli %add3A_432, %mul3A_433 : i32
      %get3A_435 = arith.index_cast %mul3A_434 : i32 to index
      %get3A_436 = tpu.vector_load %arg7[%get3A_435] {strides = array<i32>} : memref<20480xf32, #tpu.memory_space<vmem>>, vector<16xf32>,
      %mul3A_437 = arith.mulf %get3A_430, %get3A_436 : vector<16xf32>
      %add3A_438 = arith.constant 960 : i32
      %add3A_439 = arith.addi %add3A_438, %and3A_74 : i32
      %mul3A_440 = arith.constant 16 : i32
      %mul3A_441 = arith.muli %add3A_439, %mul3A_440 : i32
      %get3A_442 = arith.index_cast %mul3A_441 : i32 to index
      %get3A_443 = tpu.vector_load %arg7[%get3A_442] {strides = array<i32>} : memref<20480xf32, #tpu.memory_space<vmem>>, vector<16xf32>,
      %mul3A_444 = arith.mulf %mul3A_437, %get3A_443 : vector<16xf32>
      %add3A_445 = arith.constant 1024 : i32
      %add3A_446 = arith.addi %add3A_445, %scan3A_62 : i32
      %mul3A_447 = arith.constant 16 : i32
      %mul3A_448 = arith.muli %add3A_446, %mul3A_447 : i32
      %get3A_449 = arith.index_cast %mul3A_448 : i32 to index
      %get3A_450 = tpu.vector_load %arg7[%get3A_449] {strides = array<i32>} : memref<20480xf32, #tpu.memory_space<vmem>>, vector<16xf32>,
      %mul3A_451 = arith.mulf %mul3A_444, %get3A_450 : vector<16xf32>
      %add3A_452 = arith.constant 896 : i32
      %add3A_453 = arith.addi %add3A_452, %and3A_66 : i32
      %mul3A_454 = arith.constant 16 : i32
      %mul3A_455 = arith.muli %add3A_453, %mul3A_454 : i32
      %get3A_456 = arith.index_cast %mul3A_455 : i32 to index
      %get3A_457 = tpu.vector_load %arg7[%get3A_456] {strides = array<i32>} : memref<20480xf32, #tpu.memory_space<vmem>>, vector<16xf32>,
      %add3A_458 = arith.constant 960 : i32
      %add3A_459 = arith.addi %add3A_458, %and3A_70 : i32
      %mul3A_460 = arith.constant 16 : i32
      %mul3A_461 = arith.muli %add3A_459, %mul3A_460 : i32
      %get3A_462 = arith.index_cast %mul3A_461 : i32 to index
      %get3A_463 = tpu.vector_load %arg7[%get3A_462] {strides = array<i32>} : memref<20480xf32, #tpu.memory_space<vmem>>, vector<16xf32>,
      %mul3A_464 = arith.mulf %get3A_457, %get3A_463 : vector<16xf32>
      %add3A_465 = arith.constant 1024 : i32
      %add3A_466 = arith.addi %add3A_465, %and3A_74 : i32
      %mul3A_467 = arith.constant 16 : i32
      %mul3A_468 = arith.muli %add3A_466, %mul3A_467 : i32
      %get3A_469 = arith.index_cast %mul3A_468 : i32 to index
      %get3A_470 = tpu.vector_load %arg7[%get3A_469] {strides = array<i32>} : memref<20480xf32, #tpu.memory_space<vmem>>, vector<16xf32>,
      %mul3A_471 = arith.mulf %mul3A_464, %get3A_470 : vector<16xf32>
      %add3A_472 = arith.constant 1088 : i32
      %add3A_473 = arith.addi %add3A_472, %scan3A_62 : i32
      %mul3A_474 = arith.constant 16 : i32
      %mul3A_475 = arith.muli %add3A_473, %mul3A_474 : i32
      %get3A_476 = arith.index_cast %mul3A_475 : i32 to index
      %get3A_477 = tpu.vector_load %arg7[%get3A_476] {strides = array<i32>} : memref<20480xf32, #tpu.memory_space<vmem>>, vector<16xf32>,
      %mul3A_478 = arith.mulf %mul3A_471, %get3A_477 : vector<16xf32>
      %add3A_479 = arith.constant 960 : i32
      %add3A_480 = arith.addi %add3A_479, %and3A_66 : i32
      %mul3A_481 = arith.constant 16 : i32
      %mul3A_482 = arith.muli %add3A_480, %mul3A_481 : i32
      %get3A_483 = arith.index_cast %mul3A_482 : i32 to index
      %get3A_484 = tpu.vector_load %arg7[%get3A_483] {strides = array<i32>} : memref<20480xf32, #tpu.memory_space<vmem>>, vector<16xf32>,
      %add3A_485 = arith.constant 1024 : i32
      %add3A_486 = arith.addi %add3A_485, %and3A_70 : i32
      %mul3A_487 = arith.constant 16 : i32
      %mul3A_488 = arith.muli %add3A_486, %mul3A_487 : i32
      %get3A_489 = arith.index_cast %mul3A_488 : i32 to index
      %get3A_490 = tpu.vector_load %arg7[%get3A_489] {strides = array<i32>} : memref<20480xf32, #tpu.memory_space<vmem>>, vector<16xf32>,
      %mul3A_491 = arith.mulf %get3A_484, %get3A_490 : vector<16xf32>
      %add3A_492 = arith.constant 1088 : i32
      %add3A_493 = arith.addi %add3A_492, %and3A_74 : i32
      %mul3A_494 = arith.constant 16 : i32
      %mul3A_495 = arith.muli %add3A_493, %mul3A_494 : i32
      %get3A_496 = arith.index_cast %mul3A_495 : i32 to index
      %get3A_497 = tpu.vector_load %arg7[%get3A_496] {strides = array<i32>} : memref<20480xf32, #tpu.memory_space<vmem>>, vector<16xf32>,
      %mul3A_498 = arith.mulf %mul3A_491, %get3A_497 : vector<16xf32>
      %add3A_499 = arith.constant 1152 : i32
      %add3A_500 = arith.addi %add3A_499, %scan3A_62 : i32
      %mul3A_501 = arith.constant 16 : i32
      %mul3A_502 = arith.muli %add3A_500, %mul3A_501 : i32
      %get3A_503 = arith.index_cast %mul3A_502 : i32 to index
      %get3A_504 = tpu.vector_load %arg7[%get3A_503] {strides = array<i32>} : memref<20480xf32, #tpu.memory_space<vmem>>, vector<16xf32>,
      %mul3A_505 = arith.mulf %mul3A_498, %get3A_504 : vector<16xf32>
      %add3A_506 = arith.constant 1024 : i32
      %add3A_507 = arith.addi %add3A_506, %and3A_66 : i32
      %mul3A_508 = arith.constant 16 : i32
      %mul3A_509 = arith.muli %add3A_507, %mul3A_508 : i32
      %get3A_510 = arith.index_cast %mul3A_509 : i32 to index
      %get3A_511 = tpu.vector_load %arg7[%get3A_510] {strides = array<i32>} : memref<20480xf32, #tpu.memory_space<vmem>>, vector<16xf32>,
      %add3A_512 = arith.constant 1088 : i32
      %add3A_513 = arith.addi %add3A_512, %and3A_70 : i32
      %mul3A_514 = arith.constant 16 : i32
      %mul3A_515 = arith.muli %add3A_513, %mul3A_514 : i32
      %get3A_516 = arith.index_cast %mul3A_515 : i32 to index
      %get3A_517 = tpu.vector_load %arg7[%get3A_516] {strides = array<i32>} : memref<20480xf32, #tpu.memory_space<vmem>>, vector<16xf32>,
      %mul3A_518 = arith.mulf %get3A_511, %get3A_517 : vector<16xf32>
      %add3A_519 = arith.constant 1152 : i32
      %add3A_520 = arith.addi %add3A_519, %and3A_74 : i32
      %mul3A_521 = arith.constant 16 : i32
      %mul3A_522 = arith.muli %add3A_520, %mul3A_521 : i32
      %get3A_523 = arith.index_cast %mul3A_522 : i32 to index
      %get3A_524 = tpu.vector_load %arg7[%get3A_523] {strides = array<i32>} : memref<20480xf32, #tpu.memory_space<vmem>>, vector<16xf32>,
      %mul3A_525 = arith.mulf %mul3A_518, %get3A_524 : vector<16xf32>
      %add3A_526 = arith.constant 1216 : i32
      %add3A_527 = arith.addi %add3A_526, %scan3A_62 : i32
      %mul3A_528 = arith.constant 16 : i32
      %mul3A_529 = arith.muli %add3A_527, %mul3A_528 : i32
      %get3A_530 = arith.index_cast %mul3A_529 : i32 to index
      %get3A_531 = tpu.vector_load %arg7[%get3A_530] {strides = array<i32>} : memref<20480xf32, #tpu.memory_space<vmem>>, vector<16xf32>,
      %mul3A_532 = arith.mulf %mul3A_525, %get3A_531 : vector<16xf32>
      %add3A_533 = arith.addf %mul3A_100, %mul3A_127 : vector<16xf32>
      %add3A_534 = arith.addf %mul3A_154, %mul3A_181 : vector<16xf32>
      %add3A_535 = arith.addf %mul3A_208, %mul3A_235 : vector<16xf32>
      %add3A_536 = arith.addf %mul3A_262, %mul3A_289 : vector<16xf32>
      %add3A_537 = arith.addf %mul3A_316, %mul3A_343 : vector<16xf32>
      %add3A_538 = arith.addf %mul3A_370, %mul3A_397 : vector<16xf32>
      %add3A_539 = arith.addf %mul3A_424, %mul3A_451 : vector<16xf32>
      %add3A_540 = arith.addf %mul3A_478, %mul3A_505 : vector<16xf32>
      %add3A_541 = arith.addf %add3A_533, %add3A_534 : vector<16xf32>
      %add3A_542 = arith.addf %add3A_535, %add3A_536 : vector<16xf32>
      %add3A_543 = arith.addf %add3A_537, %add3A_538 : vector<16xf32>
      %add3A_544 = arith.addf %add3A_539, %add3A_540 : vector<16xf32>
      %add3A_545 = arith.addf %add3A_541, %add3A_542 : vector<16xf32>
      %add3A_546 = arith.addf %add3A_543, %add3A_544 : vector<16xf32>
      %add3A_547 = arith.addf %add3A_545, %add3A_546 : vector<16xf32>
      %add3A_548 = arith.addf %add3A_547, %mul3A_532 : vector<16xf32>
      %gt3A = arith.constant 0.000000e+00 : f32
      %gt3A_549 = vector.broadcast %gt3A : f32 to vector<16xf32>
      %gt3A_550 = arith.cmpf ogt, %add3A_548, %gt3A_549 : vector<16xf32>
      %jit3A = arith.constant 1.000000e+00 : f32
      %jit3A_551 = arith.constant -1.000000e+00 : f32
      %broadcast_in_dim3A_552 = vector.broadcast %jit3A : f32 to vector<16xf32>
      %broadcast_in_dim3A_553 = vector.broadcast %jit3A_551 : f32 to vector<16xf32>
      %select_n3A = arith.select %gt3A_550, %broadcast_in_dim3A_552, %broadcast_in_dim3A_553 : vector<16xi1>, vector<16xf32>
      %mul3A_554 = arith.constant 64 : i32
      %mul3A_555 = vector.broadcast %mul3A_554 : i32 to vector<16xi32>
      %mul3A_556 = arith.muli %iota3A, %mul3A_555 : vector<16xi32>
      %add3A_557 = vector.broadcast %scan3A_62 : i32 to vector<16xi32>
      %add3A_558 = arith.addi %mul3A_556, %add3A_557 : vector<16xi32>
      tpu.vector_store_idx %arg8[%add3A_558], %select_n3A : memref<1024xf32, #tpu.memory_space<vmem>>[vector<16xi32>], vector<16xf32>,
      %scan3A_559 = arith.constant 0 : i32
      scf.yield %scan3A_559 : i32
    }
    %scan3A_53 = arith.constant 64 : i32
    %mul3A_54 = arith.constant 2 : i32
    %mul3A_55 = arith.muli %add3A, %mul3A_54 : i32
    %add3A_56 = arith.constant 1 : i32
    %add3A_57 = arith.addi %mul3A_55, %add3A_56 : i32
    %mul3A_58 = arith.constant 16 : i32
    %mul3A_59 = arith.muli %add3A_57, %mul3A_58 : i32
    %mul3A_60 = arith.constant 64 : i32
    %mul3A_61 = arith.muli %mul3A_59, %mul3A_60 : i32
    "tpu.region"() ({
      %run_scoped3A = tpu.sem_alloc : memref<!tpu.dma_semaphore, #tpu.memory_space<semaphore_mem>>
      %dma_start3A = tpu.memref_slice %arg4[%mul3A_61] : memref<65536xf32, #tpu.memory_space<hbm>> -> memref<1024xf32, #tpu.memory_space<hbm>>
      %dma_start3A_62 = tpu.memref_slice %arg4[%mul3A_61] : memref<65536xf32, #tpu.memory_space<hbm>> -> memref<1024xf32, #tpu.memory_space<hbm>>
      tpu.enqueue_dma source(%arg8 : memref<1024xf32, #tpu.memory_space<vmem>>) target(%dma_start3A_62 : memref<1024xf32, #tpu.memory_space<hbm>>) target_semaphore(%run_scoped3A : memref<!tpu.dma_semaphore, #tpu.memory_space<semaphore_mem>>)
      %dma_wait3A = tpu.memref_slice %arg4[%mul3A_61] : memref<65536xf32, #tpu.memory_space<hbm>> -> memref<1024xf32, #tpu.memory_space<hbm>>
      %dma_wait3A_63 = tpu.memref_slice %arg4[%mul3A_61] : memref<65536xf32, #tpu.memory_space<hbm>> -> memref<1024xf32, #tpu.memory_space<hbm>>
      tpu.wait_dma2 semaphore(%run_scoped3A : memref<!tpu.dma_semaphore, #tpu.memory_space<semaphore_mem>>) src(%arg8 : memref<1024xf32, #tpu.memory_space<vmem>>) dst(%dma_wait3A_63 : memref<1024xf32, #tpu.memory_space<hbm>>)
      tpu.yield
    }) : () -> ()
    return
  }
}

module attributes {stable_mosaic.version = 14 : i64} {
  func.func @body(%arg0: memref<64x201xf32, #tpu.memory_space<vmem>>, %arg1: memref<26x64xf32, #tpu.memory_space<vmem>>, %arg2: memref<26x16x201xi32, #tpu.memory_space<vmem>>) attributes {dimension_semantics = [], scalar_prefetch = 0 : i64, scratch_operands = 0 : i64, tpu.core_type = #tpu.core_type<tc>} {
    %get3A = arith.constant 0 : index
    %get3A_0 = arith.constant 0 : index
    %get3A_1 = vector.load %arg0[%get3A, %get3A_0] : memref<64x201xf32, #tpu.memory_space<vmem>>, vector<64x201xf32>
    %broadcast_in_dim3A = vector.shape_cast %get3A_1 : vector<64x201xf32> to vector<1x64x201xf32>
    %get3A_2 = arith.constant 0 : index
    %get3A_3 = arith.constant 0 : index
    %get3A_4 = vector.load %arg1[%get3A_2, %get3A_3] : memref<26x64xf32, #tpu.memory_space<vmem>>, vector<26x64xf32>
    %broadcast_in_dim3A_5 = vector.shape_cast %get3A_4 : vector<26x64xf32> to vector<26x64x1xf32>
    %mul3A = vector.broadcast %broadcast_in_dim3A : vector<1x64x201xf32> to vector<26x64x201xf32>
    %mul3A_6 = vector.broadcast %broadcast_in_dim3A_5 : vector<26x64x1xf32> to vector<26x64x201xf32>
    %mul3A_7 = arith.mulf %mul3A, %mul3A_6 : vector<26x64x201xf32>
    %add3A = arith.constant 1.000000e+00 : f32
    %add3A_8 = vector.broadcast %add3A : f32 to vector<26x64x201xf32>
    %add3A_9 = arith.addf %mul3A_7, %add3A_8 : vector<26x64x201xf32>
    %convert_element_type3A = arith.fptosi %add3A_9 : vector<26x64x201xf32> to vector<26x64x201xi32>
    %slice3A = vector.extract_strided_slice %convert_element_type3A {offsets = [0, 0, 0], sizes = [26, 16, 201], strides = [1, 1, 1]} : vector<26x64x201xi32> to vector<26x16x201xi32>
    %slice3A_10 = vector.extract_strided_slice %convert_element_type3A {offsets = [0, 16, 0], sizes = [26, 16, 201], strides = [1, 1, 1]} : vector<26x64x201xi32> to vector<26x16x201xi32>
    %shift_left3A = arith.constant 8 : i32
    %shift_left3A_11 = vector.broadcast %shift_left3A : i32 to vector<26x16x201xi32>
    %shift_left3A_12 = arith.shli %slice3A_10, %shift_left3A_11 : vector<26x16x201xi32>
    %add3A_13 = arith.addi %slice3A, %shift_left3A_12 : vector<26x16x201xi32>
    %slice3A_14 = vector.extract_strided_slice %convert_element_type3A {offsets = [0, 32, 0], sizes = [26, 16, 201], strides = [1, 1, 1]} : vector<26x64x201xi32> to vector<26x16x201xi32>
    %shift_left3A_15 = arith.constant 16 : i32
    %shift_left3A_16 = vector.broadcast %shift_left3A_15 : i32 to vector<26x16x201xi32>
    %shift_left3A_17 = arith.shli %slice3A_14, %shift_left3A_16 : vector<26x16x201xi32>
    %add3A_18 = arith.addi %add3A_13, %shift_left3A_17 : vector<26x16x201xi32>
    %slice3A_19 = vector.extract_strided_slice %convert_element_type3A {offsets = [0, 48, 0], sizes = [26, 16, 201], strides = [1, 1, 1]} : vector<26x64x201xi32> to vector<26x16x201xi32>
    %shift_left3A_20 = arith.constant 24 : i32
    %shift_left3A_21 = vector.broadcast %shift_left3A_20 : i32 to vector<26x16x201xi32>
    %shift_left3A_22 = arith.shli %slice3A_19, %shift_left3A_21 : vector<26x16x201xi32>
    %add3A_23 = arith.addi %add3A_18, %shift_left3A_22 : vector<26x16x201xi32>
    %swap3A = arith.constant 0 : index
    %swap3A_24 = arith.constant 0 : index
    %swap3A_25 = arith.constant 0 : index
    %swap3A_26 = vector.load %arg2[%swap3A, %swap3A_24, %swap3A_25] : memref<26x16x201xi32, #tpu.memory_space<vmem>>, vector<26x16x201xi32>
    tpu.vector_store %arg2[%swap3A, %swap3A_24, %swap3A_25], %add3A_23 {strides = array<i32>} : memref<26x16x201xi32, #tpu.memory_space<vmem>>, vector<26x16x201xi32>,
    return
  }
}

</mosaic_0001>

<sc_bundles>
// kernel: kernel.4.cloned.1.call-start
scs
__scs_entry_jumppad:
0x0: {  	(pc) =	sbr.rel $0x88, $3  }
0x1: {  	(tag) =	ssettag $0x0;
	lr =	simm.s32 $0x1  }
0x2: {  	[smem:$0x3F9E] =	sst lr;
	_ =	strace $0xD0000000  }
0x3: {  	_ = 	snop  }
0x4: {  	_ = 	snop  }
0x5: {  	_ = 	snop  }
0x6: {  	_ = 	snop  }
0x7: {  	_ = 	snop  }
__scs_overlays_trampoline_lowered:
0x8: {  	[smem:$0x3FAD] =	sst s0  }
0x9: {  	[smem:$0x3FAE] =	sst s1  }
0xa: {  	[smem:$0x3FAF] =	sst s2  }
0xb: {  	[smem:$0x3FB0] =	sst s3  }
0xc: {  	[smem:$0x3FB1] =	sst s4  }
0xd: {  	[smem:$0x3FB2] =	sst s5  }
0xe: {  	[smem:$0x3FB3] =	sst s6  }
0xf: {  	[smem:$0x3FB4] =	sst s7  }
0x10: {  	[smem:$0x3FB5] =	sst s8  }
0x11: {  	[smem:$0x3FB6] =	sst s9;
	s0 =	simm.s32 @!p0 $0x0  }
0x12: {  	s1 =	sld [smem:$0x3F9C];
	s0 =	simm.s32 @p0 $0x1  }
0x13: {  	[smem:$0x3FB7] =	sst s0;
	s0 =	simm.s32 @!p1 $0x0  }
0x14: {  	s2 =	sld [smem:$0x3F9B];
	s0 =	simm.s32 @p1 $0x1  }
0x15: {  	[smem:$0x3FB8] =	sst s0;
	s0 =	simm.s32 @!p2 $0x0  }
0x16: {  	s3 =	sld [smem:$0x3FDB];
	s0 =	simm.s32 @p2 $0x1  }
0x17: {  	s4 =	simm.s32 $0x1BF5;
	[smem:$0x3FBA] =	sst s0  }
0x18: {  	s0 =	sld [smem:$0x3F9D];
	_ =	swait.ge [sflag:s4], $0x0  }
0x19: {  	s7 =	sld [smem:$0x3F9E]  }
0x1a: {  	s8 =	sadd.s32 $0xFFFFE003, lr  }
0x1b: {  	s9 =	sadd.s32 $0xFFFFFEF7, lr;
	s5 =	simm.s32 $0xFFFFFFFF;
	p2 =	slt.u32 s8, $0xFFFFF086  }
0x1c: {  	p1 =	slt.u32 s9, $0xF7A;
	s5 =	simm.s32 @!p2 $0x0  }
0x1d: {  	s5 =	simm.s32 @p1 $0x1;
	p0 =	seq.s32 s7, s2  }
0x1e: {  	s7 =	smul.u32 @!p0 $0xF7A, s2;
	p2 =	seq.s32 @!p0 s5, $0x0  }
0x1f: {  	s9 =	smul.u32 $0xF7A, s1;
	s8 =	simm.s32 @!p0 $0x1BF5;
	p2 =	por !p2, p0  }
0x20: {  	[sflag:s8] =	ssyncset.s32 @!p0 $0xFFFFF086;
	s6 =	sadd.s32 @!p0 s3, s7;
	s7 =	simm.s32 @!p0 $0x108  }
0x21: {  	s3 =	sadd.s32 s3, s9;
	s6 =	sadd.s32 @!p0 $0x88, s6;
	s7 =	simm.s32 @p2 $0x1082  }
0x22: {  	[simem:s7], [sflag:s8] =	dma.local @!p0 [hbm:s6], $0xF7A  }
0x23: {  	s9 =	sor.u32 $0xD0000000, s2;
	s6 =	simm.s32 $0x108;
	_ =	swait.ge @!p0 [sflag:s8], $0x0  }
0x24: {  	s3 =	sadd.s32 $0x88, s3;
	s6 =	simm.s32 @!p1 $0x1082;
	[sflag:s4] =	ssyncset.s32 $0xFFFFF086  }
0x25: {  	[simem:s6], [sflag:s4] =	dma.local [hbm:s3], $0xF7A  }
0x26: {  	[smem:$0x3F9E] =	sst s1;
	(tag) =	ssettag s2;
	_ =	strace s9  }
0x27: {  	s1 =	sld [smem:$0x3FAE]  }
0x28: {  	s2 =	sld [smem:$0x3FAF]  }
0x29: {  	s4 =	sld [smem:$0x3FB1]  }
0x2a: {  	p0 =	seq.s32 s5, $0x0;
	s5 =	sld [smem:$0x3FB2]  }
0x2b: {  	s6 =	sld [smem:$0x3FB3]  }
0x2c: {  	s7 =	sld [smem:$0x3FB4]  }
0x2d: {  	s3 =	simm.s32 $0x108;
	s8 =	sld [smem:$0x3FB5]  }
0x2e: {  	s3 =	simm.s32 @!p0 $0x1082;
	s9 =	sld [smem:$0x3FB6]  }
0x2f: {  	lr =	sadd.s32 s0, s3;
	s0 =	sld [smem:$0x3FAD]  }
0x30: {  	s3 =	sld [smem:$0x3FB0]  }
0x31: {  	[smem:$0x3FB9] =	sst s10  }
0x32: {  	s10 =	sld [smem:$0x3FB7];
	_ =	sdelay $0x3  }
0x33: {  	p0 =	seq.s32 s10, $0x1;
	s10 =	sld [smem:$0x3FB9];
	_ =	sdelay $0x3  }
0x34: {  	[smem:$0x3FB9] =	sst s10  }
0x35: {  	s10 =	sld [smem:$0x3FB8];
	_ =	sdelay $0x3  }
0x36: {  	p1 =	seq.s32 s10, $0x1;
	s10 =	sld [smem:$0x3FB9];
	_ =	sdelay $0x3  }
0x37: {  	[smem:$0x3FB9] =	sst s10  }
0x38: {  	s10 =	sld [smem:$0x3FBA]  }
0x39: {  	_ = 	snop;
	(pc) =	sbr.ind lr, $3  }
0x3a: {  	_ = 	snop  }
0x3b: {  	_ = 	snop  }
0x3c: {  	p2 =	seq.s32 s10, $0x1;
	s10 =	sld [smem:$0x3FB9]  }
0x3d: {  	_ =	shalt  }
0x3e: {  	_ =	shalt  }
0x3f: {  	_ =	shalt  }
0x40: {  	_ =	shalt  }
0x41: {  	_ =	shalt  }
0x42: {  	_ =	shalt  }
0x43: {  	_ =	shalt  }
0x44: {  	_ =	shalt  }
0x45: {  	_ =	shalt  }
0x46: {  	_ =	shalt  }
0x47: {  	_ =	shalt  }
0x48: {  	_ =	shalt  }
0x49: {  	_ =	shalt  }
0x4a: {  	_ =	shalt  }
0x4b: {  	_ =	shalt  }
0x4c: {  	_ =	shalt  }
0x4d: {  	_ =	shalt  }
0x4e: {  	_ =	shalt  }
0x4f: {  	_ =	shalt  }
0x50: {  	_ =	shalt  }
0x51: {  	_ =	shalt  }
0x52: {  	_ =	shalt  }
0x53: {  	_ =	shalt  }
0x54: {  	_ =	shalt  }
0x55: {  	_ =	shalt  }
0x56: {  	_ =	shalt  }
0x57: {  	_ =	shalt  }
0x58: {  	_ =	shalt  }
0x59: {  	_ =	shalt  }
0x5a: {  	_ =	shalt  }
0x5b: {  	_ =	shalt  }
0x5c: {  	_ =	shalt  }
0x5d: {  	_ =	shalt  }
0x5e: {  	_ =	shalt  }
0x5f: {  	_ =	shalt  }
0x60: {  	_ =	shalt  }
0x61: {  	_ =	shalt  }
0x62: {  	_ =	shalt  }
0x63: {  	_ =	shalt  }
0x64: {  	_ =	shalt  }
0x65: {  	_ =	shalt  }
0x66: {  	_ =	shalt  }
0x67: {  	_ =	shalt  }
0x68: {  	_ =	shalt  }
0x69: {  	_ =	shalt  }
0x6a: {  	_ =	shalt  }
0x6b: {  	_ =	shalt  }
0x6c: {  	_ =	shalt  }
0x6d: {  	_ =	shalt  }
0x6e: {  	_ =	shalt  }
0x6f: {  	_ =	shalt  }
0x70: {  	_ =	shalt  }
0x71: {  	_ =	shalt  }
0x72: {  	_ =	shalt  }
0x73: {  	_ =	shalt  }
0x74: {  	_ =	shalt  }
0x75: {  	_ =	shalt  }
0x76: {  	_ =	shalt  }
0x77: {  	_ =	shalt  }
0x78: {  	_ =	shalt  }
0x79: {  	_ =	shalt  }
0x7a: {  	_ =	shalt  }
0x7b: {  	_ =	shalt  }
0x7c: {  	_ =	shalt  }
0x7d: {  	_ =	shalt  }
0x7e: {  	_ =	shalt  }
0x7f: {  	_ =	shalt  }
0x80: {  	_ =	shalt  }
0x81: {  	_ =	shalt  }
0x82: {  	_ =	shalt  }
0x83: {  	_ =	shalt  }
0x84: {  	_ =	shalt  }
0x85: {  	_ =	shalt  }
0x86: {  	_ =	shalt  }
0x87: {  	_ =	shalt  }
.Lfunc_end0:
.L_simem_size_0:
called_computation_lowered:
.L_overlay_start_0:
0x88: {  	s2 =	sld [smem:$0x3FD9]  }
0x89: {  	s3 =	sld [smem:$0x3FFE];
	_ =	sdelay $0x1  }
0x8a: {  	s1 =	srdreg.scid  }
0x8b: {  	s0 =	sand.u32 $0x1, s1  }
0x8c: {  	s17 =	sshll.u32 s0, $0xA;
	s2 =	sadd.s32 s3, s2  }
0x8d: {  	s2 =	sadd.s32 s2, s17  }
0x8e: {  	[smem:$0x3FC5] =	sst s2  }
0x8f: {  	_ = 	snop  }
0x90: {  	s2 =	sld [smem:$0x3FD0];
	(tm) =	ssettm $0x1  }
0x91: {  	s18 =	sld [smem:$0x3FFB];
	_ =	sdelay $0x3  }
0x92: {  	_ =	strace s18  }
0x93: {  	s3 =	sld [smem:$0x3FFC];
	_ =	sdelay $0x3  }
0x94: {  	_ =	strace s3  }
0x95: {  	s3 =	sld [smem:$0x3FFD];
	_ =	sdelay $0x3  }
0x96: {  	_ =	strace s3  }
0x97: {  	_ =	strace $0x8FFFFFFF  }
0x98: {  	s19 =	sld [smem:$0x3FDB];
	_ =	sdelay $0x1  }
0x99: {  	s4 =	simm.s32 $_scs_section_size  }
0x9a: {  	s5 =	simm.s32 $_size__tile_overlayer_lowered;
	s6 =	simm.s32 $_tile_overlayer_lowered  }
0x9b: {  	s22 =	simm.s32 $0x1BFF;
	s21 =	sshll.u32 s6, $0x1;
	s3 =	sadd.s32 s4, s19  }
0x9c: {  	s7 =	simm.s32 $0x0;
	s20 =	sshll.u32 s5, $0x1;
	s5 =	sadd.s32 s21, s3  }
0x9d: {  	[timem:s7], [sflag:s22] =	dma.local [hbm:s5], s20  }
0x9e: {  	_ =	swait.ge [sflag:s22], s20  }
0x9f: {  	s4 =	ssub.s32 $0x0, s20;
	[sflag:s22] =	ssyncset.done $0x0  }
0xa0: {  	[sflag:s22] =	ssyncadd.s32 s4;
	_ =	sdelay $0x1  }
0xa1: {  	s23 =	simm.s32 $0x1B8B  }
0xa2: {  	_ =	swait.ge [sflag:s23], $0x1  }
0xa3: {  	[sflag:s23] =	ssyncset.done $0x0  }
0xa4: {  	s25 =	simm.s32 $0x1B8E;
	s24 =	sld [smem:$0x3FFE];
	[sflag:s23] =	ssyncadd.s32 $0xFFFFFFFF  }
0xa5: {  	s26 =	simm.s32 $execute0_lowered;
	[smem:$0x3FD2] =	sst s25  }
0xa6: {  	s5 =	sshll.u32 s26, $0x1;
	_ =	strace $0x80000046;
	[dreg:$0x1] =	wrdreg $0xFFFFFFFF  }
0xa7: {  	s28 =	simm.s32 $_size_execute0_lowered;
	s3 =	sadd.s32 s3, s5;
	[dreg:$0x0] =	wrdreg $0x0  }
0xa8: {  	s5 =	sshll.u32 s28, $0x1;
	[dreg:$0x2] =	wrdreg s3  }
0xa9: {  	[dreg:$0x3] =	wrdreg s5  }
0xaa: {  	[dreg:$0x4] =	wrdreg $0xC0  }
0xab: {  	_ =	task [dreg:s7], $0x5FFFF  }
0xac: {  	[dreg:$0x1] =	wrdreg $0xFFFFFFFF  }
0xad: {  	[dreg:$0x0] =	wrdreg $0x60  }
0xae: {  	[dreg:$0x2] =	wrdreg s24  }
0xaf: {  	[dreg:$0x3] =	wrdreg s2  }
0xb0: {  	[dreg:$0x4] =	wrdreg $0x9  }
0xb1: {  	_ =	task.clear_ibuf [dreg:s7], $0x5FFFF;
	_ =	strace $0x90000046  }
0xb2: {  	s29 =	simm.s32 $0x9;
	_ =	strace $0x80000048  }
0xb3: {  	_ =	swait.ge [sflag:s29], $0x1  }
0xb4: {  	[sflag:s29] =	ssyncadd.s32 $0xFFFFFFFF  }
0xb5: {  	_ =	strace $0x90000048  }
0xb6: {  	_ =	sfence  }
0xb7: {  	s30 =	sld [smem:$0x0];
	_ =	sdelay $0x2  }
0xb8: {  	s31 =	sshll.u32 s1, $0xD;
	s1 =	sshrl.u32 s1, $0x2  }
0xb9: {  	s3 =	sand.u32 $0x4000, s31;
	s1 =	sadd.s32 s1, s30  }
0xba: {  	s0 =	sor.u32 s3, s0;
	s1 =	sshll.u32 s1, $0x11  }
0xbb: {  	s0 =	sor.u32 s1, s0  }
0xbc: {  	s0 =	sadd.s32 $0x8F2B, s0  }
0xbd: {  	[sflag:s0] =	ssyncadd.remote.s32 $0x1  }
0xbe: {  	_ =	sfence.sel $0xFFFF  }
0xbf: {  	[dreg:$0x0] =	wrdreg $0xFFFFFFFF;
	(pc) =	sbr.abs _section_cstart, $3  }
0xc0: {  	[dreg:$0x1] =	wrdreg $0xFFFFFFFF  }
0xc1: {  	_ =	task.clear_ibuf [dreg:s7], $0x2FFFF;
	_ =	strace $0x9FFFFFFF  }
0xc2: {  	(tm) =	ssettm $0x7FFFFFFF  }
0xc3: {  	_ =	shalt  }
tec
execute0_lowered:
.L_overlay_start_1:
0x0: {  	(tag) =	ssettag $0x1  }
0x1: {  	s3 =	rddreg [dreg:$0x0]  }
0x2: {  	s7 =	rddreg [dreg:$0x1]  }
0x3: {  	s0 =	rddreg [dreg:$0x2]  }
0x4: {  	s2 =	simm.s32 $0x0;
	s4 =	srdreg.scid;
	s1 =	stileid.u32  }
0x5: {  	s12 =	simm.s32 $0x0;
	[smem:$0x7FF] =	sst s2;
	s4 =	sand.u32 $0x1, s4  }
0x6: {  	s5 =	sshll.u32 s1, $0x1;
	s6 =	sadd.s32 $0x800, s3;
	s3 =	sadd.s32 $0x10C00, s3  }
0x7: {  	_ =	strace $0x80000047;
	s5 =	sor.u32 s4, s5;
	s4 =	ssub.s32 $0x2, s4  }
0x8: {  	s8 =	smul.u32 $0x820, s5;
	s9 =	sshllo.u32 s5, $0x1;
	s10 =	sshrl.u32 s4, $0x1  }
0x9: {  	s5 =	sshll.u32 s5, $0x8;
	s11 =	smul.u32 $0x410, s9;
	s10 =	ssub.s32 s4, s10  }
0xa: {  	s5 =	sadd.s32 s7, s5;
	s31 =	sshll.u32 s9, $0x7;
	s9 =	simm.s32 $0x1  }
0xb: {  	v2 =	vlaneseq.u32;
	s4 =	sadd.s32 s6, s8;
	s7 =	sadd.s32 s7, s31;
	s8 =	smax.u32 s10, $0x1  }
0xc: {  	v1 =	vimm.f32 $-1.000000000e+00;
	v0 =	vmul.u32 $0x208, v2;
	v2 =	vmul.u32 $0x40, v2;
	s10 =	simm.s32 $0x14700;
	s6 =	sadd.s32 s6, s11;
	s11 =	simm.s32 $0x1B780  }
.LBB2_1:
0xd: {  	[tilespmem:s2], [sflag:$0x1] =	stream.linear.gather [hbm4b:s3+s2], $0x14700, $0x38;
	[tilespmem:$0x1BB80] =	vst v63  }
0xe: {  	_ =	swait.ge [sflag:s9], $0x14700  }
0xf: {  	[sflag:s9] =	ssyncset.done $0x0  }
0x10: {  	[sflag:s9] =	ssyncadd.s32 $0xFFFEB900  }
0x11: {  	[tilespmem:s10], [sflag:$0x1] =	stream.linear.gather [hbm4b:s4+s2], $0x2080, $0x38;
	[tilespmem:$0x1BB80] =	vst v63  }
0x12: {  	_ =	swait.ge [sflag:s9], $0x2080  }
0x13: {  	[sflag:s9] =	ssyncset.done $0x0  }
0x14: {  	s13 =	simm.s32 $0x16980;
	s14 =	simm.s32 $0x0;
	[sflag:s9] =	ssyncadd.s32 $0xFFFFDF80  }
.LBB2_2:
0x15: {  	s15 =	smul.u32 $0x1A, s14;
	_ =	sdelay $0x1  }
0x16: {  	v3 =	vadd.s32 s15, v0;
	s16 =	sor.u32 $0x1, s15  }
0x17: {  	s22 =	sadd.s32 $0x2, s15;
	v4 =	vadd.s32 s16, v0  }
0x18: {  	s23 =	sadd.s32 $0x3, s15;
	v5 =	vadd.s32 s22, v0  }
0x19: {  	s24 =	sadd.s32 $0x4, s15;
	v6 =	vadd.s32 s23, v0  }
0x1a: {  	s25 =	sadd.s32 $0x5, s15;
	v7 =	vadd.s32 s24, v0  }
0x1b: {  	s26 =	sadd.s32 $0x6, s15;
	v8 =	vadd.s32 s25, v0;
	v3 =	vld.idx.msk [tilespmem:v3+s10+$0x0], $0xffff  }
0x1c: {  	s30 =	sadd.s32 $0x9, s15;
	v9 =	vadd.s32 s26, v0;
	v4 =	vld.idx.msk [tilespmem:v4+s10+$0x0], $0xffff  }
0x1d: {  	s31 =	sadd.s32 $0xA, s15;
	v12 =	vadd.s32 s30, v0;
	v10 =	vld.idx.msk [tilespmem:v5+s10+$0x0], $0xffff  }
0x1e: {  	s28 =	sadd.s32 $0x7, s15;
	v13 =	vadd.s32 s31, v0;
	v11 =	vld.idx.msk [tilespmem:v6+s10+$0x0], $0xffff  }
0x1f: {  	s29 =	sadd.s32 $0x8, s15;
	v5 =	vadd.s32 s28, v0;
	v7 =	vld.idx.msk [tilespmem:v7+s10+$0x0], $0xffff  }
0x20: {  	s17 =	sadd.s32 $0xB, s15;
	v6 =	vadd.s32 s29, v0;
	v8 =	vld.idx.msk [tilespmem:v8+s10+$0x0], $0xffff  }
0x21: {  	s20 =	sadd.s32 $0xE, s15;
	v14 =	vadd.s32 s17, v0;
	v9 =	vld.idx.msk [tilespmem:v9+s10+$0x0], $0xffff  }
0x22: {  	s21 =	sadd.s32 $0xF, s15;
	v17 =	vadd.s32 s20, v0;
	v12 =	vld.idx.msk [tilespmem:v12+s10+$0x0], $0xffff  }
0x23: {  	s18 =	sadd.s32 $0xC, s15;
	v21 =	vld.idx.msk [tilespmem:v13+s10+$0x0], $0xffff;
	v13 =	vadd.s32 s21, v0  }
0x24: {  	s19 =	sadd.s32 $0xD, s15;
	v15 =	vld.idx.msk [tilespmem:v5+s10+$0x0], $0xffff;
	v5 =	vadd.s32 s18, v0  }
0x25: {  	s22 =	sadd.s32 $0x10, s15;
	v16 =	vld.idx.msk [tilespmem:v6+s10+$0x0], $0xffff;
	v6 =	vadd.s32 s19, v0  }
0x26: {  	s25 =	sadd.s32 $0x13, s15;
	v18 =	vadd.s32 s22, v0;
	v14 =	vld.idx.msk [tilespmem:v14+s10+$0x0], $0xffff  }
0x27: {  	s26 =	sadd.s32 $0x14, s15;
	v26 =	vld.idx.msk [tilespmem:v17+s10+$0x0], $0xffff;
	v17 =	vadd.s32 s25, v0  }
0x28: {  	s23 =	sadd.s32 $0x11, s15;
	v27 =	vld.idx.msk [tilespmem:v13+s10+$0x0], $0xffff;
	v13 =	vadd.s32 s26, v0  }
0x29: {  	s24 =	sadd.s32 $0x12, s15;
	v24 =	vld.idx.msk [tilespmem:v5+s10+$0x0], $0xffff;
	v5 =	vadd.s32 s23, v0  }
0x2a: {  	s28 =	sadd.s32 $0x15, s15;
	v25 =	vld.idx.msk [tilespmem:v6+s10+$0x0], $0xffff;
	v6 =	vadd.s32 s24, v0  }
0x2b: {  	s31 =	sadd.s32 $0x18, s15;
	v28 =	vld.idx.msk [tilespmem:v18+s10+$0x0], $0xffff;
	v18 =	vadd.s32 s28, v0  }
0x2c: {  	s30 =	sadd.s32 $0x17, s15;
	s29 =	sadd.s32 $0x16, s15;
	s15 =	sadd.s32 $0x19, s15;
	v31 =	vld.idx.msk [tilespmem:v17+s10+$0x0], $0xffff;
	v17 =	vadd.s32 s31, v0  }
0x2d: {  	v32 =	vld.idx.msk [tilespmem:v13+s10+$0x0], $0xffff;
	v13 =	vadd.s32 s15, v0  }
0x2e: {  	v29 =	vld.idx.msk [tilespmem:v5+s10+$0x0], $0xffff;
	v5 =	vadd.s32 s29, v0  }
0x2f: {  	v30 =	vld.idx.msk [tilespmem:v6+s10+$0x0], $0xffff;
	v6 =	vadd.s32 s30, v0  }
0x30: {  	v33 =	vld.idx.msk [tilespmem:v18+s10+$0x0], $0xffff  }
0x31: {  	v36 =	vld.idx.msk [tilespmem:v17+s10+$0x0], $0xffff  }
0x32: {  	v37 =	vld.idx.msk [tilespmem:v13+s10+$0x0], $0xffff  }
0x33: {  	v34 =	vld.idx.msk [tilespmem:v5+s10+$0x0], $0xffff  }
0x34: {  	v35 =	vld.idx.msk [tilespmem:v6+s10+$0x0], $0xffff  }
0x35: {  	v5 =	vld.idx.msk [tilespmem:v4+s2+$0x0], $0xffff  }
0x36: {  	v6 =	vld.idx.msk [tilespmem:v3+s2+$0x0], $0xffff  }
0x37: {  	v13 =	vld.idx.msk [tilespmem:v10+s2+$0x0], $0xffff  }
0x38: {  	v17 =	vld.idx.msk [tilespmem:v11+s2+$0x0], $0xffff  }
0x39: {  	v18 =	vld.idx.msk [tilespmem:v7+s2+$0x0], $0xffff  }
0x3a: {  	v19 =	vld.idx.msk [tilespmem:v8+s2+$0x0], $0xffff  }
0x3b: {  	v20 =	vld.idx.msk [tilespmem:v9+s2+$0x0], $0xffff;
	v5 =	vadd.s32 v6, v5  }
0x3c: {  	v6 =	vld.idx.msk [tilespmem:v15+s2+$0x0], $0xffff;
	v5 =	vadd.s32 v13, v5  }
0x3d: {  	v13 =	vld.idx.msk [tilespmem:v16+s2+$0x0], $0xffff;
	v5 =	vadd.s32 v17, v5  }
0x3e: {  	v17 =	vld.idx.msk [tilespmem:v12+s2+$0x0], $0xffff;
	v5 =	vadd.s32 v18, v5  }
0x3f: {  	v18 =	vld.idx.msk [tilespmem:v21+s2+$0x0], $0xffff;
	v5 =	vadd.s32 v19, v5  }
0x40: {  	v19 =	vld.idx.msk [tilespmem:v14+s2+$0x0], $0xffff;
	v5 =	vadd.s32 v20, v5  }
0x41: {  	v20 =	vld.idx.msk [tilespmem:v24+s2+$0x0], $0xffff;
	v5 =	vadd.s32 v6, v5  }
0x42: {  	v6 =	vld.idx.msk [tilespmem:v25+s2+$0x0], $0xffff;
	v5 =	vadd.s32 v13, v5  }
0x43: {  	v13 =	vld.idx.msk [tilespmem:v26+s2+$0x0], $0xffff;
	v5 =	vadd.s32 v17, v5  }
0x44: {  	v17 =	vld.idx.msk [tilespmem:v27+s2+$0x0], $0xffff;
	v5 =	vadd.s32 v18, v5  }
0x45: {  	v18 =	vld.idx.msk [tilespmem:v28+s2+$0x0], $0xffff;
	v5 =	vadd.s32 v19, v5  }
0x46: {  	v19 =	vld.idx.msk [tilespmem:v29+s2+$0x0], $0xffff;
	v5 =	vadd.s32 v20, v5  }
0x47: {  	v20 =	vld.idx.msk [tilespmem:v30+s2+$0x0], $0xffff;
	v5 =	vadd.s32 v6, v5  }
0x48: {  	v22 =	vld.idx.msk [tilespmem:v31+s2+$0x0], $0xffff;
	v5 =	vadd.s32 v13, v5  }
0x49: {  	v23 =	vld.idx.msk [tilespmem:v32+s2+$0x0], $0xffff;
	v5 =	vadd.s32 v17, v5  }
0x4a: {  	v17 =	vld.idx.msk [tilespmem:v33+s2+$0x0], $0xffff;
	v5 =	vadd.s32 v18, v5  }
0x4b: {  	v3 =	vadd.s32 $0xC9, v3;
	v38 =	vld.idx.msk [tilespmem:v34+s2+$0x0], $0xffff;
	v13 =	vadd.s32 v19, v5  }
0x4c: {  	v6 =	vadd.s32 $0xC9, v10;
	v5 =	vadd.s32 $0xC9, v4;
	v4 =	vld.idx.msk [tilespmem:v35+s2+$0x0], $0xffff;
	v18 =	vadd.s32 v20, v13  }
0x4d: {  	v10 =	vadd.s32 $0xC9, v11;
	v13 =	vadd.s32 $0xC9, v7;
	v7 =	vld.idx.msk [tilespmem:v36+s2+$0x0], $0xffff;
	v11 =	vadd.s32 v22, v18  }
0x4e: {  	s15 =	simm.s32 $0x0;
	v18 =	vadd.s32 $0xC9, v8;
	v22 =	vadd.s32 $0xC9, v9;
	v9 =	vld.idx.msk [tilespmem:v37+s2+$0x0], $0xffff;
	v8 =	vadd.s32 v23, v11  }
0x4f: {  	v39 =	vadd.s32 s15, v3;
	v19 =	vadd.s32 $0xC9, v16;
	v8 =	vadd.s32 v17, v8  }
0x50: {  	v16 =	vadd.s32 $0xC9, v21;
	v20 =	vadd.s32 $0xC9, v12;
	v8 =	vadd.s32 v38, v8  }
0x51: {  	v63 =	vadd.s32 s15, v5;
	v23 =	vadd.s32 $0xC9, v15;
	v4 =	vadd.s32 v4, v8  }
0x52: {  	v11 =	vadd.s32 $0xC9, v25;
	v25 =	vadd.s32 $0xC9, v32;
	v12 =	vadd.s32 v7, v4  }
0x53: {  	v32 =	vadd.s32 s15, v10;
	v17 =	vadd.s32 $0xC9, v14;
	v9 =	vadd.s32 v9, v12  }
0x54: {  	v14 =	vadd.s32 $0xC9, v24;
	v12 =	vand.u32 $0xFF, v9;
	v15 =	vshrl.u32 v9, $0x8  }
0x55: {  	v21 =	vshrl.u32 v9, $0x10;
	v9 =	vshrl.u32 v9, $0x18;
	v12 =	vadd.s32 $0xFFFFFFE6, v12  }
0x56: {  	v15 =	vand.u32 $0xFF, v15;
	v9 =	vadd.s32 $0xFFFFFFE6, v9;
	v12 =	vcvt.s32.f32 v12  }
0x57: {  	v21 =	vand.u32 $0xFF, v21;
	v15 =	vadd.s32 $0xFFFFFFE6, v15;
	v9 =	vcvt.s32.f32 v9  }
0x58: {  	v7 =	vadd.s32 $0xC9, v27;
	v21 =	vadd.s32 $0xFFFFFFE6, v21;
	v15 =	vcvt.s32.f32 v15;
	[tilespmem:s13+$0xFFFFFE00] =	vst v12  }
0x59: {  	v27 =	vadd.s32 $0xC9, v31;
	v31 =	vadd.s32 s15, v6;
	v21 =	vcvt.s32.f32 v21;
	[tilespmem:s13+$0x100] =	vst v9  }
0x5a: {  	v24 =	vadd.s32 $0xC9, v33;
	v33 =	vadd.s32 s15, v13;
	v8 =	vadd.s32 $0xC9, v26;
	[tilespmem:s13+$0xFFFFFF00] =	vst v15  }
0x5b: {  	v26 =	vadd.s32 $0xC9, v30;
	v4 =	vadd.s32 $0xC9, v28;
	v28 =	vadd.s32 $0xC9, v29;
	[tilespmem:s13+$0x0] =	vst v21  }
0x5c: {  	v12 =	vadd.s32 $0xC9, v36;
	v21 =	vadd.s32 $0xC9, v34;
	v34 =	vadd.s32 s15, v18;
	v29 =	vld.idx.msk [tilespmem:v63+s2+$0x0], $0xffff  }
0x5d: {  	s17 =	simm.s32 $0xC9;
	s16 =	smov.u32 s13;
	s18 =	simm.s32 $0x192;
	v9 =	vadd.s32 $0xC9, v37;
	v15 =	vadd.s32 $0xC9, v35;
	v35 =	vadd.s32 s15, v22;
	v30 =	vld.idx.msk [tilespmem:v39+s2+$0x0], $0xffff  }
.LBB2_3:
0x5e: {  	p0 =	sne.s32 s18, $0xBC7;
	v31 =	vld.idx.msk [tilespmem:v31+s2+$0x0], $0xffff;
	v36 =	vadd.s32 s15, v23  }
0x5f: {  	v37 =	vadd.s32 s15, v19;
	v32 =	vld.idx.msk [tilespmem:v32+s2+$0x0], $0xffff  }
0x60: {  	v38 =	vadd.s32 s15, v20;
	v33 =	vld.idx.msk [tilespmem:v33+s2+$0x0], $0xffff  }
0x61: {  	v39 =	vadd.s32 s15, v16;
	v34 =	vld.idx.msk [tilespmem:v34+s2+$0x0], $0xffff  }
0x62: {  	v40 =	vadd.s32 s15, v17;
	v35 =	vld.idx.msk [tilespmem:v35+s2+$0x0], $0xffff  }
0x63: {  	v29 =	vadd.s32 v30, v29;
	v30 =	vadd.s32 s15, v14;
	v36 =	vld.idx.msk [tilespmem:v36+s2+$0x0], $0xffff  }
0x64: {  	v29 =	vadd.s32 v31, v29;
	v31 =	vadd.s32 s15, v11;
	v37 =	vld.idx.msk [tilespmem:v37+s2+$0x0], $0xffff  }
0x65: {  	v29 =	vadd.s32 v32, v29;
	v32 =	vadd.s32 s15, v8;
	v38 =	vld.idx.msk [tilespmem:v38+s2+$0x0], $0xffff  }
0x66: {  	v29 =	vadd.s32 v33, v29;
	v33 =	vadd.s32 s15, v7;
	v39 =	vld.idx.msk [tilespmem:v39+s2+$0x0], $0xffff  }
0x67: {  	v29 =	vadd.s32 v34, v29;
	v34 =	vadd.s32 s15, v4;
	v40 =	vld.idx.msk [tilespmem:v40+s2+$0x0], $0xffff  }
0x68: {  	v29 =	vadd.s32 v35, v29;
	v35 =	vadd.s32 s15, v28;
	v30 =	vld.idx.msk [tilespmem:v30+s2+$0x0], $0xffff  }
0x69: {  	v29 =	vadd.s32 v36, v29;
	v36 =	vadd.s32 s15, v26;
	v31 =	vld.idx.msk [tilespmem:v31+s2+$0x0], $0xffff  }
0x6a: {  	v29 =	vadd.s32 v37, v29;
	v37 =	vadd.s32 s15, v27;
	v32 =	vld.idx.msk [tilespmem:v32+s2+$0x0], $0xffff  }
0x6b: {  	v29 =	vadd.s32 v38, v29;
	v38 =	vadd.s32 s15, v25;
	v33 =	vld.idx.msk [tilespmem:v33+s2+$0x0], $0xffff  }
0x6c: {  	v29 =	vadd.s32 v39, v29;
	v39 =	vadd.s32 s15, v24;
	v34 =	vld.idx.msk [tilespmem:v34+s2+$0x0], $0xffff  }
0x6d: {  	v29 =	vadd.s32 v40, v29;
	v40 =	vadd.s32 s15, v21;
	v35 =	vld.idx.msk [tilespmem:v35+s2+$0x0], $0xffff  }
0x6e: {  	v29 =	vadd.s32 v30, v29;
	v30 =	vadd.s32 s15, v15;
	v36 =	vld.idx.msk [tilespmem:v36+s2+$0x0], $0xffff  }
0x6f: {  	v29 =	vadd.s32 v31, v29;
	v31 =	vadd.s32 s15, v12;
	v37 =	vld.idx.msk [tilespmem:v37+s2+$0x0], $0xffff  }
0x70: {  	v29 =	vadd.s32 v32, v29;
	v32 =	vadd.s32 s15, v9;
	s15 =	smov.u32 s17;
	s17 =	smov.u32 s18;
	v38 =	vld.idx.msk [tilespmem:v38+s2+$0x0], $0xffff  }
0x71: {  	v29 =	vadd.s32 v33, v29;
	v39 =	vld.idx.msk [tilespmem:v39+s2+$0x0], $0xffff  }
0x72: {  	v29 =	vadd.s32 v34, v29;
	v33 =	vld.idx.msk [tilespmem:v40+s2+$0x0], $0xffff  }
0x73: {  	v29 =	vadd.s32 v35, v29;
	v30 =	vld.idx.msk [tilespmem:v30+s2+$0x0], $0xffff  }
0x74: {  	v29 =	vadd.s32 v36, v29;
	v31 =	vld.idx.msk [tilespmem:v31+s2+$0x0], $0xffff  }
0x75: {  	v29 =	vadd.s32 v37, v29;
	v32 =	vld.idx.msk [tilespmem:v32+s2+$0x0], $0xffff  }
0x76: {  	v29 =	vadd.s32 v38, v29  }
0x77: {  	v29 =	vadd.s32 v39, v29  }
0x78: {  	v29 =	vadd.s32 v33, v29  }
0x79: {  	v29 =	vadd.s32 v30, v29  }
0x7a: {  	v29 =	vadd.s32 v31, v29  }
0x7b: {  	v30 =	vadd.s32 s15, v5;
	v29 =	vadd.s32 v32, v29  }
0x7c: {  	v31 =	vand.u32 $0xFF, v29;
	v32 =	vshrl.u32 v29, $0x8;
	v33 =	vshrl.u32 v29, $0x10  }
0x7d: {  	v31 =	vadd.s32 $0xFFFFFFE6, v31;
	v32 =	vand.u32 $0xFF, v32;
	v33 =	vand.u32 $0xFF, v33  }
0x7e: {  	v31 =	vcvt.s32.f32 v31;
	v32 =	vadd.s32 $0xFFFFFFE6, v32;
	v33 =	vadd.s32 $0xFFFFFFE6, v33  }
0x7f: {  	s16 =	sadd.s32 $0x10, s16;
	v29 =	vshrl.u32 v29, $0x18;
	v32 =	vcvt.s32.f32 v32;
	v33 =	vcvt.s32.f32 v33  }
0x80: {  	v35 =	vadd.s32 s15, v3;
	v29 =	vadd.s32 $0xFFFFFFE6, v29;
	[tilespmem:s16+$0xFFFFFE00] =	vst v31  }
.Ltmp0:
0x81: {  	v29 =	vcvt.s32.f32 v29;
	v31 =	vadd.s32 s15, v6;
	[tilespmem:s16+$0xFFFFFF00] =	vst v32;
	(pc) =	sbr.rel @p0 .LBB2_3-.Ltmp0, $4  }
0x82: {  	v32 =	vadd.s32 s15, v10;
	[tilespmem:s16+$0x0] =	vst v33  }
0x83: {  	v33 =	vadd.s32 s15, v13;
	[tilespmem:s16+$0x100] =	vst v29  }
0x84: {  	v34 =	vadd.s32 s15, v18;
	v29 =	vld.idx.msk [tilespmem:v30+s2+$0x0], $0xffff  }
0x85: {  	s18 =	sadd.s32 $0xC9, s18;
	v30 =	vld.idx.msk [tilespmem:v35+s2+$0x0], $0xffff;
	v35 =	vadd.s32 s15, v22  }
0x86: {  	_ =	sdelay $0x3  }
0x87: {  	v3 =	vld.idx.msk [tilespmem:v31+s2+$0x0], $0xffff;
	v5 =	vadd.s32 s15, v23  }
0x88: {  	v6 =	vld.idx.msk [tilespmem:v32+s2+$0x0], $0xffff;
	v10 =	vadd.s32 s15, v19  }
0x89: {  	v13 =	vld.idx.msk [tilespmem:v33+s2+$0x0], $0xffff;
	v18 =	vadd.s32 s15, v20  }
0x8a: {  	v40 =	vld.idx.msk [tilespmem:v34+s2+$0x0], $0xffff;
	v16 =	vadd.s32 s15, v16  }
0x8b: {  	v41 =	vld.idx.msk [tilespmem:v35+s2+$0x0], $0xffff;
	v17 =	vadd.s32 s15, v17;
	v22 =	vadd.s32 v30, v29  }
0x8c: {  	v14 =	vadd.s32 s15, v14;
	v5 =	vld.idx.msk [tilespmem:v5+s2+$0x0], $0xffff;
	v3 =	vadd.s32 v3, v22  }
0x8d: {  	v11 =	vadd.s32 s15, v11;
	v10 =	vld.idx.msk [tilespmem:v10+s2+$0x0], $0xffff;
	v3 =	vadd.s32 v6, v3  }
0x8e: {  	v8 =	vadd.s32 s15, v8;
	v42 =	vld.idx.msk [tilespmem:v18+s2+$0x0], $0xffff;
	v3 =	vadd.s32 v13, v3  }
0x8f: {  	v7 =	vadd.s32 s15, v7;
	v43 =	vld.idx.msk [tilespmem:v16+s2+$0x0], $0xffff;
	v3 =	vadd.s32 v40, v3  }
0x90: {  	v4 =	vadd.s32 s15, v4;
	v44 =	vld.idx.msk [tilespmem:v17+s2+$0x0], $0xffff;
	v3 =	vadd.s32 v41, v3  }
0x91: {  	v45 =	vadd.s32 s15, v28;
	v14 =	vld.idx.msk [tilespmem:v14+s2+$0x0], $0xffff;
	v3 =	vadd.s32 v5, v3  }
0x92: {  	v47 =	vadd.s32 s15, v26;
	v46 =	vld.idx.msk [tilespmem:v11+s2+$0x0], $0xffff;
	v3 =	vadd.s32 v10, v3  }
0x93: {  	v48 =	vadd.s32 s15, v27;
	v8 =	vld.idx.msk [tilespmem:v8+s2+$0x0], $0xffff;
	v3 =	vadd.s32 v42, v3  }
0x94: {  	v50 =	vadd.s32 s15, v25;
	v49 =	vld.idx.msk [tilespmem:v7+s2+$0x0], $0xffff;
	v3 =	vadd.s32 v43, v3  }
0x95: {  	v51 =	vadd.s32 s15, v24;
	v4 =	vld.idx.msk [tilespmem:v4+s2+$0x0], $0xffff;
	v3 =	vadd.s32 v44, v3  }
0x96: {  	v53 =	vadd.s32 s15, v21;
	v52 =	vld.idx.msk [tilespmem:v45+s2+$0x0], $0xffff;
	v3 =	vadd.s32 v14, v3  }
0x97: {  	v54 =	vadd.s32 s15, v15;
	v11 =	vld.idx.msk [tilespmem:v47+s2+$0x0], $0xffff;
	v3 =	vadd.s32 v46, v3  }
0x98: {  	v56 =	vadd.s32 s15, v12;
	v55 =	vld.idx.msk [tilespmem:v48+s2+$0x0], $0xffff;
	v3 =	vadd.s32 v8, v3  }
0x99: {  	v57 =	vadd.s32 s15, v9;
	v7 =	vld.idx.msk [tilespmem:v50+s2+$0x0], $0xffff;
	v3 =	vadd.s32 v49, v3  }
0x9a: {  	v58 =	vld.idx.msk [tilespmem:v51+s2+$0x0], $0xffff;
	v3 =	vadd.s32 v4, v3  }
0x9b: {  	v59 =	vld.idx.msk [tilespmem:v53+s2+$0x0], $0xffff;
	v3 =	vadd.s32 v52, v3  }
0x9c: {  	v60 =	vld.idx.msk [tilespmem:v54+s2+$0x0], $0xffff;
	v3 =	vadd.s32 v11, v3  }
0x9d: {  	v10 =	vld.idx.msk [tilespmem:v56+s2+$0x0], $0xffff;
	v3 =	vadd.s32 v55, v3  }
0x9e: {  	v61 =	vld.idx.msk [tilespmem:v57+s2+$0x0], $0xffff;
	v3 =	vadd.s32 v7, v3  }
0x9f: {  	v3 =	vadd.s32 v58, v3  }
0xa0: {  	v3 =	vadd.s32 v59, v3  }
0xa1: {  	v3 =	vadd.s32 v60, v3  }
0xa2: {  	v3 =	vadd.s32 v10, v3  }
0xa3: {  	v3 =	vadd.s32 v61, v3  }
0xa4: {  	v62 =	vand.u32 $0xFF, v3;
	v5 =	vshrl.u32 v3, $0x8  }
0xa5: {  	s14 =	sadd.s32 $0x1, s14;
	v63 =	vshrl.u32 v3, $0x10;
	v3 =	vshrl.u32 v3, $0x18;
	v4 =	vadd.s32 $0xFFFFFFE6, v62  }
0xa6: {  	p0 =	sne.s32 s14, $0x14;
	v5 =	vand.u32 $0xFF, v5;
	v3 =	vadd.s32 $0xFFFFFFE6, v3;
	v4 =	vcvt.s32.f32 v4  }
.Ltmp1:
0xa7: {  	s31 =	sadd.s32 $0x10, s16;
	v6 =	vand.u32 $0xFF, v63;
	v5 =	vadd.s32 $0xFFFFFFE6, v5;
	v3 =	vcvt.s32.f32 v3;
	(pc) =	sbr.rel @p0 .LBB2_2-.Ltmp1, $4  }
0xa8: {  	v6 =	vadd.s32 $0xFFFFFFE6, v6;
	v5 =	vcvt.s32.f32 v5;
	[tilespmem:s31+$0xFFFFFE00] =	vst v4  }
0xa9: {  	v6 =	vcvt.s32.f32 v6;
	[tilespmem:s31+$0x100] =	vst v3  }
0xaa: {  	[tilespmem:s31+$0xFFFFFF00] =	vst v5  }
0xab: {  	s13 =	sadd.s32 $0x400, s13;
	[tilespmem:s31+$0x0] =	vst v6  }
0xac: {  	s13 =	simm.s32 $0x0  }
0xad: {  	s14 =	sand.u32 $0x3F0, s13  }
0xae: {  	v15 =	vld [tilespmem:s14+$0x17380]  }
0xaf: {  	v16 =	vld [tilespmem:s14+$0x17780]  }
0xb0: {  	v17 =	vld [tilespmem:s14+$0x17B80]  }
0xb1: {  	v18 =	vld [tilespmem:s14+$0x17F80]  }
0xb2: {  	v33 =	vld [tilespmem:s14+$0x18380]  }
0xb3: {  	v34 =	vld [tilespmem:s14+$0x18780]  }
0xb4: {  	v36 =	vld [tilespmem:s14+$0x18B80]  }
0xb5: {  	v37 =	vld [tilespmem:s14+$0x18F80]  }
0xb6: {  	v6 =	vld [tilespmem:s14+$0x19380]  }
0xb7: {  	v7 =	vld [tilespmem:s14+$0x19780]  }
0xb8: {  	v5 =	vld [tilespmem:s14+$0x19B80]  }
0xb9: {  	v8 =	vld [tilespmem:s14+$0x19F80]  }
0xba: {  	s15 =	simm.s32 $0x3F0;
	s17 =	simm.s32 $0x3D0;
	v3 =	vld [tilespmem:s14+$0x1A380]  }
0xbb: {  	s15 =	sand.u32 $0x3F0, s15;
	s31 =	sand.u32 $0x3F0, s17;
	v4 =	vld [tilespmem:s14+$0x1A780]  }
0xbc: {  	s15 =	sadd.s32 $0x16780, s15;
	v25 =	vld [tilespmem:s31+$0x16780]  }
0xbd: {  	v19 =	vld [tilespmem:s15+$0x800]  }
0xbe: {  	v20 =	vld [tilespmem:s15+$0xC00]  }
0xbf: {  	v21 =	vld [tilespmem:s15+$0x1000]  }
0xc0: {  	v22 =	vld [tilespmem:s15+$0x1400]  }
0xc1: {  	v29 =	vld [tilespmem:s15+$0x1800]  }
0xc2: {  	v30 =	vld [tilespmem:s15+$0x1C00]  }
0xc3: {  	v38 =	vld [tilespmem:s15+$0x2000]  }
0xc4: {  	v39 =	vld [tilespmem:s15+$0x2400]  }
0xc5: {  	v12 =	vld [tilespmem:s15+$0x2800]  }
0xc6: {  	v13 =	vld [tilespmem:s15+$0x2C00]  }
0xc7: {  	v11 =	vld [tilespmem:s15+$0x3000]  }
0xc8: {  	s16 =	simm.s32 $0x3E0;
	v14 =	vld [tilespmem:s15+$0x3400]  }
0xc9: {  	s16 =	sand.u32 $0x3F0, s16;
	v9 =	vld [tilespmem:s15+$0x3800]  }
0xca: {  	s18 =	sadd.s32 $0x16780, s16;
	v10 =	vld [tilespmem:s15+$0x3C00]  }
0xcb: {  	s19 =	sadd.s32 $0x16780, s31;
	v24 =	vld [tilespmem:s18+$0x400]  }
0xcc: {  	v26 =	vld [tilespmem:s19+$0x400]  }
0xcd: {  	v27 =	vld [tilespmem:s18+$0x800]  }
0xce: {  	v28 =	vld [tilespmem:s19+$0x800]  }
0xcf: {  	v31 =	vld [tilespmem:s18+$0xC00]  }
0xd0: {  	v32 =	vld [tilespmem:s19+$0xC00]  }
0xd1: {  	v35 =	vld [tilespmem:s18+$0x1000]  }
0xd2: {  	v40 =	vld [tilespmem:s19+$0x1000]  }
0xd3: {  	v41 =	vld [tilespmem:s18+$0x1400]  }
0xd4: {  	v42 =	vld [tilespmem:s19+$0x1400]  }
0xd5: {  	v43 =	vld [tilespmem:s18+$0x1800]  }
0xd6: {  	v44 =	vld [tilespmem:s19+$0x1800]  }
0xd7: {  	v45 =	vld [tilespmem:s18+$0x1C00]  }
0xd8: {  	v46 =	vld [tilespmem:s19+$0x1C00]  }
0xd9: {  	v47 =	vld [tilespmem:s18+$0x2000]  }
0xda: {  	v23 =	vld [tilespmem:s19+$0x2000]  }
0xdb: {  	v48 =	vmul.f32 v24, v25;
	v26 =	vmul.f32 v27, v26;
	v24 =	vld [tilespmem:s18+$0x2400]  }
0xdc: {  	v28 =	vmul.f32 v31, v28;
	v31 =	vmul.f32 v35, v32;
	v25 =	vld [tilespmem:s19+$0x2400]  }
0xdd: {  	v27 =	vld [tilespmem:s18+$0x2800];
	v19 =	vmul.f32 v19, v48;
	v26 =	vmul.f32 v20, v26  }
0xde: {  	v35 =	vld [tilespmem:s18+$0x3000];
	v21 =	vmul.f32 v21, v28;
	v32 =	vmul.f32 v22, v31  }
0xdf: {  	v28 =	vld [tilespmem:s19+$0x2800];
	v20 =	vmul.f32 v15, v19;
	v22 =	vmul.f32 v16, v26  }
0xe0: {  	v31 =	vld [tilespmem:s18+$0x2C00];
	v19 =	vmul.f32 v17, v21;
	v21 =	vmul.f32 v18, v32  }
0xe1: {  	v32 =	vld [tilespmem:s19+$0x2C00];
	v15 =	vmul.f32 v41, v40;
	v16 =	vmul.f32 v43, v42  }
0xe2: {  	v17 =	vmul.f32 v45, v44;
	v18 =	vmul.f32 v47, v46;
	v26 =	vld [tilespmem:s19+$0x3000]  }
0xe3: {  	v15 =	vmul.f32 v29, v15;
	v16 =	vmul.f32 v30, v16;
	v29 =	vld [tilespmem:s18+$0x3400]  }
0xe4: {  	v38 =	vmul.f32 v38, v17;
	v18 =	vmul.f32 v39, v18;
	v30 =	vld [tilespmem:s19+$0x3400]  }
0xe5: {  	v15 =	vmul.f32 v33, v15;
	v17 =	vmul.f32 v34, v16;
	v33 =	vld [tilespmem:s18+$0x3800]  }
0xe6: {  	s17 =	simm.s32 $0x0;
	s16 =	simm.s32 $0x1;
	v16 =	vmul.f32 v36, v38;
	v18 =	vmul.f32 v37, v18;
	v34 =	vld [tilespmem:s19+$0x3800]  }
.LBB2_6:
0xe7: {  	p0 =	sne.s32 s16, $0x3F;
	v23 =	vmul.f32 v24, v23;
	v24 =	vmul.f32 v27, v25;
	v25 =	vld [tilespmem:s18+$0x3C00]  }
0xe8: {  	v27 =	vmul.f32 v31, v28;
	v28 =	vmul.f32 v35, v32;
	v31 =	vld [tilespmem:s19+$0x3C00]  }
0xe9: {  	v12 =	vmul.f32 v12, v23;
	v13 =	vmul.f32 v13, v24;
	v23 =	vld [tilespmem:s18+$0x4000]  }
0xea: {  	v11 =	vmul.f32 v11, v27;
	v14 =	vmul.f32 v14, v28;
	v24 =	vld [tilespmem:s15+$0x4000]  }
0xeb: {  	v6 =	vmul.f32 v6, v12;
	v7 =	vmul.f32 v7, v13;
	v12 =	vld [tilespmem:s15+$0x4400]  }
0xec: {  	v5 =	vmul.f32 v5, v11;
	v8 =	vmul.f32 v8, v14;
	v11 =	vld [tilespmem:s14+$0x1AB80]  }
0xed: {  	v13 =	vmul.f32 v29, v26;
	v14 =	vmul.f32 v33, v30;
	v26 =	vld [tilespmem:s14+$0x1AF80]  }
0xee: {  	v25 =	vmul.f32 v25, v34;
	v23 =	vmul.f32 v23, v31  }
0xef: {  	v9 =	vmul.f32 v9, v13;
	v10 =	vmul.f32 v10, v14;
	v13 =	vadd.f32 v22, v20  }
0xf0: {  	v19 =	vadd.f32 v21, v19;
	v14 =	vmul.f32 v24, v25;
	v12 =	vmul.f32 v12, v23;
	v20 =	vld [tilespmem:s19+$0x4000]  }
0xf1: {  	v3 =	vmul.f32 v3, v9;
	v4 =	vmul.f32 v4, v10;
	v10 =	vadd.f32 v17, v15;
	v9 =	vld [tilespmem:s18+$0x4400]  }
0xf2: {  	v11 =	vmul.f32 v11, v14;
	v14 =	vadd.f32 v18, v16;
	v12 =	vmul.f32 v26, v12  }
0xf3: {  	v6 =	vadd.f32 v7, v6;
	v5 =	vadd.f32 v8, v5;
	v15 =	vld [tilespmem:s15+$0x4800]  }
0xf4: {  	v3 =	vadd.f32 v4, v3;
	v4 =	vadd.f32 v12, v11  }
0xf5: {  	v8 =	vadd.f32 v19, v13;
	v10 =	vadd.f32 v14, v10;
	v7 =	vld [tilespmem:s14+$0x1B380]  }
0xf6: {  	v5 =	vadd.f32 v5, v6;
	v9 =	vmul.f32 v9, v20;
	v3 =	vadd.f32 v4, v3;
	_ =	sdelay $0x1  }
0xf7: {  	v6 =	vadd.f32 v10, v8;
	v4 =	vmul.f32 v15, v9;
	v3 =	vadd.f32 v3, v5;
	_ =	sdelay $0x1  }
0xf8: {  	v4 =	vmul.f32 v7, v4;
	v3 =	vadd.f32 v3, v6  }
0xf9: {  	v5 =	vor.u32 s13, v2;
	s13 =	smov.u32 s16  }
0xfa: {  	v3 =	vadd.f32 v4, v3;
	_ =	sdelay $0x1  }
0xfb: {  	vm0 =	vgt.f32 v3, $0.0e+00  }
0xfc: {  	s17 =	sadd.s32 $0x10, s17;
	v3 =	vsel vm0, $0x3F800000, v1  }
0xfd: {  	s14 =	sand.u32 $0x3F0, s17;
	[tilespmem:v5+s11+$0x0] =	vst.idx.msk $0xffff, v3  }
0xfe: {  	v19 =	vld [tilespmem:s14+$0x17380]  }
0xff: {  	v21 =	vld [tilespmem:s14+$0x17780]  }
0x100: {  	v26 =	vld [tilespmem:s14+$0x17B80]  }
0x101: {  	v29 =	vld [tilespmem:s14+$0x17F80]  }
0x102: {  	v15 =	vld [tilespmem:s14+$0x18380]  }
0x103: {  	v17 =	vld [tilespmem:s14+$0x18780]  }
0x104: {  	v16 =	vld [tilespmem:s14+$0x18B80]  }
0x105: {  	v18 =	vld [tilespmem:s14+$0x18F80]  }
0x106: {  	v6 =	vld [tilespmem:s14+$0x19380]  }
0x107: {  	v7 =	vld [tilespmem:s14+$0x19780]  }
0x108: {  	v5 =	vld [tilespmem:s14+$0x19B80]  }
0x109: {  	s15 =	sadd.s32 $0x3F0, s17;
	v8 =	vld [tilespmem:s14+$0x19F80]  }
0x10a: {  	s15 =	sand.u32 $0x3F0, s15;
	v3 =	vld [tilespmem:s14+$0x1A380]  }
0x10b: {  	s15 =	sadd.s32 $0x16780, s15;
	v4 =	vld [tilespmem:s14+$0x1A780]  }
0x10c: {  	v20 =	vld [tilespmem:s15+$0x800]  }
0x10d: {  	v22 =	vld [tilespmem:s15+$0xC00]  }
0x10e: {  	v28 =	vld [tilespmem:s15+$0x1000]  }
0x10f: {  	v30 =	vld [tilespmem:s15+$0x1400]  }
0x110: {  	v33 =	vld [tilespmem:s15+$0x1800]  }
0x111: {  	v34 =	vld [tilespmem:s15+$0x1C00]  }
0x112: {  	v36 =	vld [tilespmem:s15+$0x2000]  }
0x113: {  	v37 =	vld [tilespmem:s15+$0x2400]  }
0x114: {  	v12 =	vld [tilespmem:s15+$0x2800]  }
0x115: {  	v13 =	vld [tilespmem:s15+$0x2C00]  }
0x116: {  	v11 =	vld [tilespmem:s15+$0x3000]  }
0x117: {  	s18 =	sadd.s32 $0x3E0, s17;
	v14 =	vld [tilespmem:s15+$0x3400]  }
0x118: {  	s18 =	sand.u32 $0x3F0, s18;
	v9 =	vld [tilespmem:s15+$0x3800]  }
0x119: {  	s19 =	sadd.s32 $0x3D0, s17;
	s18 =	sadd.s32 $0x16780, s18;
	v10 =	vld [tilespmem:s15+$0x3C00]  }
0x11a: {  	s20 =	sand.u32 $0x3F0, s19;
	v24 =	vld [tilespmem:s18+$0x400]  }
0x11b: {  	s19 =	sadd.s32 $0x16780, s20;
	v25 =	vld [tilespmem:s20+$0x16780]  }
0x11c: {  	v27 =	vld [tilespmem:s19+$0x400]  }
0x11d: {  	v31 =	vld [tilespmem:s18+$0x800]  }
0x11e: {  	v32 =	vld [tilespmem:s19+$0x800]  }
0x11f: {  	v35 =	vld [tilespmem:s18+$0xC00]  }
0x120: {  	v38 =	vld [tilespmem:s19+$0xC00]  }
0x121: {  	v39 =	vld [tilespmem:s18+$0x1000]  }
0x122: {  	v40 =	vld [tilespmem:s19+$0x1000]  }
0x123: {  	v41 =	vld [tilespmem:s18+$0x1400]  }
0x124: {  	v42 =	vld [tilespmem:s19+$0x1400]  }
0x125: {  	v43 =	vld [tilespmem:s18+$0x1800]  }
0x126: {  	v44 =	vld [tilespmem:s19+$0x1800]  }
0x127: {  	v45 =	vld [tilespmem:s18+$0x1C00]  }
0x128: {  	v46 =	vld [tilespmem:s19+$0x1C00]  }
0x129: {  	v47 =	vld [tilespmem:s18+$0x2000]  }
0x12a: {  	v23 =	vld [tilespmem:s19+$0x2000]  }
0x12b: {  	v48 =	vmul.f32 v24, v25;
	v27 =	vmul.f32 v31, v27;
	v24 =	vld [tilespmem:s18+$0x2400]  }
0x12c: {  	v31 =	vmul.f32 v35, v32;
	v32 =	vmul.f32 v39, v38;
	v25 =	vld [tilespmem:s19+$0x2400]  }
0x12d: {  	v20 =	vmul.f32 v20, v48;
	v22 =	vmul.f32 v22, v27;
	v27 =	vld [tilespmem:s18+$0x2800]  }
0x12e: {  	v35 =	vmul.f32 v28, v31;
	v30 =	vmul.f32 v30, v32;
	v28 =	vld [tilespmem:s19+$0x2800]  }
0x12f: {  	v20 =	vmul.f32 v19, v20;
	v22 =	vmul.f32 v21, v22;
	v31 =	vld [tilespmem:s18+$0x2C00]  }
0x130: {  	v19 =	vmul.f32 v26, v35;
	v21 =	vmul.f32 v29, v30;
	v32 =	vld [tilespmem:s19+$0x2C00]  }
0x131: {  	v29 =	vmul.f32 v41, v40;
	v30 =	vmul.f32 v43, v42;
	v35 =	vld [tilespmem:s18+$0x3000]  }
.Ltmp2:
0x132: {  	v38 =	vmul.f32 v45, v44;
	v39 =	vmul.f32 v47, v46;
	v26 =	vld [tilespmem:s19+$0x3000];
	(pc) =	sbr.rel @p0 .LBB2_6-.Ltmp2, $4  }
0x133: {  	v33 =	vmul.f32 v33, v29;
	v34 =	vmul.f32 v34, v30;
	v29 =	vld [tilespmem:s18+$0x3400]  }
0x134: {  	v36 =	vmul.f32 v36, v38;
	v37 =	vmul.f32 v37, v39;
	v30 =	vld [tilespmem:s19+$0x3400]  }
0x135: {  	v15 =	vmul.f32 v15, v33;
	v17 =	vmul.f32 v17, v34;
	v33 =	vld [tilespmem:s18+$0x3800]  }
0x136: {  	s16 =	sadd.s32 $0x1, s16;
	v16 =	vmul.f32 v16, v36;
	v18 =	vmul.f32 v18, v37;
	v34 =	vld [tilespmem:s19+$0x3800]  }
0x137: {  	v23 =	vmul.f32 v24, v23;
	v39 =	vmul.f32 v27, v25;
	v40 =	vld [tilespmem:s18+$0x3C00]  }
0x138: {  	v41 =	vmul.f32 v31, v28;
	v42 =	vmul.f32 v35, v32;
	v43 =	vld [tilespmem:s19+$0x3C00]  }
0x139: {  	v44 =	vld [tilespmem:s18+$0x4000];
	v48 =	vmul.f32 v29, v26;
	v12 =	vmul.f32 v12, v23  }
0x13a: {  	v45 =	vld [tilespmem:s15+$0x4000];
	v13 =	vmul.f32 v13, v39;
	v11 =	vmul.f32 v11, v41  }
0x13b: {  	v46 =	vld [tilespmem:s15+$0x4400];
	v14 =	vmul.f32 v14, v42;
	v49 =	vmul.f32 v33, v30  }
0x13c: {  	v47 =	vld [tilespmem:s14+$0x1AB80];
	v9 =	vmul.f32 v9, v48;
	v6 =	vmul.f32 v6, v12  }
0x13d: {  	v50 =	vld [tilespmem:s14+$0x1AF80];
	v7 =	vmul.f32 v7, v13;
	v5 =	vmul.f32 v5, v11  }
0x13e: {  	v25 =	vmul.f32 v40, v34;
	v23 =	vmul.f32 v44, v43  }
0x13f: {  	v51 =	vadd.f32 v22, v20;
	v8 =	vmul.f32 v8, v14;
	v10 =	vmul.f32 v10, v49  }
0x140: {  	v53 =	vld [tilespmem:s19+$0x4000];
	v19 =	vadd.f32 v21, v19;
	v52 =	vmul.f32 v45, v25;
	v12 =	vmul.f32 v46, v23  }
0x141: {  	v54 =	vld [tilespmem:s18+$0x4400];
	v55 =	vadd.f32 v17, v15;
	v3 =	vmul.f32 v3, v9;
	v4 =	vmul.f32 v4, v10  }
0x142: {  	v56 =	vadd.f32 v18, v16;
	v11 =	vmul.f32 v47, v52;
	v12 =	vmul.f32 v50, v12  }
0x143: {  	v57 =	vld [tilespmem:s15+$0x4800];
	v6 =	vadd.f32 v7, v6;
	v5 =	vadd.f32 v8, v5  }
0x144: {  	v3 =	vadd.f32 v4, v3;
	v58 =	vadd.f32 v12, v11  }
0x145: {  	v59 =	vld [tilespmem:s14+$0x1B380];
	v60 =	vadd.f32 v19, v51;
	v10 =	vadd.f32 v56, v55  }
0x146: {  	v9 =	vmul.f32 v54, v53;
	v5 =	vadd.f32 v5, v6;
	v3 =	vadd.f32 v58, v3;
	_ =	sdelay $0x1  }
0x147: {  	v61 =	vmul.f32 v57, v9;
	v62 =	vadd.f32 v10, v60;
	v3 =	vadd.f32 v3, v5;
	_ =	sdelay $0x1  }
0x148: {  	v4 =	vmul.f32 v59, v61;
	v3 =	vadd.f32 v3, v62  }
0x149: {  	v63 =	vor.u32 s13, v2  }
0x14a: {  	v3 =	vadd.f32 v4, v3;
	_ =	sdelay $0x1  }
0x14b: {  	vm0 =	vgt.f32 v3, $0.0e+00  }
0x14c: {  	v3 =	vsel vm0, $0x3F800000, v1  }
0x14d: {  	s13 =	simm.s32 $0x0;
	[tilespmem:v63+s11+$0x0] =	vst.idx.msk $0xffff, v3  }
0x14e: {  	[hbm4b:s5+s13] =	stream.linear.scatter [tilespmem:s11], [sflag:$0x1], $0x400, $0x38;
	[tilespmem:$0x1BB80] =	vst v63  }
0x14f: {  	_ =	swait.ge [sflag:s9], $0x400  }
0x150: {  	[sflag:s9] =	ssyncset.done $0x0  }
0x151: {  	[sflag:s9] =	ssyncadd.s32 $0xFFFFFC00  }
0x152: {  	[tilespmem:s10], [sflag:$0x1] =	stream.linear.gather [hbm4b:s6+s13], $0x2080, $0x38;
	[tilespmem:$0x1BB80] =	vst v63  }
0x153: {  	_ =	swait.ge [sflag:s9], $0x2080  }
0x154: {  	[sflag:s9] =	ssyncset.done $0x0  }
0x155: {  	s14 =	simm.s32 $0x16980;
	s15 =	simm.s32 $0x0;
	[sflag:s9] =	ssyncadd.s32 $0xFFFFDF80  }
.LBB2_8:
0x156: {  	s16 =	smul.u32 $0x1A, s15;
	_ =	sdelay $0x1  }
0x157: {  	v3 =	vadd.s32 s16, v0;
	s17 =	sor.u32 $0x1, s16  }
0x158: {  	s21 =	sadd.s32 $0x2, s16;
	v4 =	vadd.s32 s17, v0  }
0x159: {  	s22 =	sadd.s32 $0x3, s16;
	v5 =	vadd.s32 s21, v0  }
0x15a: {  	s23 =	sadd.s32 $0x4, s16;
	v6 =	vadd.s32 s22, v0  }
0x15b: {  	s24 =	sadd.s32 $0x5, s16;
	v7 =	vadd.s32 s23, v0  }
0x15c: {  	s25 =	sadd.s32 $0x6, s16;
	v8 =	vadd.s32 s24, v0;
	v3 =	vld.idx.msk [tilespmem:v3+s10+$0x0], $0xffff  }
0x15d: {  	s29 =	sadd.s32 $0x9, s16;
	v9 =	vadd.s32 s25, v0;
	v4 =	vld.idx.msk [tilespmem:v4+s10+$0x0], $0xffff  }
0x15e: {  	s30 =	sadd.s32 $0xA, s16;
	v12 =	vadd.s32 s29, v0;
	v10 =	vld.idx.msk [tilespmem:v5+s10+$0x0], $0xffff  }
0x15f: {  	s26 =	sadd.s32 $0x7, s16;
	v13 =	vadd.s32 s30, v0;
	v11 =	vld.idx.msk [tilespmem:v6+s10+$0x0], $0xffff  }
0x160: {  	s28 =	sadd.s32 $0x8, s16;
	v5 =	vadd.s32 s26, v0;
	v7 =	vld.idx.msk [tilespmem:v7+s10+$0x0], $0xffff  }
0x161: {  	s31 =	sadd.s32 $0xB, s16;
	v6 =	vadd.s32 s28, v0;
	v8 =	vld.idx.msk [tilespmem:v8+s10+$0x0], $0xffff  }
0x162: {  	s20 =	sadd.s32 $0xE, s16;
	v14 =	vadd.s32 s31, v0;
	v9 =	vld.idx.msk [tilespmem:v9+s10+$0x0], $0xffff  }
0x163: {  	v17 =	vadd.s32 s20, v0;
	s21 =	sadd.s32 $0xF, s16;
	v12 =	vld.idx.msk [tilespmem:v12+s10+$0x0], $0xffff  }
0x164: {  	s18 =	sadd.s32 $0xC, s16;
	v18 =	vld.idx.msk [tilespmem:v13+s10+$0x0], $0xffff;
	v13 =	vadd.s32 s21, v0  }
0x165: {  	s19 =	sadd.s32 $0xD, s16;
	v15 =	vld.idx.msk [tilespmem:v5+s10+$0x0], $0xffff;
	v5 =	vadd.s32 s18, v0  }
0x166: {  	s22 =	sadd.s32 $0x10, s16;
	v16 =	vld.idx.msk [tilespmem:v6+s10+$0x0], $0xffff;
	v6 =	vadd.s32 s19, v0  }
0x167: {  	s25 =	sadd.s32 $0x13, s16;
	v19 =	vadd.s32 s22, v0;
	v14 =	vld.idx.msk [tilespmem:v14+s10+$0x0], $0xffff  }
0x168: {  	v26 =	vld.idx.msk [tilespmem:v17+s10+$0x0], $0xffff;
	v17 =	vadd.s32 s25, v0;
	s26 =	sadd.s32 $0x14, s16  }
0x169: {  	s23 =	sadd.s32 $0x11, s16;
	v27 =	vld.idx.msk [tilespmem:v13+s10+$0x0], $0xffff;
	v13 =	vadd.s32 s26, v0  }
0x16a: {  	s24 =	sadd.s32 $0x12, s16;
	v22 =	vld.idx.msk [tilespmem:v5+s10+$0x0], $0xffff;
	v5 =	vadd.s32 s23, v0  }
0x16b: {  	s28 =	sadd.s32 $0x15, s16;
	v25 =	vld.idx.msk [tilespmem:v6+s10+$0x0], $0xffff;
	v6 =	vadd.s32 s24, v0  }
0x16c: {  	s31 =	sadd.s32 $0x18, s16;
	v28 =	vld.idx.msk [tilespmem:v19+s10+$0x0], $0xffff;
	v19 =	vadd.s32 s28, v0  }
0x16d: {  	s29 =	sadd.s32 $0x16, s16;
	s30 =	sadd.s32 $0x17, s16;
	s16 =	sadd.s32 $0x19, s16;
	v31 =	vld.idx.msk [tilespmem:v17+s10+$0x0], $0xffff;
	v17 =	vadd.s32 s31, v0  }
0x16e: {  	v32 =	vld.idx.msk [tilespmem:v13+s10+$0x0], $0xffff;
	v13 =	vadd.s32 s16, v0  }
0x16f: {  	v29 =	vld.idx.msk [tilespmem:v5+s10+$0x0], $0xffff;
	v5 =	vadd.s32 s29, v0  }
0x170: {  	v30 =	vld.idx.msk [tilespmem:v6+s10+$0x0], $0xffff;
	v6 =	vadd.s32 s30, v0  }
0x171: {  	v33 =	vld.idx.msk [tilespmem:v19+s10+$0x0], $0xffff  }
0x172: {  	v36 =	vld.idx.msk [tilespmem:v17+s10+$0x0], $0xffff  }
0x173: {  	v37 =	vld.idx.msk [tilespmem:v13+s10+$0x0], $0xffff  }
0x174: {  	v34 =	vld.idx.msk [tilespmem:v5+s10+$0x0], $0xffff  }
0x175: {  	v35 =	vld.idx.msk [tilespmem:v6+s10+$0x0], $0xffff  }
0x176: {  	v5 =	vld.idx.msk [tilespmem:v4+s2+$0x0], $0xffff  }
0x177: {  	v6 =	vld.idx.msk [tilespmem:v3+s2+$0x0], $0xffff  }
0x178: {  	v13 =	vld.idx.msk [tilespmem:v10+s2+$0x0], $0xffff  }
0x179: {  	v17 =	vld.idx.msk [tilespmem:v11+s2+$0x0], $0xffff  }
0x17a: {  	v19 =	vld.idx.msk [tilespmem:v7+s2+$0x0], $0xffff  }
0x17b: {  	v20 =	vld.idx.msk [tilespmem:v8+s2+$0x0], $0xffff  }
0x17c: {  	v21 =	vld.idx.msk [tilespmem:v9+s2+$0x0], $0xffff;
	v5 =	vadd.s32 v6, v5  }
0x17d: {  	v6 =	vld.idx.msk [tilespmem:v15+s2+$0x0], $0xffff;
	v5 =	vadd.s32 v13, v5  }
0x17e: {  	v13 =	vld.idx.msk [tilespmem:v16+s2+$0x0], $0xffff;
	v5 =	vadd.s32 v17, v5  }
0x17f: {  	v17 =	vld.idx.msk [tilespmem:v12+s2+$0x0], $0xffff;
	v5 =	vadd.s32 v19, v5  }
0x180: {  	v19 =	vld.idx.msk [tilespmem:v18+s2+$0x0], $0xffff;
	v5 =	vadd.s32 v20, v5  }
0x181: {  	v20 =	vld.idx.msk [tilespmem:v14+s2+$0x0], $0xffff;
	v5 =	vadd.s32 v21, v5  }
0x182: {  	v21 =	vld.idx.msk [tilespmem:v22+s2+$0x0], $0xffff;
	v5 =	vadd.s32 v6, v5  }
0x183: {  	v6 =	vld.idx.msk [tilespmem:v25+s2+$0x0], $0xffff;
	v5 =	vadd.s32 v13, v5  }
0x184: {  	v13 =	vld.idx.msk [tilespmem:v26+s2+$0x0], $0xffff;
	v5 =	vadd.s32 v17, v5  }
0x185: {  	v17 =	vld.idx.msk [tilespmem:v27+s2+$0x0], $0xffff;
	v5 =	vadd.s32 v19, v5  }
0x186: {  	v19 =	vld.idx.msk [tilespmem:v28+s2+$0x0], $0xffff;
	v5 =	vadd.s32 v20, v5  }
0x187: {  	v20 =	vld.idx.msk [tilespmem:v29+s2+$0x0], $0xffff;
	v5 =	vadd.s32 v21, v5  }
0x188: {  	v21 =	vld.idx.msk [tilespmem:v30+s2+$0x0], $0xffff;
	v5 =	vadd.s32 v6, v5  }
0x189: {  	v23 =	vld.idx.msk [tilespmem:v31+s2+$0x0], $0xffff;
	v5 =	vadd.s32 v13, v5  }
0x18a: {  	v24 =	vld.idx.msk [tilespmem:v32+s2+$0x0], $0xffff;
	v5 =	vadd.s32 v17, v5  }
0x18b: {  	v17 =	vld.idx.msk [tilespmem:v33+s2+$0x0], $0xffff;
	v5 =	vadd.s32 v19, v5  }
0x18c: {  	v11 =	vadd.s32 $0xC9, v11;
	v38 =	vld.idx.msk [tilespmem:v34+s2+$0x0], $0xffff;
	v13 =	vadd.s32 v20, v5  }
0x18d: {  	v6 =	vadd.s32 $0xC9, v10;
	v5 =	vadd.s32 $0xC9, v4;
	v4 =	vld.idx.msk [tilespmem:v35+s2+$0x0], $0xffff;
	v10 =	vadd.s32 v21, v13  }
0x18e: {  	v3 =	vadd.s32 $0xC9, v3;
	v13 =	vadd.s32 $0xC9, v7;
	v7 =	vld.idx.msk [tilespmem:v36+s2+$0x0], $0xffff;
	v10 =	vadd.s32 v23, v10  }
0x18f: {  	v19 =	vadd.s32 $0xC9, v8;
	v23 =	vadd.s32 $0xC9, v9;
	v9 =	vld.idx.msk [tilespmem:v37+s2+$0x0], $0xffff;
	v8 =	vadd.s32 v24, v10  }
0x190: {  	v39 =	vadd.s32 s13, v3;
	v20 =	vadd.s32 $0xC9, v16;
	v8 =	vadd.s32 v17, v8  }
0x191: {  	v16 =	vadd.s32 $0xC9, v18;
	v21 =	vadd.s32 $0xC9, v12;
	v8 =	vadd.s32 v38, v8  }
0x192: {  	v12 =	vadd.s32 $0xC9, v25;
	v63 =	vadd.s32 s13, v5;
	v4 =	vadd.s32 v4, v8  }
0x193: {  	v25 =	vadd.s32 $0xC9, v32;
	v32 =	vadd.s32 s13, v11;
	v10 =	vadd.s32 v7, v4  }
0x194: {  	v24 =	vadd.s32 $0xC9, v15;
	v17 =	vadd.s32 $0xC9, v14;
	v9 =	vadd.s32 v9, v10  }
0x195: {  	v14 =	vadd.s32 $0xC9, v22;
	v10 =	vand.u32 $0xFF, v9;
	v15 =	vshrl.u32 v9, $0x8  }
0x196: {  	v18 =	vshrl.u32 v9, $0x10;
	v9 =	vshrl.u32 v9, $0x18;
	v10 =	vadd.s32 $0xFFFFFFE6, v10  }
0x197: {  	v15 =	vand.u32 $0xFF, v15;
	v9 =	vadd.s32 $0xFFFFFFE6, v9;
	v10 =	vcvt.s32.f32 v10  }
0x198: {  	v18 =	vand.u32 $0xFF, v18;
	v15 =	vadd.s32 $0xFFFFFFE6, v15;
	v9 =	vcvt.s32.f32 v9  }
0x199: {  	v7 =	vadd.s32 $0xC9, v27;
	v18 =	vadd.s32 $0xFFFFFFE6, v18;
	v15 =	vcvt.s32.f32 v15;
	[tilespmem:s14+$0xFFFFFE00] =	vst v10  }
0x19a: {  	v27 =	vadd.s32 $0xC9, v31;
	v31 =	vadd.s32 s13, v6;
	v18 =	vcvt.s32.f32 v18;
	[tilespmem:s14+$0x100] =	vst v9  }
0x19b: {  	v22 =	vadd.s32 $0xC9, v33;
	v33 =	vadd.s32 s13, v13;
	v8 =	vadd.s32 $0xC9, v26;
	[tilespmem:s14+$0xFFFFFF00] =	vst v15  }
0x19c: {  	v26 =	vadd.s32 $0xC9, v30;
	v4 =	vadd.s32 $0xC9, v28;
	v28 =	vadd.s32 $0xC9, v29;
	[tilespmem:s14+$0x0] =	vst v18  }
0x19d: {  	s17 =	simm.s32 $0x0;
	v10 =	vadd.s32 $0xC9, v36;
	v18 =	vadd.s32 $0xC9, v34;
	v34 =	vadd.s32 s13, v19;
	v29 =	vld.idx.msk [tilespmem:v63+s2+$0x0], $0xffff  }
0x19e: {  	s18 =	simm.s32 $0xC9;
	s19 =	simm.s32 $0x192;
	s16 =	smov.u32 s14;
	v9 =	vadd.s32 $0xC9, v37;
	v15 =	vadd.s32 $0xC9, v35;
	v35 =	vadd.s32 s13, v23;
	v30 =	vld.idx.msk [tilespmem:v39+s2+$0x0], $0xffff  }
.LBB2_9:
0x19f: {  	p0 =	sne.s32 s19, $0xBC7;
	v31 =	vld.idx.msk [tilespmem:v31+s2+$0x0], $0xffff;
	v36 =	vadd.s32 s17, v24  }
0x1a0: {  	v37 =	vadd.s32 s17, v20;
	v32 =	vld.idx.msk [tilespmem:v32+s2+$0x0], $0xffff  }
0x1a1: {  	v38 =	vadd.s32 s17, v21;
	v33 =	vld.idx.msk [tilespmem:v33+s2+$0x0], $0xffff  }
0x1a2: {  	v39 =	vadd.s32 s17, v16;
	v34 =	vld.idx.msk [tilespmem:v34+s2+$0x0], $0xffff  }
0x1a3: {  	v40 =	vadd.s32 s17, v17;
	v35 =	vld.idx.msk [tilespmem:v35+s2+$0x0], $0xffff  }
0x1a4: {  	v29 =	vadd.s32 v30, v29;
	v30 =	vadd.s32 s17, v14;
	v36 =	vld.idx.msk [tilespmem:v36+s2+$0x0], $0xffff  }
0x1a5: {  	v29 =	vadd.s32 v31, v29;
	v31 =	vadd.s32 s17, v12;
	v37 =	vld.idx.msk [tilespmem:v37+s2+$0x0], $0xffff  }
0x1a6: {  	v29 =	vadd.s32 v32, v29;
	v32 =	vadd.s32 s17, v8;
	v38 =	vld.idx.msk [tilespmem:v38+s2+$0x0], $0xffff  }
0x1a7: {  	v29 =	vadd.s32 v33, v29;
	v33 =	vadd.s32 s17, v7;
	v39 =	vld.idx.msk [tilespmem:v39+s2+$0x0], $0xffff  }
0x1a8: {  	v29 =	vadd.s32 v34, v29;
	v34 =	vadd.s32 s17, v4;
	v40 =	vld.idx.msk [tilespmem:v40+s2+$0x0], $0xffff  }
0x1a9: {  	v29 =	vadd.s32 v35, v29;
	v35 =	vadd.s32 s17, v28;
	v30 =	vld.idx.msk [tilespmem:v30+s2+$0x0], $0xffff  }
0x1aa: {  	v29 =	vadd.s32 v36, v29;
	v36 =	vadd.s32 s17, v26;
	v31 =	vld.idx.msk [tilespmem:v31+s2+$0x0], $0xffff  }
0x1ab: {  	v29 =	vadd.s32 v37, v29;
	v37 =	vadd.s32 s17, v27;
	v32 =	vld.idx.msk [tilespmem:v32+s2+$0x0], $0xffff  }
0x1ac: {  	v29 =	vadd.s32 v38, v29;
	v38 =	vadd.s32 s17, v25;
	v33 =	vld.idx.msk [tilespmem:v33+s2+$0x0], $0xffff  }
0x1ad: {  	v29 =	vadd.s32 v39, v29;
	v39 =	vadd.s32 s17, v22;
	v34 =	vld.idx.msk [tilespmem:v34+s2+$0x0], $0xffff  }
0x1ae: {  	v29 =	vadd.s32 v40, v29;
	v40 =	vadd.s32 s17, v18;
	v35 =	vld.idx.msk [tilespmem:v35+s2+$0x0], $0xffff  }
0x1af: {  	v29 =	vadd.s32 v30, v29;
	v30 =	vadd.s32 s17, v15;
	v36 =	vld.idx.msk [tilespmem:v36+s2+$0x0], $0xffff  }
0x1b0: {  	v29 =	vadd.s32 v31, v29;
	v31 =	vadd.s32 s17, v10;
	v37 =	vld.idx.msk [tilespmem:v37+s2+$0x0], $0xffff  }
0x1b1: {  	v29 =	vadd.s32 v32, v29;
	v32 =	vadd.s32 s17, v9;
	s17 =	smov.u32 s18;
	s18 =	smov.u32 s19;
	v38 =	vld.idx.msk [tilespmem:v38+s2+$0x0], $0xffff  }
0x1b2: {  	v29 =	vadd.s32 v33, v29;
	v39 =	vld.idx.msk [tilespmem:v39+s2+$0x0], $0xffff  }
0x1b3: {  	v29 =	vadd.s32 v34, v29;
	v33 =	vld.idx.msk [tilespmem:v40+s2+$0x0], $0xffff  }
0x1b4: {  	v29 =	vadd.s32 v35, v29;
	v30 =	vld.idx.msk [tilespmem:v30+s2+$0x0], $0xffff  }
0x1b5: {  	v29 =	vadd.s32 v36, v29;
	v31 =	vld.idx.msk [tilespmem:v31+s2+$0x0], $0xffff  }
0x1b6: {  	v29 =	vadd.s32 v37, v29;
	v32 =	vld.idx.msk [tilespmem:v32+s2+$0x0], $0xffff  }
0x1b7: {  	v29 =	vadd.s32 v38, v29  }
0x1b8: {  	v29 =	vadd.s32 v39, v29  }
0x1b9: {  	v29 =	vadd.s32 v33, v29  }
0x1ba: {  	v29 =	vadd.s32 v30, v29  }
0x1bb: {  	v29 =	vadd.s32 v31, v29  }
0x1bc: {  	v30 =	vadd.s32 s17, v5;
	v29 =	vadd.s32 v32, v29  }
0x1bd: {  	v31 =	vand.u32 $0xFF, v29;
	v32 =	vshrl.u32 v29, $0x8;
	v33 =	vshrl.u32 v29, $0x10  }
0x1be: {  	v31 =	vadd.s32 $0xFFFFFFE6, v31;
	v32 =	vand.u32 $0xFF, v32;
	v33 =	vand.u32 $0xFF, v33  }
0x1bf: {  	v31 =	vcvt.s32.f32 v31;
	v32 =	vadd.s32 $0xFFFFFFE6, v32;
	v33 =	vadd.s32 $0xFFFFFFE6, v33  }
0x1c0: {  	s16 =	sadd.s32 $0x10, s16;
	v29 =	vshrl.u32 v29, $0x18;
	v32 =	vcvt.s32.f32 v32;
	v33 =	vcvt.s32.f32 v33  }
0x1c1: {  	v35 =	vadd.s32 s17, v3;
	v29 =	vadd.s32 $0xFFFFFFE6, v29;
	[tilespmem:s16+$0xFFFFFE00] =	vst v31  }
.Ltmp3:
0x1c2: {  	v29 =	vcvt.s32.f32 v29;
	v31 =	vadd.s32 s17, v6;
	[tilespmem:s16+$0xFFFFFF00] =	vst v32;
	(pc) =	sbr.rel @p0 .LBB2_9-.Ltmp3, $4  }
0x1c3: {  	v32 =	vadd.s32 s17, v11;
	[tilespmem:s16+$0x0] =	vst v33  }
0x1c4: {  	v33 =	vadd.s32 s17, v13;
	[tilespmem:s16+$0x100] =	vst v29  }
0x1c5: {  	v34 =	vadd.s32 s17, v19;
	v29 =	vld.idx.msk [tilespmem:v30+s2+$0x0], $0xffff  }
0x1c6: {  	s19 =	sadd.s32 $0xC9, s19;
	v30 =	vld.idx.msk [tilespmem:v35+s2+$0x0], $0xffff;
	v35 =	vadd.s32 s17, v23  }
0x1c7: {  	_ =	sdelay $0x3  }
0x1c8: {  	v3 =	vld.idx.msk [tilespmem:v31+s2+$0x0], $0xffff;
	v5 =	vadd.s32 s17, v24  }
0x1c9: {  	v6 =	vld.idx.msk [tilespmem:v32+s2+$0x0], $0xffff;
	v11 =	vadd.s32 s17, v20  }
0x1ca: {  	v13 =	vld.idx.msk [tilespmem:v33+s2+$0x0], $0xffff;
	v19 =	vadd.s32 s17, v21  }
0x1cb: {  	v41 =	vld.idx.msk [tilespmem:v34+s2+$0x0], $0xffff;
	v16 =	vadd.s32 s17, v16  }
0x1cc: {  	v42 =	vld.idx.msk [tilespmem:v35+s2+$0x0], $0xffff;
	v17 =	vadd.s32 s17, v17;
	v23 =	vadd.s32 v30, v29  }
0x1cd: {  	v14 =	vadd.s32 s17, v14;
	v5 =	vld.idx.msk [tilespmem:v5+s2+$0x0], $0xffff;
	v3 =	vadd.s32 v3, v23  }
0x1ce: {  	v12 =	vadd.s32 s17, v12;
	v11 =	vld.idx.msk [tilespmem:v11+s2+$0x0], $0xffff;
	v3 =	vadd.s32 v6, v3  }
0x1cf: {  	v8 =	vadd.s32 s17, v8;
	v43 =	vld.idx.msk [tilespmem:v19+s2+$0x0], $0xffff;
	v3 =	vadd.s32 v13, v3  }
0x1d0: {  	v7 =	vadd.s32 s17, v7;
	v44 =	vld.idx.msk [tilespmem:v16+s2+$0x0], $0xffff;
	v3 =	vadd.s32 v41, v3  }
0x1d1: {  	v4 =	vadd.s32 s17, v4;
	v45 =	vld.idx.msk [tilespmem:v17+s2+$0x0], $0xffff;
	v3 =	vadd.s32 v42, v3  }
0x1d2: {  	v46 =	vadd.s32 s17, v28;
	v14 =	vld.idx.msk [tilespmem:v14+s2+$0x0], $0xffff;
	v3 =	vadd.s32 v5, v3  }
0x1d3: {  	v48 =	vadd.s32 s17, v26;
	v47 =	vld.idx.msk [tilespmem:v12+s2+$0x0], $0xffff;
	v3 =	vadd.s32 v11, v3  }
0x1d4: {  	v49 =	vadd.s32 s17, v27;
	v8 =	vld.idx.msk [tilespmem:v8+s2+$0x0], $0xffff;
	v3 =	vadd.s32 v43, v3  }
0x1d5: {  	v51 =	vadd.s32 s17, v25;
	v50 =	vld.idx.msk [tilespmem:v7+s2+$0x0], $0xffff;
	v3 =	vadd.s32 v44, v3  }
0x1d6: {  	v52 =	vadd.s32 s17, v22;
	v4 =	vld.idx.msk [tilespmem:v4+s2+$0x0], $0xffff;
	v3 =	vadd.s32 v45, v3  }
0x1d7: {  	v54 =	vadd.s32 s17, v18;
	v53 =	vld.idx.msk [tilespmem:v46+s2+$0x0], $0xffff;
	v3 =	vadd.s32 v14, v3  }
0x1d8: {  	v55 =	vadd.s32 s17, v15;
	v12 =	vld.idx.msk [tilespmem:v48+s2+$0x0], $0xffff;
	v3 =	vadd.s32 v47, v3  }
0x1d9: {  	v10 =	vadd.s32 s17, v10;
	v56 =	vld.idx.msk [tilespmem:v49+s2+$0x0], $0xffff;
	v3 =	vadd.s32 v8, v3  }
0x1da: {  	v57 =	vadd.s32 s17, v9;
	v7 =	vld.idx.msk [tilespmem:v51+s2+$0x0], $0xffff;
	v3 =	vadd.s32 v50, v3  }
0x1db: {  	v58 =	vld.idx.msk [tilespmem:v52+s2+$0x0], $0xffff;
	v3 =	vadd.s32 v4, v3  }
0x1dc: {  	v59 =	vld.idx.msk [tilespmem:v54+s2+$0x0], $0xffff;
	v3 =	vadd.s32 v53, v3  }
0x1dd: {  	v60 =	vld.idx.msk [tilespmem:v55+s2+$0x0], $0xffff;
	v3 =	vadd.s32 v12, v3  }
0x1de: {  	v10 =	vld.idx.msk [tilespmem:v10+s2+$0x0], $0xffff;
	v3 =	vadd.s32 v56, v3  }
0x1df: {  	v61 =	vld.idx.msk [tilespmem:v57+s2+$0x0], $0xffff;
	v3 =	vadd.s32 v7, v3  }
0x1e0: {  	v3 =	vadd.s32 v58, v3  }
0x1e1: {  	v3 =	vadd.s32 v59, v3  }
0x1e2: {  	v3 =	vadd.s32 v60, v3  }
0x1e3: {  	v3 =	vadd.s32 v10, v3  }
0x1e4: {  	v3 =	vadd.s32 v61, v3  }
0x1e5: {  	v62 =	vand.u32 $0xFF, v3;
	v5 =	vshrl.u32 v3, $0x8  }
0x1e6: {  	s15 =	sadd.s32 $0x1, s15;
	v63 =	vshrl.u32 v3, $0x10;
	v3 =	vshrl.u32 v3, $0x18;
	v4 =	vadd.s32 $0xFFFFFFE6, v62  }
0x1e7: {  	p0 =	sne.s32 s15, $0x14;
	v5 =	vand.u32 $0xFF, v5;
	v3 =	vadd.s32 $0xFFFFFFE6, v3;
	v4 =	vcvt.s32.f32 v4  }
.Ltmp4:
0x1e8: {  	s16 =	sadd.s32 $0x10, s16;
	v6 =	vand.u32 $0xFF, v63;
	v5 =	vadd.s32 $0xFFFFFFE6, v5;
	v3 =	vcvt.s32.f32 v3;
	(pc) =	sbr.rel @p0 .LBB2_8-.Ltmp4, $4  }
0x1e9: {  	v6 =	vadd.s32 $0xFFFFFFE6, v6;
	v5 =	vcvt.s32.f32 v5;
	[tilespmem:s16+$0xFFFFFE00] =	vst v4  }
0x1ea: {  	v6 =	vcvt.s32.f32 v6;
	[tilespmem:s16+$0x100] =	vst v3  }
0x1eb: {  	[tilespmem:s16+$0xFFFFFF00] =	vst v5  }
0x1ec: {  	s14 =	sadd.s32 $0x400, s14;
	[tilespmem:s16+$0x0] =	vst v6  }
0x1ed: {  	s13 =	simm.s32 $0x0  }
0x1ee: {  	s14 =	sand.u32 $0x3F0, s13  }
0x1ef: {  	v15 =	vld [tilespmem:s14+$0x17380]  }
0x1f0: {  	v16 =	vld [tilespmem:s14+$0x17780]  }
0x1f1: {  	v17 =	vld [tilespmem:s14+$0x17B80]  }
0x1f2: {  	v18 =	vld [tilespmem:s14+$0x17F80]  }
0x1f3: {  	v33 =	vld [tilespmem:s14+$0x18380]  }
0x1f4: {  	v34 =	vld [tilespmem:s14+$0x18780]  }
0x1f5: {  	v36 =	vld [tilespmem:s14+$0x18B80]  }
0x1f6: {  	v37 =	vld [tilespmem:s14+$0x18F80]  }
0x1f7: {  	v6 =	vld [tilespmem:s14+$0x19380]  }
0x1f8: {  	v7 =	vld [tilespmem:s14+$0x19780]  }
0x1f9: {  	v5 =	vld [tilespmem:s14+$0x19B80]  }
0x1fa: {  	v8 =	vld [tilespmem:s14+$0x19F80]  }
0x1fb: {  	s15 =	simm.s32 $0x3F0;
	s17 =	simm.s32 $0x3D0;
	v3 =	vld [tilespmem:s14+$0x1A380]  }
0x1fc: {  	s15 =	sand.u32 $0x3F0, s15;
	s31 =	sand.u32 $0x3F0, s17;
	v4 =	vld [tilespmem:s14+$0x1A780]  }
0x1fd: {  	s15 =	sadd.s32 $0x16780, s15;
	v25 =	vld [tilespmem:s31+$0x16780]  }
0x1fe: {  	v19 =	vld [tilespmem:s15+$0x800]  }
0x1ff: {  	v20 =	vld [tilespmem:s15+$0xC00]  }
0x200: {  	v21 =	vld [tilespmem:s15+$0x1000]  }
0x201: {  	v22 =	vld [tilespmem:s15+$0x1400]  }
0x202: {  	v29 =	vld [tilespmem:s15+$0x1800]  }
0x203: {  	v30 =	vld [tilespmem:s15+$0x1C00]  }
0x204: {  	v38 =	vld [tilespmem:s15+$0x2000]  }
0x205: {  	v39 =	vld [tilespmem:s15+$0x2400]  }
0x206: {  	v12 =	vld [tilespmem:s15+$0x2800]  }
0x207: {  	v13 =	vld [tilespmem:s15+$0x2C00]  }
0x208: {  	v11 =	vld [tilespmem:s15+$0x3000]  }
0x209: {  	s16 =	simm.s32 $0x3E0;
	v14 =	vld [tilespmem:s15+$0x3400]  }
0x20a: {  	s16 =	sand.u32 $0x3F0, s16;
	v9 =	vld [tilespmem:s15+$0x3800]  }
0x20b: {  	s18 =	sadd.s32 $0x16780, s16;
	v10 =	vld [tilespmem:s15+$0x3C00]  }
0x20c: {  	s19 =	sadd.s32 $0x16780, s31;
	v24 =	vld [tilespmem:s18+$0x400]  }
0x20d: {  	v26 =	vld [tilespmem:s19+$0x400]  }
0x20e: {  	v27 =	vld [tilespmem:s18+$0x800]  }
0x20f: {  	v28 =	vld [tilespmem:s19+$0x800]  }
0x210: {  	v31 =	vld [tilespmem:s18+$0xC00]  }
0x211: {  	v32 =	vld [tilespmem:s19+$0xC00]  }
0x212: {  	v35 =	vld [tilespmem:s18+$0x1000]  }
0x213: {  	v40 =	vld [tilespmem:s19+$0x1000]  }
0x214: {  	v41 =	vld [tilespmem:s18+$0x1400]  }
0x215: {  	v42 =	vld [tilespmem:s19+$0x1400]  }
0x216: {  	v43 =	vld [tilespmem:s18+$0x1800]  }
0x217: {  	v44 =	vld [tilespmem:s19+$0x1800]  }
0x218: {  	v45 =	vld [tilespmem:s18+$0x1C00]  }
0x219: {  	v46 =	vld [tilespmem:s19+$0x1C00]  }
0x21a: {  	v47 =	vld [tilespmem:s18+$0x2000]  }
0x21b: {  	v23 =	vld [tilespmem:s19+$0x2000]  }
0x21c: {  	v48 =	vmul.f32 v24, v25;
	v26 =	vmul.f32 v27, v26;
	v24 =	vld [tilespmem:s18+$0x2400]  }
0x21d: {  	v28 =	vmul.f32 v31, v28;
	v31 =	vmul.f32 v35, v32;
	v25 =	vld [tilespmem:s19+$0x2400]  }
0x21e: {  	v27 =	vld [tilespmem:s18+$0x2800];
	v19 =	vmul.f32 v19, v48;
	v26 =	vmul.f32 v20, v26  }
0x21f: {  	v35 =	vld [tilespmem:s18+$0x3000];
	v21 =	vmul.f32 v21, v28;
	v32 =	vmul.f32 v22, v31  }
0x220: {  	v28 =	vld [tilespmem:s19+$0x2800];
	v20 =	vmul.f32 v15, v19;
	v22 =	vmul.f32 v16, v26  }
0x221: {  	v31 =	vld [tilespmem:s18+$0x2C00];
	v19 =	vmul.f32 v17, v21;
	v21 =	vmul.f32 v18, v32  }
0x222: {  	v32 =	vld [tilespmem:s19+$0x2C00];
	v15 =	vmul.f32 v41, v40;
	v16 =	vmul.f32 v43, v42  }
0x223: {  	v17 =	vmul.f32 v45, v44;
	v18 =	vmul.f32 v47, v46;
	v26 =	vld [tilespmem:s19+$0x3000]  }
0x224: {  	v15 =	vmul.f32 v29, v15;
	v16 =	vmul.f32 v30, v16;
	v29 =	vld [tilespmem:s18+$0x3400]  }
0x225: {  	v38 =	vmul.f32 v38, v17;
	v18 =	vmul.f32 v39, v18;
	v30 =	vld [tilespmem:s19+$0x3400]  }
0x226: {  	v15 =	vmul.f32 v33, v15;
	v17 =	vmul.f32 v34, v16;
	v33 =	vld [tilespmem:s18+$0x3800]  }
0x227: {  	s17 =	simm.s32 $0x0;
	s16 =	simm.s32 $0x1;
	v16 =	vmul.f32 v36, v38;
	v18 =	vmul.f32 v37, v18;
	v34 =	vld [tilespmem:s19+$0x3800]  }
.LBB2_12:
0x228: {  	p0 =	sne.s32 s16, $0x3F;
	v23 =	vmul.f32 v24, v23;
	v24 =	vmul.f32 v27, v25;
	v25 =	vld [tilespmem:s18+$0x3C00]  }
0x229: {  	v27 =	vmul.f32 v31, v28;
	v28 =	vmul.f32 v35, v32;
	v31 =	vld [tilespmem:s19+$0x3C00]  }
0x22a: {  	v12 =	vmul.f32 v12, v23;
	v13 =	vmul.f32 v13, v24;
	v23 =	vld [tilespmem:s18+$0x4000]  }
0x22b: {  	v11 =	vmul.f32 v11, v27;
	v14 =	vmul.f32 v14, v28;
	v24 =	vld [tilespmem:s15+$0x4000]  }
0x22c: {  	v6 =	vmul.f32 v6, v12;
	v7 =	vmul.f32 v7, v13;
	v12 =	vld [tilespmem:s15+$0x4400]  }
0x22d: {  	v5 =	vmul.f32 v5, v11;
	v8 =	vmul.f32 v8, v14;
	v11 =	vld [tilespmem:s14+$0x1AB80]  }
0x22e: {  	v13 =	vmul.f32 v29, v26;
	v14 =	vmul.f32 v33, v30;
	v26 =	vld [tilespmem:s14+$0x1AF80]  }
0x22f: {  	v25 =	vmul.f32 v25, v34;
	v23 =	vmul.f32 v23, v31  }
0x230: {  	v9 =	vmul.f32 v9, v13;
	v10 =	vmul.f32 v10, v14;
	v13 =	vadd.f32 v22, v20  }
0x231: {  	v19 =	vadd.f32 v21, v19;
	v14 =	vmul.f32 v24, v25;
	v12 =	vmul.f32 v12, v23;
	v20 =	vld [tilespmem:s19+$0x4000]  }
0x232: {  	v3 =	vmul.f32 v3, v9;
	v4 =	vmul.f32 v4, v10;
	v10 =	vadd.f32 v17, v15;
	v9 =	vld [tilespmem:s18+$0x4400]  }
0x233: {  	v11 =	vmul.f32 v11, v14;
	v14 =	vadd.f32 v18, v16;
	v12 =	vmul.f32 v26, v12  }
0x234: {  	v6 =	vadd.f32 v7, v6;
	v5 =	vadd.f32 v8, v5;
	v15 =	vld [tilespmem:s15+$0x4800]  }
0x235: {  	v3 =	vadd.f32 v4, v3;
	v4 =	vadd.f32 v12, v11  }
0x236: {  	v8 =	vadd.f32 v19, v13;
	v10 =	vadd.f32 v14, v10;
	v7 =	vld [tilespmem:s14+$0x1B380]  }
0x237: {  	v5 =	vadd.f32 v5, v6;
	v9 =	vmul.f32 v9, v20;
	v3 =	vadd.f32 v4, v3;
	_ =	sdelay $0x1  }
0x238: {  	v6 =	vadd.f32 v10, v8;
	v4 =	vmul.f32 v15, v9;
	v3 =	vadd.f32 v3, v5;
	_ =	sdelay $0x1  }
0x239: {  	v4 =	vmul.f32 v7, v4;
	v3 =	vadd.f32 v3, v6  }
0x23a: {  	v5 =	vor.u32 s13, v2;
	s13 =	smov.u32 s16  }
0x23b: {  	v3 =	vadd.f32 v4, v3;
	_ =	sdelay $0x1  }
0x23c: {  	vm0 =	vgt.f32 v3, $0.0e+00  }
0x23d: {  	s17 =	sadd.s32 $0x10, s17;
	v3 =	vsel vm0, $0x3F800000, v1  }
0x23e: {  	s14 =	sand.u32 $0x3F0, s17;
	[tilespmem:v5+s11+$0x0] =	vst.idx.msk $0xffff, v3  }
0x23f: {  	v19 =	vld [tilespmem:s14+$0x17380]  }
0x240: {  	v21 =	vld [tilespmem:s14+$0x17780]  }
0x241: {  	v26 =	vld [tilespmem:s14+$0x17B80]  }
0x242: {  	v29 =	vld [tilespmem:s14+$0x17F80]  }
0x243: {  	v15 =	vld [tilespmem:s14+$0x18380]  }
0x244: {  	v17 =	vld [tilespmem:s14+$0x18780]  }
0x245: {  	v16 =	vld [tilespmem:s14+$0x18B80]  }
0x246: {  	v18 =	vld [tilespmem:s14+$0x18F80]  }
0x247: {  	v6 =	vld [tilespmem:s14+$0x19380]  }
0x248: {  	v7 =	vld [tilespmem:s14+$0x19780]  }
0x249: {  	v5 =	vld [tilespmem:s14+$0x19B80]  }
0x24a: {  	s15 =	sadd.s32 $0x3F0, s17;
	v8 =	vld [tilespmem:s14+$0x19F80]  }
0x24b: {  	s15 =	sand.u32 $0x3F0, s15;
	v3 =	vld [tilespmem:s14+$0x1A380]  }
0x24c: {  	s15 =	sadd.s32 $0x16780, s15;
	v4 =	vld [tilespmem:s14+$0x1A780]  }
0x24d: {  	v20 =	vld [tilespmem:s15+$0x800]  }
0x24e: {  	v22 =	vld [tilespmem:s15+$0xC00]  }
0x24f: {  	v28 =	vld [tilespmem:s15+$0x1000]  }
0x250: {  	v30 =	vld [tilespmem:s15+$0x1400]  }
0x251: {  	v33 =	vld [tilespmem:s15+$0x1800]  }
0x252: {  	v34 =	vld [tilespmem:s15+$0x1C00]  }
0x253: {  	v36 =	vld [tilespmem:s15+$0x2000]  }
0x254: {  	v37 =	vld [tilespmem:s15+$0x2400]  }
0x255: {  	v12 =	vld [tilespmem:s15+$0x2800]  }
0x256: {  	v13 =	vld [tilespmem:s15+$0x2C00]  }
0x257: {  	v11 =	vld [tilespmem:s15+$0x3000]  }
0x258: {  	s18 =	sadd.s32 $0x3E0, s17;
	v14 =	vld [tilespmem:s15+$0x3400]  }
0x259: {  	s18 =	sand.u32 $0x3F0, s18;
	v9 =	vld [tilespmem:s15+$0x3800]  }
0x25a: {  	s19 =	sadd.s32 $0x3D0, s17;
	s18 =	sadd.s32 $0x16780, s18;
	v10 =	vld [tilespmem:s15+$0x3C00]  }
0x25b: {  	s20 =	sand.u32 $0x3F0, s19;
	v24 =	vld [tilespmem:s18+$0x400]  }
0x25c: {  	s19 =	sadd.s32 $0x16780, s20;
	v25 =	vld [tilespmem:s20+$0x16780]  }
0x25d: {  	v27 =	vld [tilespmem:s19+$0x400]  }
0x25e: {  	v31 =	vld [tilespmem:s18+$0x800]  }
0x25f: {  	v32 =	vld [tilespmem:s19+$0x800]  }
0x260: {  	v35 =	vld [tilespmem:s18+$0xC00]  }
0x261: {  	v38 =	vld [tilespmem:s19+$0xC00]  }
0x262: {  	v39 =	vld [tilespmem:s18+$0x1000]  }
0x263: {  	v40 =	vld [tilespmem:s19+$0x1000]  }
0x264: {  	v41 =	vld [tilespmem:s18+$0x1400]  }
0x265: {  	v42 =	vld [tilespmem:s19+$0x1400]  }
0x266: {  	v43 =	vld [tilespmem:s18+$0x1800]  }
0x267: {  	v44 =	vld [tilespmem:s19+$0x1800]  }
0x268: {  	v45 =	vld [tilespmem:s18+$0x1C00]  }
0x269: {  	v46 =	vld [tilespmem:s19+$0x1C00]  }
0x26a: {  	v47 =	vld [tilespmem:s18+$0x2000]  }
0x26b: {  	v23 =	vld [tilespmem:s19+$0x2000]  }
0x26c: {  	v48 =	vmul.f32 v24, v25;
	v27 =	vmul.f32 v31, v27;
	v24 =	vld [tilespmem:s18+$0x2400]  }
0x26d: {  	v31 =	vmul.f32 v35, v32;
	v32 =	vmul.f32 v39, v38;
	v25 =	vld [tilespmem:s19+$0x2400]  }
0x26e: {  	v20 =	vmul.f32 v20, v48;
	v22 =	vmul.f32 v22, v27;
	v27 =	vld [tilespmem:s18+$0x2800]  }
0x26f: {  	v35 =	vmul.f32 v28, v31;
	v30 =	vmul.f32 v30, v32;
	v28 =	vld [tilespmem:s19+$0x2800]  }
0x270: {  	v20 =	vmul.f32 v19, v20;
	v22 =	vmul.f32 v21, v22;
	v31 =	vld [tilespmem:s18+$0x2C00]  }
0x271: {  	v19 =	vmul.f32 v26, v35;
	v21 =	vmul.f32 v29, v30;
	v32 =	vld [tilespmem:s19+$0x2C00]  }
0x272: {  	v29 =	vmul.f32 v41, v40;
	v30 =	vmul.f32 v43, v42;
	v35 =	vld [tilespmem:s18+$0x3000]  }
.Ltmp5:
0x273: {  	v38 =	vmul.f32 v45, v44;
	v39 =	vmul.f32 v47, v46;
	v26 =	vld [tilespmem:s19+$0x3000];
	(pc) =	sbr.rel @p0 .LBB2_12-.Ltmp5, $4  }
0x274: {  	v33 =	vmul.f32 v33, v29;
	v34 =	vmul.f32 v34, v30;
	v29 =	vld [tilespmem:s18+$0x3400]  }
0x275: {  	v36 =	vmul.f32 v36, v38;
	v37 =	vmul.f32 v37, v39;
	v30 =	vld [tilespmem:s19+$0x3400]  }
0x276: {  	v15 =	vmul.f32 v15, v33;
	v17 =	vmul.f32 v17, v34;
	v33 =	vld [tilespmem:s18+$0x3800]  }
0x277: {  	s16 =	sadd.s32 $0x1, s16;
	v16 =	vmul.f32 v16, v36;
	v18 =	vmul.f32 v18, v37;
	v34 =	vld [tilespmem:s19+$0x3800]  }
0x278: {  	v23 =	vmul.f32 v24, v23;
	v39 =	vmul.f32 v27, v25;
	v40 =	vld [tilespmem:s18+$0x3C00]  }
0x279: {  	v41 =	vmul.f32 v31, v28;
	v42 =	vmul.f32 v35, v32;
	v43 =	vld [tilespmem:s19+$0x3C00]  }
0x27a: {  	v44 =	vld [tilespmem:s18+$0x4000];
	v48 =	vmul.f32 v29, v26;
	v12 =	vmul.f32 v12, v23  }
0x27b: {  	v45 =	vld [tilespmem:s15+$0x4000];
	v13 =	vmul.f32 v13, v39;
	v11 =	vmul.f32 v11, v41  }
0x27c: {  	v46 =	vld [tilespmem:s15+$0x4400];
	v14 =	vmul.f32 v14, v42;
	v49 =	vmul.f32 v33, v30  }
0x27d: {  	v47 =	vld [tilespmem:s14+$0x1AB80];
	v9 =	vmul.f32 v9, v48;
	v6 =	vmul.f32 v6, v12  }
0x27e: {  	v50 =	vld [tilespmem:s14+$0x1AF80];
	v7 =	vmul.f32 v7, v13;
	v5 =	vmul.f32 v5, v11  }
0x27f: {  	v25 =	vmul.f32 v40, v34;
	v23 =	vmul.f32 v44, v43  }
0x280: {  	v51 =	vadd.f32 v22, v20;
	v8 =	vmul.f32 v8, v14;
	v10 =	vmul.f32 v10, v49  }
0x281: {  	v53 =	vld [tilespmem:s19+$0x4000];
	v19 =	vadd.f32 v21, v19;
	v52 =	vmul.f32 v45, v25;
	v12 =	vmul.f32 v46, v23  }
0x282: {  	v54 =	vld [tilespmem:s18+$0x4400];
	v55 =	vadd.f32 v17, v15;
	v3 =	vmul.f32 v3, v9;
	v4 =	vmul.f32 v4, v10  }
0x283: {  	v56 =	vadd.f32 v18, v16;
	v11 =	vmul.f32 v47, v52;
	v12 =	vmul.f32 v50, v12  }
0x284: {  	v57 =	vld [tilespmem:s15+$0x4800];
	v6 =	vadd.f32 v7, v6;
	v5 =	vadd.f32 v8, v5  }
0x285: {  	v3 =	vadd.f32 v4, v3;
	v58 =	vadd.f32 v12, v11  }
0x286: {  	v59 =	vld [tilespmem:s14+$0x1B380];
	v60 =	vadd.f32 v19, v51;
	v10 =	vadd.f32 v56, v55  }
0x287: {  	v9 =	vmul.f32 v54, v53;
	v5 =	vadd.f32 v5, v6;
	v3 =	vadd.f32 v58, v3;
	_ =	sdelay $0x1  }
0x288: {  	v61 =	vmul.f32 v57, v9;
	v62 =	vadd.f32 v10, v60;
	v3 =	vadd.f32 v3, v5;
	_ =	sdelay $0x1  }
0x289: {  	v4 =	vmul.f32 v59, v61;
	v3 =	vadd.f32 v3, v62  }
0x28a: {  	v63 =	vor.u32 s13, v2  }
0x28b: {  	v3 =	vadd.f32 v4, v3;
	_ =	sdelay $0x1  }
0x28c: {  	s12 =	sadd.s32 $0x1, s12;
	vm0 =	vgt.f32 v3, $0.0e+00  }
0x28d: {  	p0 =	sne.s32 s12, s8;
	v3 =	vsel vm0, $0x3F800000, v1  }
.Ltmp6:
0x28e: {  	[tilespmem:v63+s11+$0x0] =	vst.idx.msk $0xffff, v3;
	(pc) =	sbr.rel @p0 .LBB2_1-.Ltmp6, $4  }
0x28f: {  	[hbm4b:s7+s2] =	stream.linear.scatter [tilespmem:s11], [sflag:$0x1], $0x400, $0x38;
	[tilespmem:$0x1BB80] =	vst v63  }
0x290: {  	_ =	swait.ge [sflag:s9], $0x400  }
0x291: {  	[sflag:s9] =	ssyncset.done $0x0  }
0x292: {  	[sflag:s9] =	ssyncadd.s32 $0xFFFFFC00  }
0x293: {  	_ =	sfence.sel $0x180000  }
0x294: {  	[bflag:$0x0] =	sbarrier.arrive $0xFFFF  }
0x295: {  	p0 =	sne.s32 s1, $0x0;
	_ =	strace $0x90000047  }
0x296: {  	s0 =	sadd.s32 @!p0 $0x100000, s0;
	[bflag:$0x2] =	sbarrier.arrive $0xFFFF  }
0x297: {  	[sflag:s0] =	ssyncadd.tile.s32 @!p0 $0x1;
	_ =	shalt  }
.Lfunc_end2:
_tile_overlayer_lowered:
.L_overlay_start_2:
0x298: {  	(tag) =	ssettag $0x2  }
0x299: {  	s0 =	rddreg [dreg:$0x0];
	s2 =	stileid.u32  }
0x29a: {  	s1 =	rddreg [dreg:$0x1];
	p0 =	sne.s32 s2, $0x0  }
0x29b: {  	s3 =	rddreg [dreg:$0x2];
	[bflag:$0x3] =	sbarrier.arrive $0xFFFF;
	s2 =	simm.s32 @!p0 $0x1C01  }
0x29c: {  	[timem:s3], [sflag:s2] =	dma.local @!p0 [hbm:s0], s1  }
0x29d: {  	s0 =	simm.s32 @!p0 $0x1  }
0x29e: {  	_ =	swait.ge @!p0 [sflag:s0], s1  }
0x29f: {  	s1 =	ssub.s32 @!p0 $0x0, s1;
	[sflag:s0] =	ssyncset.done @!p0 $0x0  }
0x2a0: {  	[sflag:s0] =	ssyncadd.s32 @!p0 s1  }
0x2a1: {  	[bflag:$0x3] =	sbarrier.arrive $0xFFFF  }
0x2a2: {  	_ =	shalt  }

</sc_bundles>
